<compile_context>
chip_gen: v7x
topology: tpu7x:2x2x1
jax: 0.10.2.dev20260603
libtpu: 0.0.44.dev20260713+nightly
codegen_flags: <defaults>
</compile_context>

<pallas_src>
import functools

import jax
import jax.numpy as jnp
from jax import lax
from jax.experimental import pallas as pl
from jax.experimental.pallas import tpu as pltpu
from jax.experimental.pallas import tpu_sc as plsc

_NUM_WORKERS = 32
_CHUNK = 128
_NBUF = 8
_DIM = 32


@functools.partial(jax.jit, static_argnums=(2, 3))
def _emb_lookup(idx_t, weight, n_rows, n_tok):
    bs_per_w = n_rows // _NUM_WORKERS
    blocks_per_w = bs_per_w // _CHUNK
    n_chunks = n_tok * blocks_per_w
    n_groups = n_chunks // _NBUF
    mesh = plsc.VectorSubcoreMesh(core_axis_name="c", subcore_axis_name="s")

    @functools.partial(
        pl.kernel,
        out_type=jax.ShapeDtypeStruct((n_tok, n_rows, _DIM), jnp.float32),
        mesh=mesh,
        scratch_types=[
            pltpu.VMEM((n_tok, bs_per_w), jnp.int32),
            pltpu.VMEM((2, _NBUF, _CHUNK, _DIM), jnp.float32),
            pltpu.SemaphoreType.DMA((2,)),
            pltpu.SemaphoreType.DMA((2,)),
        ],
        compiler_params=pltpu.CompilerParams(use_tc_tiling_on_sc=False),
    )
    def body(idx_hbm, table_hbm, out_hbm, idx_v, sbuf, gsem, ssem):
        wid = lax.axis_index("s") * 2 + lax.axis_index("c")
        base = wid * bs_per_w
        pltpu.sync_copy(idx_hbm.at[:, pl.ds(base, bs_per_w)], idx_v)

        def gather_desc(j, b, sb):
            c = j * _NBUF + b
            t = lax.rem(c, n_tok)
            blk = c // n_tok
            return pltpu.make_async_copy(
                table_hbm.at[idx_v.at[t, pl.ds(blk * _CHUNK, _CHUNK)]],
                sbuf.at[sb, b],
                gsem.at[sb],
            )

        def scatter_desc(j, b, sb):
            c = j * _NBUF + b
            t = lax.rem(c, n_tok)
            blk = c // n_tok
            return pltpu.make_async_copy(
                sbuf.at[sb, b],
                out_hbm.at[t, pl.ds(base + blk * _CHUNK, _CHUNK)],
                ssem.at[sb],
            )

        def launch_gathers(j, sb):
            for b in range(_NBUF):
                gather_desc(j, b, sb).start()

        def wait_gathers(j, sb):
            for b in range(_NBUF):
                gather_desc(j, b, sb).wait()

        def launch_scatters(j, sb):
            for b in range(_NBUF):
                scatter_desc(j, b, sb).start()

        def wait_scatters(j, sb):
            for b in range(_NBUF):
                scatter_desc(j, b, sb).wait()

        launch_gathers(0, 0)

        def group(g, carry):
            sb = lax.rem(g, 2)
            wait_gathers(g, sb)
            launch_scatters(g, sb)

            @pl.when(g + 1 < n_groups)
            def _():
                @pl.when(g >= 1)
                def _():
                    wait_scatters(g - 1, 1 - sb)

                launch_gathers(g + 1, 1 - sb)

            return carry

        lax.fori_loop(0, n_groups, group, 0)
        wait_scatters(n_groups - 2, n_groups % 2)
        wait_scatters(n_groups - 1, (n_groups - 1) % 2)

    return body(idx_t, weight)


def kernel(token_ids, weight):
    n_rows, n_tok = token_ids.shape
    idx_t = jnp.maximum(token_ids.astype(jnp.int32), 0).T
    out_t = _emb_lookup(idx_t, weight, n_rows, n_tok)
    return out_t.transpose(1, 0, 2)

# --- scband reference (transcript-rebuilt; emitter-appended) ---
"""Pipeline reference for scband-embedding-47132971106972 (READ-ONLY COPY).

The authoritative reference and input builder live on the scoring server;
editing this copy changes nothing except your own understanding.
"""

import jax, jax.numpy as jnp
import numpy as np

NUM_EMBEDDINGS = 1000000
EMBEDDING_DIM = 32

def setup_inputs(seed: int = 0) -> dict:
    key = jax.random.key(seed)
    k1, k2 = jax.random.split(key)
    token_ids = jax.random.randint(k1, (16384, 20), 0, NUM_EMBEDDINGS, dtype=jnp.int64)
    # trunc_normal init, std=1, clipped to [-3, 3]
    weight = jax.random.truncated_normal(k2, -3.0, 3.0, (NUM_EMBEDDINGS, EMBEDDING_DIM), dtype=jnp.float32)
    return {"token_ids": token_ids, "weight": weight}

def reference(token_ids, weight):
    # Embedding lookup: weight[token_ids]
    return jnp.take(weight, token_ids, axis=0)

if __name__ == "__main__":
    import jax
    _d = setup_inputs()
    print(jax.jit(kernel)(*tuple(_d.values())))

</pallas_src>

<mosaic_0001>
#map = affine_map<(d0, d1) -> (0, 0)>
#map1 = affine_map<(d0, d1) -> (0, 0, 0)>
module attributes {stable_mosaic.version = 14 : i64} {
  func.func @body(%arg0: i32, %arg1: i32, %arg2: memref<20x16384xi32, #tpu.memory_space<hbm>>, %arg3: memref<1000000x32xf32, #tpu.memory_space<hbm>>, %arg4: memref<20x16384x32xf32, #tpu.memory_space<hbm>>, %arg5: memref<20x512xi32, #tpu.memory_space<vmem>>, %arg6: memref<2x8x128x32xf32, #tpu.memory_space<vmem>>, %arg7: memref<2x!tpu.dma_semaphore, #tpu.memory_space<semaphore_mem>>, %arg8: memref<2x!tpu.dma_semaphore, #tpu.memory_space<semaphore_mem>>) attributes {dimension_semantics = [#tpu.dimension_semantics<core_parallel>, #tpu.dimension_semantics<subcore_parallel>], iteration_bounds = array<i64: 2, 16>, scalar_prefetch = 0 : i64, scratch_operands = 4 : i64, tpu.core_type = #tpu.core_type<sc_vector_subcore>, window_params = [{transform_indices = #map}, {transform_indices = #map}, {transform_indices = #map1}]} {
    %mul3A = arith.constant 2 : i32
    %mul3A_0 = arith.muli %arg1, %mul3A : i32
    %add3A = arith.addi %mul3A_0, %arg0 : i32
    %mul3A_1 = arith.constant 512 : i32
    %mul3A_2 = arith.muli %add3A, %mul3A_1 : i32
    "tpu.region"() ({
      %run_scoped3A = tpu.sem_alloc : memref<!tpu.dma_semaphore, #tpu.memory_space<semaphore_mem>>
      %dma_start3A_533 = arith.constant 0 : i32
      %dma_start3A_534 = tpu.memref_slice %arg2[%dma_start3A_533, %mul3A_2] : memref<20x16384xi32, #tpu.memory_space<hbm>> -> memref<20x512xi32, #tpu.memory_space<hbm>>
      %dma_start3A_535 = arith.constant 0 : i32
      %dma_start3A_536 = tpu.memref_slice %arg2[%dma_start3A_535, %mul3A_2] : memref<20x16384xi32, #tpu.memory_space<hbm>> -> memref<20x512xi32, #tpu.memory_space<hbm>>
      tpu.enqueue_dma source(%dma_start3A_536 : memref<20x512xi32, #tpu.memory_space<hbm>>) target(%arg5 : memref<20x512xi32, #tpu.memory_space<vmem>>) target_semaphore(%run_scoped3A : memref<!tpu.dma_semaphore, #tpu.memory_space<semaphore_mem>>)
      %dma_wait3A_537 = arith.constant 0 : i32
      %dma_wait3A_538 = tpu.memref_slice %arg2[%dma_wait3A_537, %mul3A_2] : memref<20x16384xi32, #tpu.memory_space<hbm>> -> memref<20x512xi32, #tpu.memory_space<hbm>>
      %dma_wait3A_539 = arith.constant 0 : i32
      %dma_wait3A_540 = tpu.memref_slice %arg2[%dma_wait3A_539, %mul3A_2] : memref<20x16384xi32, #tpu.memory_space<hbm>> -> memref<20x512xi32, #tpu.memory_space<hbm>>
      tpu.wait_dma2 semaphore(%run_scoped3A : memref<!tpu.dma_semaphore, #tpu.memory_space<semaphore_mem>>) src(%dma_wait3A_540 : memref<20x512xi32, #tpu.memory_space<hbm>>) dst(%arg5 : memref<20x512xi32, #tpu.memory_space<vmem>>)
      tpu.yield
    }) : () -> ()
    %rem3A = arith.constant 0 : i32
    %rem3A_3 = arith.constant 20 : i32
    %rem3A_4 = arith.remsi %rem3A, %rem3A_3 : i32
    %dma_start3A = arith.constant 0 : i32
    %dma_start3A_5 = arith.constant 0 : i32
    %dma_start3A_6 = arith.constant 0 : i32
    %dma_start3A_7 = arith.constant 0 : i32
    %dma_start3A_8 = arith.constant 0 : i32
    %dma_start3A_9 = tpu.memref_slice %arg6[%dma_start3A, %dma_start3A_5, %dma_start3A_7, %dma_start3A_8] : memref<2x8x128x32xf32, #tpu.memory_space<vmem>> -> memref<1x1x128x32xf32, #tpu.memory_space<vmem>>
    %dma_start3A_10 = tpu.memref_squeeze %dma_start3A_9 : memref<1x1x128x32xf32, #tpu.memory_space<vmem>> -> memref<128x32xf32, #tpu.memory_space<vmem>>
    %dma_start3A_11 = arith.constant 0 : i32
    %dma_start3A_12 = tpu.memref_slice %arg5[%rem3A_4, %dma_start3A_11] : memref<20x512xi32, #tpu.memory_space<vmem>> -> memref<1x128xi32, #tpu.memory_space<vmem>>
    %dma_start3A_13 = tpu.memref_squeeze %dma_start3A_12 : memref<1x128xi32, #tpu.memory_space<vmem>> -> memref<128xi32, #tpu.memory_space<vmem>>
    %dma_start3A_14 = arith.constant 0 : i32
    %dma_start3A_15 = arith.constant 0 : i32
    %dma_start3A_16 = tpu.memref_slice %arg3[%dma_start3A_14, %dma_start3A_15] : memref<1000000x32xf32, #tpu.memory_space<hbm>> -> memref<1000000x32xf32, #tpu.memory_space<hbm>>
    %dma_start3A_17 = tpu.memref_slice %arg7[%dma_start3A_6] : memref<2x!tpu.dma_semaphore, #tpu.memory_space<semaphore_mem>> -> memref<1x!tpu.dma_semaphore, #tpu.memory_space<semaphore_mem>>
    %dma_start3A_18 = tpu.memref_squeeze %dma_start3A_17 : memref<1x!tpu.dma_semaphore, #tpu.memory_space<semaphore_mem>> -> memref<!tpu.dma_semaphore, #tpu.memory_space<semaphore_mem>>
    tpu.enqueue_indirect_dma source(%dma_start3A_16 : memref<1000000x32xf32, #tpu.memory_space<hbm>>) target(%dma_start3A_10 : memref<128x32xf32, #tpu.memory_space<vmem>>) offsets(%dma_start3A_13 : memref<128xi32, #tpu.memory_space<vmem>>) semaphore(%dma_start3A_18 : memref<!tpu.dma_semaphore, #tpu.memory_space<semaphore_mem>>)
    %rem3A_19 = arith.constant 1 : i32
    %rem3A_20 = arith.constant 20 : i32
    %rem3A_21 = arith.remsi %rem3A_19, %rem3A_20 : i32
    %dma_start3A_22 = arith.constant 0 : i32
    %dma_start3A_23 = arith.constant 1 : i32
    %dma_start3A_24 = arith.constant 0 : i32
    %dma_start3A_25 = arith.constant 0 : i32
    %dma_start3A_26 = arith.constant 0 : i32
    %dma_start3A_27 = tpu.memref_slice %arg6[%dma_start3A_22, %dma_start3A_23, %dma_start3A_25, %dma_start3A_26] : memref<2x8x128x32xf32, #tpu.memory_space<vmem>> -> memref<1x1x128x32xf32, #tpu.memory_space<vmem>>
    %dma_start3A_28 = tpu.memref_squeeze %dma_start3A_27 : memref<1x1x128x32xf32, #tpu.memory_space<vmem>> -> memref<128x32xf32, #tpu.memory_space<vmem>>
    %dma_start3A_29 = arith.constant 0 : i32
    %dma_start3A_30 = tpu.memref_slice %arg5[%rem3A_21, %dma_start3A_29] : memref<20x512xi32, #tpu.memory_space<vmem>> -> memref<1x128xi32, #tpu.memory_space<vmem>>
    %dma_start3A_31 = tpu.memref_squeeze %dma_start3A_30 : memref<1x128xi32, #tpu.memory_space<vmem>> -> memref<128xi32, #tpu.memory_space<vmem>>
    %dma_start3A_32 = arith.constant 0 : i32
    %dma_start3A_33 = arith.constant 0 : i32
    %dma_start3A_34 = tpu.memref_slice %arg3[%dma_start3A_32, %dma_start3A_33] : memref<1000000x32xf32, #tpu.memory_space<hbm>> -> memref<1000000x32xf32, #tpu.memory_space<hbm>>
    %dma_start3A_35 = tpu.memref_slice %arg7[%dma_start3A_24] : memref<2x!tpu.dma_semaphore, #tpu.memory_space<semaphore_mem>> -> memref<1x!tpu.dma_semaphore, #tpu.memory_space<semaphore_mem>>
    %dma_start3A_36 = tpu.memref_squeeze %dma_start3A_35 : memref<1x!tpu.dma_semaphore, #tpu.memory_space<semaphore_mem>> -> memref<!tpu.dma_semaphore, #tpu.memory_space<semaphore_mem>>
    tpu.enqueue_indirect_dma source(%dma_start3A_34 : memref<1000000x32xf32, #tpu.memory_space<hbm>>) target(%dma_start3A_28 : memref<128x32xf32, #tpu.memory_space<vmem>>) offsets(%dma_start3A_31 : memref<128xi32, #tpu.memory_space<vmem>>) semaphore(%dma_start3A_36 : memref<!tpu.dma_semaphore, #tpu.memory_space<semaphore_mem>>)
    %rem3A_37 = arith.constant 2 : i32
    %rem3A_38 = arith.constant 20 : i32
    %rem3A_39 = arith.remsi %rem3A_37, %rem3A_38 : i32
    %dma_start3A_40 = arith.constant 0 : i32
    %dma_start3A_41 = arith.constant 2 : i32
    %dma_start3A_42 = arith.constant 0 : i32
    %dma_start3A_43 = arith.constant 0 : i32
    %dma_start3A_44 = arith.constant 0 : i32
    %dma_start3A_45 = tpu.memref_slice %arg6[%dma_start3A_40, %dma_start3A_41, %dma_start3A_43, %dma_start3A_44] : memref<2x8x128x32xf32, #tpu.memory_space<vmem>> -> memref<1x1x128x32xf32, #tpu.memory_space<vmem>>
    %dma_start3A_46 = tpu.memref_squeeze %dma_start3A_45 : memref<1x1x128x32xf32, #tpu.memory_space<vmem>> -> memref<128x32xf32, #tpu.memory_space<vmem>>
    %dma_start3A_47 = arith.constant 0 : i32
    %dma_start3A_48 = tpu.memref_slice %arg5[%rem3A_39, %dma_start3A_47] : memref<20x512xi32, #tpu.memory_space<vmem>> -> memref<1x128xi32, #tpu.memory_space<vmem>>
    %dma_start3A_49 = tpu.memref_squeeze %dma_start3A_48 : memref<1x128xi32, #tpu.memory_space<vmem>> -> memref<128xi32, #tpu.memory_space<vmem>>
    %dma_start3A_50 = arith.constant 0 : i32
    %dma_start3A_51 = arith.constant 0 : i32
    %dma_start3A_52 = tpu.memref_slice %arg3[%dma_start3A_50, %dma_start3A_51] : memref<1000000x32xf32, #tpu.memory_space<hbm>> -> memref<1000000x32xf32, #tpu.memory_space<hbm>>
    %dma_start3A_53 = tpu.memref_slice %arg7[%dma_start3A_42] : memref<2x!tpu.dma_semaphore, #tpu.memory_space<semaphore_mem>> -> memref<1x!tpu.dma_semaphore, #tpu.memory_space<semaphore_mem>>
    %dma_start3A_54 = tpu.memref_squeeze %dma_start3A_53 : memref<1x!tpu.dma_semaphore, #tpu.memory_space<semaphore_mem>> -> memref<!tpu.dma_semaphore, #tpu.memory_space<semaphore_mem>>
    tpu.enqueue_indirect_dma source(%dma_start3A_52 : memref<1000000x32xf32, #tpu.memory_space<hbm>>) target(%dma_start3A_46 : memref<128x32xf32, #tpu.memory_space<vmem>>) offsets(%dma_start3A_49 : memref<128xi32, #tpu.memory_space<vmem>>) semaphore(%dma_start3A_54 : memref<!tpu.dma_semaphore, #tpu.memory_space<semaphore_mem>>)
    %rem3A_55 = arith.constant 3 : i32
    %rem3A_56 = arith.constant 20 : i32
    %rem3A_57 = arith.remsi %rem3A_55, %rem3A_56 : i32
    %dma_start3A_58 = arith.constant 0 : i32
    %dma_start3A_59 = arith.constant 3 : i32
    %dma_start3A_60 = arith.constant 0 : i32
    %dma_start3A_61 = arith.constant 0 : i32
    %dma_start3A_62 = arith.constant 0 : i32
    %dma_start3A_63 = tpu.memref_slice %arg6[%dma_start3A_58, %dma_start3A_59, %dma_start3A_61, %dma_start3A_62] : memref<2x8x128x32xf32, #tpu.memory_space<vmem>> -> memref<1x1x128x32xf32, #tpu.memory_space<vmem>>
    %dma_start3A_64 = tpu.memref_squeeze %dma_start3A_63 : memref<1x1x128x32xf32, #tpu.memory_space<vmem>> -> memref<128x32xf32, #tpu.memory_space<vmem>>
    %dma_start3A_65 = arith.constant 0 : i32
    %dma_start3A_66 = tpu.memref_slice %arg5[%rem3A_57, %dma_start3A_65] : memref<20x512xi32, #tpu.memory_space<vmem>> -> memref<1x128xi32, #tpu.memory_space<vmem>>
    %dma_start3A_67 = tpu.memref_squeeze %dma_start3A_66 : memref<1x128xi32, #tpu.memory_space<vmem>> -> memref<128xi32, #tpu.memory_space<vmem>>
    %dma_start3A_68 = arith.constant 0 : i32
    %dma_start3A_69 = arith.constant 0 : i32
    %dma_start3A_70 = tpu.memref_slice %arg3[%dma_start3A_68, %dma_start3A_69] : memref<1000000x32xf32, #tpu.memory_space<hbm>> -> memref<1000000x32xf32, #tpu.memory_space<hbm>>
    %dma_start3A_71 = tpu.memref_slice %arg7[%dma_start3A_60] : memref<2x!tpu.dma_semaphore, #tpu.memory_space<semaphore_mem>> -> memref<1x!tpu.dma_semaphore, #tpu.memory_space<semaphore_mem>>
    %dma_start3A_72 = tpu.memref_squeeze %dma_start3A_71 : memref<1x!tpu.dma_semaphore, #tpu.memory_space<semaphore_mem>> -> memref<!tpu.dma_semaphore, #tpu.memory_space<semaphore_mem>>
    tpu.enqueue_indirect_dma source(%dma_start3A_70 : memref<1000000x32xf32, #tpu.memory_space<hbm>>) target(%dma_start3A_64 : memref<128x32xf32, #tpu.memory_space<vmem>>) offsets(%dma_start3A_67 : memref<128xi32, #tpu.memory_space<vmem>>) semaphore(%dma_start3A_72 : memref<!tpu.dma_semaphore, #tpu.memory_space<semaphore_mem>>)
    %rem3A_73 = arith.constant 4 : i32
    %rem3A_74 = arith.constant 20 : i32
    %rem3A_75 = arith.remsi %rem3A_73, %rem3A_74 : i32
    %dma_start3A_76 = arith.constant 0 : i32
    %dma_start3A_77 = arith.constant 4 : i32
    %dma_start3A_78 = arith.constant 0 : i32
    %dma_start3A_79 = arith.constant 0 : i32
    %dma_start3A_80 = arith.constant 0 : i32
    %dma_start3A_81 = tpu.memref_slice %arg6[%dma_start3A_76, %dma_start3A_77, %dma_start3A_79, %dma_start3A_80] : memref<2x8x128x32xf32, #tpu.memory_space<vmem>> -> memref<1x1x128x32xf32, #tpu.memory_space<vmem>>
    %dma_start3A_82 = tpu.memref_squeeze %dma_start3A_81 : memref<1x1x128x32xf32, #tpu.memory_space<vmem>> -> memref<128x32xf32, #tpu.memory_space<vmem>>
    %dma_start3A_83 = arith.constant 0 : i32
    %dma_start3A_84 = tpu.memref_slice %arg5[%rem3A_75, %dma_start3A_83] : memref<20x512xi32, #tpu.memory_space<vmem>> -> memref<1x128xi32, #tpu.memory_space<vmem>>
    %dma_start3A_85 = tpu.memref_squeeze %dma_start3A_84 : memref<1x128xi32, #tpu.memory_space<vmem>> -> memref<128xi32, #tpu.memory_space<vmem>>
    %dma_start3A_86 = arith.constant 0 : i32
    %dma_start3A_87 = arith.constant 0 : i32
    %dma_start3A_88 = tpu.memref_slice %arg3[%dma_start3A_86, %dma_start3A_87] : memref<1000000x32xf32, #tpu.memory_space<hbm>> -> memref<1000000x32xf32, #tpu.memory_space<hbm>>
    %dma_start3A_89 = tpu.memref_slice %arg7[%dma_start3A_78] : memref<2x!tpu.dma_semaphore, #tpu.memory_space<semaphore_mem>> -> memref<1x!tpu.dma_semaphore, #tpu.memory_space<semaphore_mem>>
    %dma_start3A_90 = tpu.memref_squeeze %dma_start3A_89 : memref<1x!tpu.dma_semaphore, #tpu.memory_space<semaphore_mem>> -> memref<!tpu.dma_semaphore, #tpu.memory_space<semaphore_mem>>
    tpu.enqueue_indirect_dma source(%dma_start3A_88 : memref<1000000x32xf32, #tpu.memory_space<hbm>>) target(%dma_start3A_82 : memref<128x32xf32, #tpu.memory_space<vmem>>) offsets(%dma_start3A_85 : memref<128xi32, #tpu.memory_space<vmem>>) semaphore(%dma_start3A_90 : memref<!tpu.dma_semaphore, #tpu.memory_space<semaphore_mem>>)
    %rem3A_91 = arith.constant 5 : i32
    %rem3A_92 = arith.constant 20 : i32
    %rem3A_93 = arith.remsi %rem3A_91, %rem3A_92 : i32
    %dma_start3A_94 = arith.constant 0 : i32
    %dma_start3A_95 = arith.constant 5 : i32
    %dma_start3A_96 = arith.constant 0 : i32
    %dma_start3A_97 = arith.constant 0 : i32
    %dma_start3A_98 = arith.constant 0 : i32
    %dma_start3A_99 = tpu.memref_slice %arg6[%dma_start3A_94, %dma_start3A_95, %dma_start3A_97, %dma_start3A_98] : memref<2x8x128x32xf32, #tpu.memory_space<vmem>> -> memref<1x1x128x32xf32, #tpu.memory_space<vmem>>
    %dma_start3A_100 = tpu.memref_squeeze %dma_start3A_99 : memref<1x1x128x32xf32, #tpu.memory_space<vmem>> -> memref<128x32xf32, #tpu.memory_space<vmem>>
    %dma_start3A_101 = arith.constant 0 : i32
    %dma_start3A_102 = tpu.memref_slice %arg5[%rem3A_93, %dma_start3A_101] : memref<20x512xi32, #tpu.memory_space<vmem>> -> memref<1x128xi32, #tpu.memory_space<vmem>>
    %dma_start3A_103 = tpu.memref_squeeze %dma_start3A_102 : memref<1x128xi32, #tpu.memory_space<vmem>> -> memref<128xi32, #tpu.memory_space<vmem>>
    %dma_start3A_104 = arith.constant 0 : i32
    %dma_start3A_105 = arith.constant 0 : i32
    %dma_start3A_106 = tpu.memref_slice %arg3[%dma_start3A_104, %dma_start3A_105] : memref<1000000x32xf32, #tpu.memory_space<hbm>> -> memref<1000000x32xf32, #tpu.memory_space<hbm>>
    %dma_start3A_107 = tpu.memref_slice %arg7[%dma_start3A_96] : memref<2x!tpu.dma_semaphore, #tpu.memory_space<semaphore_mem>> -> memref<1x!tpu.dma_semaphore, #tpu.memory_space<semaphore_mem>>
    %dma_start3A_108 = tpu.memref_squeeze %dma_start3A_107 : memref<1x!tpu.dma_semaphore, #tpu.memory_space<semaphore_mem>> -> memref<!tpu.dma_semaphore, #tpu.memory_space<semaphore_mem>>
    tpu.enqueue_indirect_dma source(%dma_start3A_106 : memref<1000000x32xf32, #tpu.memory_space<hbm>>) target(%dma_start3A_100 : memref<128x32xf32, #tpu.memory_space<vmem>>) offsets(%dma_start3A_103 : memref<128xi32, #tpu.memory_space<vmem>>) semaphore(%dma_start3A_108 : memref<!tpu.dma_semaphore, #tpu.memory_space<semaphore_mem>>)
    %rem3A_109 = arith.constant 6 : i32
    %rem3A_110 = arith.constant 20 : i32
    %rem3A_111 = arith.remsi %rem3A_109, %rem3A_110 : i32
    %dma_start3A_112 = arith.constant 0 : i32
    %dma_start3A_113 = arith.constant 6 : i32
    %dma_start3A_114 = arith.constant 0 : i32
    %dma_start3A_115 = arith.constant 0 : i32
    %dma_start3A_116 = arith.constant 0 : i32
    %dma_start3A_117 = tpu.memref_slice %arg6[%dma_start3A_112, %dma_start3A_113, %dma_start3A_115, %dma_start3A_116] : memref<2x8x128x32xf32, #tpu.memory_space<vmem>> -> memref<1x1x128x32xf32, #tpu.memory_space<vmem>>
    %dma_start3A_118 = tpu.memref_squeeze %dma_start3A_117 : memref<1x1x128x32xf32, #tpu.memory_space<vmem>> -> memref<128x32xf32, #tpu.memory_space<vmem>>
    %dma_start3A_119 = arith.constant 0 : i32
    %dma_start3A_120 = tpu.memref_slice %arg5[%rem3A_111, %dma_start3A_119] : memref<20x512xi32, #tpu.memory_space<vmem>> -> memref<1x128xi32, #tpu.memory_space<vmem>>
    %dma_start3A_121 = tpu.memref_squeeze %dma_start3A_120 : memref<1x128xi32, #tpu.memory_space<vmem>> -> memref<128xi32, #tpu.memory_space<vmem>>
    %dma_start3A_122 = arith.constant 0 : i32
    %dma_start3A_123 = arith.constant 0 : i32
    %dma_start3A_124 = tpu.memref_slice %arg3[%dma_start3A_122, %dma_start3A_123] : memref<1000000x32xf32, #tpu.memory_space<hbm>> -> memref<1000000x32xf32, #tpu.memory_space<hbm>>
    %dma_start3A_125 = tpu.memref_slice %arg7[%dma_start3A_114] : memref<2x!tpu.dma_semaphore, #tpu.memory_space<semaphore_mem>> -> memref<1x!tpu.dma_semaphore, #tpu.memory_space<semaphore_mem>>
    %dma_start3A_126 = tpu.memref_squeeze %dma_start3A_125 : memref<1x!tpu.dma_semaphore, #tpu.memory_space<semaphore_mem>> -> memref<!tpu.dma_semaphore, #tpu.memory_space<semaphore_mem>>
    tpu.enqueue_indirect_dma source(%dma_start3A_124 : memref<1000000x32xf32, #tpu.memory_space<hbm>>) target(%dma_start3A_118 : memref<128x32xf32, #tpu.memory_space<vmem>>) offsets(%dma_start3A_121 : memref<128xi32, #tpu.memory_space<vmem>>) semaphore(%dma_start3A_126 : memref<!tpu.dma_semaphore, #tpu.memory_space<semaphore_mem>>)
    %rem3A_127 = arith.constant 7 : i32
    %rem3A_128 = arith.constant 20 : i32
    %rem3A_129 = arith.remsi %rem3A_127, %rem3A_128 : i32
    %dma_start3A_130 = arith.constant 0 : i32
    %dma_start3A_131 = arith.constant 7 : i32
    %dma_start3A_132 = arith.constant 0 : i32
    %dma_start3A_133 = arith.constant 0 : i32
    %dma_start3A_134 = arith.constant 0 : i32
    %dma_start3A_135 = tpu.memref_slice %arg6[%dma_start3A_130, %dma_start3A_131, %dma_start3A_133, %dma_start3A_134] : memref<2x8x128x32xf32, #tpu.memory_space<vmem>> -> memref<1x1x128x32xf32, #tpu.memory_space<vmem>>
    %dma_start3A_136 = tpu.memref_squeeze %dma_start3A_135 : memref<1x1x128x32xf32, #tpu.memory_space<vmem>> -> memref<128x32xf32, #tpu.memory_space<vmem>>
    %dma_start3A_137 = arith.constant 0 : i32
    %dma_start3A_138 = tpu.memref_slice %arg5[%rem3A_129, %dma_start3A_137] : memref<20x512xi32, #tpu.memory_space<vmem>> -> memref<1x128xi32, #tpu.memory_space<vmem>>
    %dma_start3A_139 = tpu.memref_squeeze %dma_start3A_138 : memref<1x128xi32, #tpu.memory_space<vmem>> -> memref<128xi32, #tpu.memory_space<vmem>>
    %dma_start3A_140 = arith.constant 0 : i32
    %dma_start3A_141 = arith.constant 0 : i32
    %dma_start3A_142 = tpu.memref_slice %arg3[%dma_start3A_140, %dma_start3A_141] : memref<1000000x32xf32, #tpu.memory_space<hbm>> -> memref<1000000x32xf32, #tpu.memory_space<hbm>>
    %dma_start3A_143 = tpu.memref_slice %arg7[%dma_start3A_132] : memref<2x!tpu.dma_semaphore, #tpu.memory_space<semaphore_mem>> -> memref<1x!tpu.dma_semaphore, #tpu.memory_space<semaphore_mem>>
    %dma_start3A_144 = tpu.memref_squeeze %dma_start3A_143 : memref<1x!tpu.dma_semaphore, #tpu.memory_space<semaphore_mem>> -> memref<!tpu.dma_semaphore, #tpu.memory_space<semaphore_mem>>
    tpu.enqueue_indirect_dma source(%dma_start3A_142 : memref<1000000x32xf32, #tpu.memory_space<hbm>>) target(%dma_start3A_136 : memref<128x32xf32, #tpu.memory_space<vmem>>) offsets(%dma_start3A_139 : memref<128xi32, #tpu.memory_space<vmem>>) semaphore(%dma_start3A_144 : memref<!tpu.dma_semaphore, #tpu.memory_space<semaphore_mem>>)
    %scan3A = arith.constant 0 : i32
    %scan3A_145 = arith.constant 0 : i32
    %scan3A_146 = arith.constant 10 : i32
    %scan3A_147 = arith.addi %scan3A_145, %scan3A_146 : i32
    %scan3A_148 = arith.constant 1 : i32
    scf.for %scan3A_533 = %scan3A_145 to %scan3A_147 step %scan3A_148  : i32 {
      %rem3A_534 = arith.constant 2 : i32
      %rem3A_535 = arith.remsi %scan3A_533, %rem3A_534 : i32
      %mul3A_536 = arith.constant 8 : i32
      %mul3A_537 = arith.muli %scan3A_533, %mul3A_536 : i32
      %add3A_538 = arith.constant 0 : i32
      %add3A_539 = arith.addi %mul3A_537, %add3A_538 : i32
      %rem3A_540 = arith.constant 20 : i32
      %rem3A_541 = arith.remsi %add3A_539, %rem3A_540 : i32
      %jit3A = arith.constant 20 : i32
      %div3A = arith.divsi %add3A_539, %jit3A : i32
      %sign3A = arith.constant 0 : i32
      %sign3A_542 = arith.cmpi sgt, %add3A_539, %sign3A : i32
      %sign3A_543 = arith.extui %sign3A_542 : i1 to i32
      %sign3A_544 = arith.constant 0 : i32
      %sign3A_545 = arith.cmpi slt, %add3A_539, %sign3A_544 : i32
      %sign3A_546 = arith.extui %sign3A_545 : i1 to i32
      %sign3A_547 = arith.subi %sign3A_543, %sign3A_546 : i32
      %sign3A_548 = arith.constant 0 : i32
      %sign3A_549 = arith.cmpi sgt, %jit3A, %sign3A_548 : i32
      %sign3A_550 = arith.extui %sign3A_549 : i1 to i32
      %sign3A_551 = arith.constant 0 : i32
      %sign3A_552 = arith.cmpi slt, %jit3A, %sign3A_551 : i32
      %sign3A_553 = arith.extui %sign3A_552 : i1 to i32
      %sign3A_554 = arith.subi %sign3A_550, %sign3A_553 : i32
      %ne3A = arith.cmpi ne, %sign3A_547, %sign3A_554 : i32
      %rem3A_555 = arith.remsi %add3A_539, %jit3A : i32
      %ne3A_556 = arith.constant 0 : i32
      %ne3A_557 = arith.cmpi ne, %rem3A_555, %ne3A_556 : i32
      %and3A = arith.andi %ne3A, %ne3A_557 : i1
      %sub3A = arith.constant 1 : i32
      %sub3A_558 = arith.subi %div3A, %sub3A : i32
      %select_n3A = arith.select %and3A, %sub3A_558, %div3A : i32
      %mul3A_559 = arith.constant 128 : i32
      %mul3A_560 = arith.muli %select_n3A, %mul3A_559 : i32
      %dma_wait3A_561 = arith.constant 0 : i32
      %dma_wait3A_562 = arith.constant 0 : i32
      %dma_wait3A_563 = arith.constant 0 : i32
      %dma_wait3A_564 = tpu.memref_slice %arg6[%rem3A_535, %dma_wait3A_561, %dma_wait3A_562, %dma_wait3A_563] : memref<2x8x128x32xf32, #tpu.memory_space<vmem>> -> memref<1x1x128x32xf32, #tpu.memory_space<vmem>>
      %dma_wait3A_565 = tpu.memref_squeeze %dma_wait3A_564 : memref<1x1x128x32xf32, #tpu.memory_space<vmem>> -> memref<128x32xf32, #tpu.memory_space<vmem>>
      %dma_wait3A_566 = tpu.memref_slice %arg5[%rem3A_541, %mul3A_560] : memref<20x512xi32, #tpu.memory_space<vmem>> -> memref<1x128xi32, #tpu.memory_space<vmem>>
      %dma_wait3A_567 = tpu.memref_squeeze %dma_wait3A_566 : memref<1x128xi32, #tpu.memory_space<vmem>> -> memref<128xi32, #tpu.memory_space<vmem>>
      %dma_wait3A_568 = arith.constant 0 : i32
      %dma_wait3A_569 = arith.constant 0 : i32
      %dma_wait3A_570 = tpu.memref_slice %arg3[%dma_wait3A_568, %dma_wait3A_569] : memref<1000000x32xf32, #tpu.memory_space<hbm>> -> memref<1000000x32xf32, #tpu.memory_space<hbm>>
      %dma_wait3A_571 = tpu.memref_slice %arg7[%rem3A_535] : memref<2x!tpu.dma_semaphore, #tpu.memory_space<semaphore_mem>> -> memref<1x!tpu.dma_semaphore, #tpu.memory_space<semaphore_mem>>
      %dma_wait3A_572 = tpu.memref_squeeze %dma_wait3A_571 : memref<1x!tpu.dma_semaphore, #tpu.memory_space<semaphore_mem>> -> memref<!tpu.dma_semaphore, #tpu.memory_space<semaphore_mem>>
      tpu.wait_indirect_dma semaphore(%dma_wait3A_572 : memref<!tpu.dma_semaphore, #tpu.memory_space<semaphore_mem>>) src(%dma_wait3A_570 : memref<1000000x32xf32, #tpu.memory_space<hbm>>) dst(%dma_wait3A_565 : memref<128x32xf32, #tpu.memory_space<vmem>>)
      %mul3A_573 = arith.constant 8 : i32
      %mul3A_574 = arith.muli %scan3A_533, %mul3A_573 : i32
      %add3A_575 = arith.constant 1 : i32
      %add3A_576 = arith.addi %mul3A_574, %add3A_575 : i32
      %rem3A_577 = arith.constant 20 : i32
      %rem3A_578 = arith.remsi %add3A_576, %rem3A_577 : i32
      %jit3A_579 = arith.constant 20 : i32
      %div3A_580 = arith.divsi %add3A_576, %jit3A_579 : i32
      %sign3A_581 = arith.constant 0 : i32
      %sign3A_582 = arith.cmpi sgt, %add3A_576, %sign3A_581 : i32
      %sign3A_583 = arith.extui %sign3A_582 : i1 to i32
      %sign3A_584 = arith.constant 0 : i32
      %sign3A_585 = arith.cmpi slt, %add3A_576, %sign3A_584 : i32
      %sign3A_586 = arith.extui %sign3A_585 : i1 to i32
      %sign3A_587 = arith.subi %sign3A_583, %sign3A_586 : i32
      %sign3A_588 = arith.constant 0 : i32
      %sign3A_589 = arith.cmpi sgt, %jit3A_579, %sign3A_588 : i32
      %sign3A_590 = arith.extui %sign3A_589 : i1 to i32
      %sign3A_591 = arith.constant 0 : i32
      %sign3A_592 = arith.cmpi slt, %jit3A_579, %sign3A_591 : i32
      %sign3A_593 = arith.extui %sign3A_592 : i1 to i32
      %sign3A_594 = arith.subi %sign3A_590, %sign3A_593 : i32
      %ne3A_595 = arith.cmpi ne, %sign3A_587, %sign3A_594 : i32
      %rem3A_596 = arith.remsi %add3A_576, %jit3A_579 : i32
      %ne3A_597 = arith.constant 0 : i32
      %ne3A_598 = arith.cmpi ne, %rem3A_596, %ne3A_597 : i32
      %and3A_599 = arith.andi %ne3A_595, %ne3A_598 : i1
      %sub3A_600 = arith.constant 1 : i32
      %sub3A_601 = arith.subi %div3A_580, %sub3A_600 : i32
      %select_n3A_602 = arith.select %and3A_599, %sub3A_601, %div3A_580 : i32
      %mul3A_603 = arith.constant 128 : i32
      %mul3A_604 = arith.muli %select_n3A_602, %mul3A_603 : i32
      %dma_wait3A_605 = arith.constant 1 : i32
      %dma_wait3A_606 = arith.constant 0 : i32
      %dma_wait3A_607 = arith.constant 0 : i32
      %dma_wait3A_608 = tpu.memref_slice %arg6[%rem3A_535, %dma_wait3A_605, %dma_wait3A_606, %dma_wait3A_607] : memref<2x8x128x32xf32, #tpu.memory_space<vmem>> -> memref<1x1x128x32xf32, #tpu.memory_space<vmem>>
      %dma_wait3A_609 = tpu.memref_squeeze %dma_wait3A_608 : memref<1x1x128x32xf32, #tpu.memory_space<vmem>> -> memref<128x32xf32, #tpu.memory_space<vmem>>
      %dma_wait3A_610 = tpu.memref_slice %arg5[%rem3A_578, %mul3A_604] : memref<20x512xi32, #tpu.memory_space<vmem>> -> memref<1x128xi32, #tpu.memory_space<vmem>>
      %dma_wait3A_611 = tpu.memref_squeeze %dma_wait3A_610 : memref<1x128xi32, #tpu.memory_space<vmem>> -> memref<128xi32, #tpu.memory_space<vmem>>
      %dma_wait3A_612 = arith.constant 0 : i32
      %dma_wait3A_613 = arith.constant 0 : i32
      %dma_wait3A_614 = tpu.memref_slice %arg3[%dma_wait3A_612, %dma_wait3A_613] : memref<1000000x32xf32, #tpu.memory_space<hbm>> -> memref<1000000x32xf32, #tpu.memory_space<hbm>>
      %dma_wait3A_615 = tpu.memref_slice %arg7[%rem3A_535] : memref<2x!tpu.dma_semaphore, #tpu.memory_space<semaphore_mem>> -> memref<1x!tpu.dma_semaphore, #tpu.memory_space<semaphore_mem>>
      %dma_wait3A_616 = tpu.memref_squeeze %dma_wait3A_615 : memref<1x!tpu.dma_semaphore, #tpu.memory_space<semaphore_mem>> -> memref<!tpu.dma_semaphore, #tpu.memory_space<semaphore_mem>>
      tpu.wait_indirect_dma semaphore(%dma_wait3A_616 : memref<!tpu.dma_semaphore, #tpu.memory_space<semaphore_mem>>) src(%dma_wait3A_614 : memref<1000000x32xf32, #tpu.memory_space<hbm>>) dst(%dma_wait3A_609 : memref<128x32xf32, #tpu.memory_space<vmem>>)
      %mul3A_617 = arith.constant 8 : i32
      %mul3A_618 = arith.muli %scan3A_533, %mul3A_617 : i32
      %add3A_619 = arith.constant 2 : i32
      %add3A_620 = arith.addi %mul3A_618, %add3A_619 : i32
      %rem3A_621 = arith.constant 20 : i32
      %rem3A_622 = arith.remsi %add3A_620, %rem3A_621 : i32
      %jit3A_623 = arith.constant 20 : i32
      %div3A_624 = arith.divsi %add3A_620, %jit3A_623 : i32
      %sign3A_625 = arith.constant 0 : i32
      %sign3A_626 = arith.cmpi sgt, %add3A_620, %sign3A_625 : i32
      %sign3A_627 = arith.extui %sign3A_626 : i1 to i32
      %sign3A_628 = arith.constant 0 : i32
      %sign3A_629 = arith.cmpi slt, %add3A_620, %sign3A_628 : i32
      %sign3A_630 = arith.extui %sign3A_629 : i1 to i32
      %sign3A_631 = arith.subi %sign3A_627, %sign3A_630 : i32
      %sign3A_632 = arith.constant 0 : i32
      %sign3A_633 = arith.cmpi sgt, %jit3A_623, %sign3A_632 : i32
      %sign3A_634 = arith.extui %sign3A_633 : i1 to i32
      %sign3A_635 = arith.constant 0 : i32
      %sign3A_636 = arith.cmpi slt, %jit3A_623, %sign3A_635 : i32
      %sign3A_637 = arith.extui %sign3A_636 : i1 to i32
      %sign3A_638 = arith.subi %sign3A_634, %sign3A_637 : i32
      %ne3A_639 = arith.cmpi ne, %sign3A_631, %sign3A_638 : i32
      %rem3A_640 = arith.remsi %add3A_620, %jit3A_623 : i32
      %ne3A_641 = arith.constant 0 : i32
      %ne3A_642 = arith.cmpi ne, %rem3A_640, %ne3A_641 : i32
      %and3A_643 = arith.andi %ne3A_639, %ne3A_642 : i1
      %sub3A_644 = arith.constant 1 : i32
      %sub3A_645 = arith.subi %div3A_624, %sub3A_644 : i32
      %select_n3A_646 = arith.select %and3A_643, %sub3A_645, %div3A_624 : i32
      %mul3A_647 = arith.constant 128 : i32
      %mul3A_648 = arith.muli %select_n3A_646, %mul3A_647 : i32
      %dma_wait3A_649 = arith.constant 2 : i32
      %dma_wait3A_650 = arith.constant 0 : i32
      %dma_wait3A_651 = arith.constant 0 : i32
      %dma_wait3A_652 = tpu.memref_slice %arg6[%rem3A_535, %dma_wait3A_649, %dma_wait3A_650, %dma_wait3A_651] : memref<2x8x128x32xf32, #tpu.memory_space<vmem>> -> memref<1x1x128x32xf32, #tpu.memory_space<vmem>>
      %dma_wait3A_653 = tpu.memref_squeeze %dma_wait3A_652 : memref<1x1x128x32xf32, #tpu.memory_space<vmem>> -> memref<128x32xf32, #tpu.memory_space<vmem>>
      %dma_wait3A_654 = tpu.memref_slice %arg5[%rem3A_622, %mul3A_648] : memref<20x512xi32, #tpu.memory_space<vmem>> -> memref<1x128xi32, #tpu.memory_space<vmem>>
      %dma_wait3A_655 = tpu.memref_squeeze %dma_wait3A_654 : memref<1x128xi32, #tpu.memory_space<vmem>> -> memref<128xi32, #tpu.memory_space<vmem>>
      %dma_wait3A_656 = arith.constant 0 : i32
      %dma_wait3A_657 = arith.constant 0 : i32
      %dma_wait3A_658 = tpu.memref_slice %arg3[%dma_wait3A_656, %dma_wait3A_657] : memref<1000000x32xf32, #tpu.memory_space<hbm>> -> memref<1000000x32xf32, #tpu.memory_space<hbm>>
      %dma_wait3A_659 = tpu.memref_slice %arg7[%rem3A_535] : memref<2x!tpu.dma_semaphore, #tpu.memory_space<semaphore_mem>> -> memref<1x!tpu.dma_semaphore, #tpu.memory_space<semaphore_mem>>
      %dma_wait3A_660 = tpu.memref_squeeze %dma_wait3A_659 : memref<1x!tpu.dma_semaphore, #tpu.memory_space<semaphore_mem>> -> memref<!tpu.dma_semaphore, #tpu.memory_space<semaphore_mem>>
      tpu.wait_indirect_dma semaphore(%dma_wait3A_660 : memref<!tpu.dma_semaphore, #tpu.memory_space<semaphore_mem>>) src(%dma_wait3A_658 : memref<1000000x32xf32, #tpu.memory_space<hbm>>) dst(%dma_wait3A_653 : memref<128x32xf32, #tpu.memory_space<vmem>>)
      %mul3A_661 = arith.constant 8 : i32
      %mul3A_662 = arith.muli %scan3A_533, %mul3A_661 : i32
      %add3A_663 = arith.constant 3 : i32
      %add3A_664 = arith.addi %mul3A_662, %add3A_663 : i32
      %rem3A_665 = arith.constant 20 : i32
      %rem3A_666 = arith.remsi %add3A_664, %rem3A_665 : i32
      %jit3A_667 = arith.constant 20 : i32
      %div3A_668 = arith.divsi %add3A_664, %jit3A_667 : i32
      %sign3A_669 = arith.constant 0 : i32
      %sign3A_670 = arith.cmpi sgt, %add3A_664, %sign3A_669 : i32
      %sign3A_671 = arith.extui %sign3A_670 : i1 to i32
      %sign3A_672 = arith.constant 0 : i32
      %sign3A_673 = arith.cmpi slt, %add3A_664, %sign3A_672 : i32
      %sign3A_674 = arith.extui %sign3A_673 : i1 to i32
      %sign3A_675 = arith.subi %sign3A_671, %sign3A_674 : i32
      %sign3A_676 = arith.constant 0 : i32
      %sign3A_677 = arith.cmpi sgt, %jit3A_667, %sign3A_676 : i32
      %sign3A_678 = arith.extui %sign3A_677 : i1 to i32
      %sign3A_679 = arith.constant 0 : i32
      %sign3A_680 = arith.cmpi slt, %jit3A_667, %sign3A_679 : i32
      %sign3A_681 = arith.extui %sign3A_680 : i1 to i32
      %sign3A_682 = arith.subi %sign3A_678, %sign3A_681 : i32
      %ne3A_683 = arith.cmpi ne, %sign3A_675, %sign3A_682 : i32
      %rem3A_684 = arith.remsi %add3A_664, %jit3A_667 : i32
      %ne3A_685 = arith.constant 0 : i32
      %ne3A_686 = arith.cmpi ne, %rem3A_684, %ne3A_685 : i32
      %and3A_687 = arith.andi %ne3A_683, %ne3A_686 : i1
      %sub3A_688 = arith.constant 1 : i32
      %sub3A_689 = arith.subi %div3A_668, %sub3A_688 : i32
      %select_n3A_690 = arith.select %and3A_687, %sub3A_689, %div3A_668 : i32
      %mul3A_691 = arith.constant 128 : i32
      %mul3A_692 = arith.muli %select_n3A_690, %mul3A_691 : i32
      %dma_wait3A_693 = arith.constant 3 : i32
      %dma_wait3A_694 = arith.constant 0 : i32
      %dma_wait3A_695 = arith.constant 0 : i32
      %dma_wait3A_696 = tpu.memref_slice %arg6[%rem3A_535, %dma_wait3A_693, %dma_wait3A_694, %dma_wait3A_695] : memref<2x8x128x32xf32, #tpu.memory_space<vmem>> -> memref<1x1x128x32xf32, #tpu.memory_space<vmem>>
      %dma_wait3A_697 = tpu.memref_squeeze %dma_wait3A_696 : memref<1x1x128x32xf32, #tpu.memory_space<vmem>> -> memref<128x32xf32, #tpu.memory_space<vmem>>
      %dma_wait3A_698 = tpu.memref_slice %arg5[%rem3A_666, %mul3A_692] : memref<20x512xi32, #tpu.memory_space<vmem>> -> memref<1x128xi32, #tpu.memory_space<vmem>>
      %dma_wait3A_699 = tpu.memref_squeeze %dma_wait3A_698 : memref<1x128xi32, #tpu.memory_space<vmem>> -> memref<128xi32, #tpu.memory_space<vmem>>
      %dma_wait3A_700 = arith.constant 0 : i32
      %dma_wait3A_701 = arith.constant 0 : i32
      %dma_wait3A_702 = tpu.memref_slice %arg3[%dma_wait3A_700, %dma_wait3A_701] : memref<1000000x32xf32, #tpu.memory_space<hbm>> -> memref<1000000x32xf32, #tpu.memory_space<hbm>>
      %dma_wait3A_703 = tpu.memref_slice %arg7[%rem3A_535] : memref<2x!tpu.dma_semaphore, #tpu.memory_space<semaphore_mem>> -> memref<1x!tpu.dma_semaphore, #tpu.memory_space<semaphore_mem>>
      %dma_wait3A_704 = tpu.memref_squeeze %dma_wait3A_703 : memref<1x!tpu.dma_semaphore, #tpu.memory_space<semaphore_mem>> -> memref<!tpu.dma_semaphore, #tpu.memory_space<semaphore_mem>>
      tpu.wait_indirect_dma semaphore(%dma_wait3A_704 : memref<!tpu.dma_semaphore, #tpu.memory_space<semaphore_mem>>) src(%dma_wait3A_702 : memref<1000000x32xf32, #tpu.memory_space<hbm>>) dst(%dma_wait3A_697 : memref<128x32xf32, #tpu.memory_space<vmem>>)
      %mul3A_705 = arith.constant 8 : i32
      %mul3A_706 = arith.muli %scan3A_533, %mul3A_705 : i32
      %add3A_707 = arith.constant 4 : i32
      %add3A_708 = arith.addi %mul3A_706, %add3A_707 : i32
      %rem3A_709 = arith.constant 20 : i32
      %rem3A_710 = arith.remsi %add3A_708, %rem3A_709 : i32
      %jit3A_711 = arith.constant 20 : i32
      %div3A_712 = arith.divsi %add3A_708, %jit3A_711 : i32
      %sign3A_713 = arith.constant 0 : i32
      %sign3A_714 = arith.cmpi sgt, %add3A_708, %sign3A_713 : i32
      %sign3A_715 = arith.extui %sign3A_714 : i1 to i32
      %sign3A_716 = arith.constant 0 : i32
      %sign3A_717 = arith.cmpi slt, %add3A_708, %sign3A_716 : i32
      %sign3A_718 = arith.extui %sign3A_717 : i1 to i32
      %sign3A_719 = arith.subi %sign3A_715, %sign3A_718 : i32
      %sign3A_720 = arith.constant 0 : i32
      %sign3A_721 = arith.cmpi sgt, %jit3A_711, %sign3A_720 : i32
      %sign3A_722 = arith.extui %sign3A_721 : i1 to i32
      %sign3A_723 = arith.constant 0 : i32
      %sign3A_724 = arith.cmpi slt, %jit3A_711, %sign3A_723 : i32
      %sign3A_725 = arith.extui %sign3A_724 : i1 to i32
      %sign3A_726 = arith.subi %sign3A_722, %sign3A_725 : i32
      %ne3A_727 = arith.cmpi ne, %sign3A_719, %sign3A_726 : i32
      %rem3A_728 = arith.remsi %add3A_708, %jit3A_711 : i32
      %ne3A_729 = arith.constant 0 : i32
      %ne3A_730 = arith.cmpi ne, %rem3A_728, %ne3A_729 : i32
      %and3A_731 = arith.andi %ne3A_727, %ne3A_730 : i1
      %sub3A_732 = arith.constant 1 : i32
      %sub3A_733 = arith.subi %div3A_712, %sub3A_732 : i32
      %select_n3A_734 = arith.select %and3A_731, %sub3A_733, %div3A_712 : i32
      %mul3A_735 = arith.constant 128 : i32
      %mul3A_736 = arith.muli %select_n3A_734, %mul3A_735 : i32
      %dma_wait3A_737 = arith.constant 4 : i32
      %dma_wait3A_738 = arith.constant 0 : i32
      %dma_wait3A_739 = arith.constant 0 : i32
      %dma_wait3A_740 = tpu.memref_slice %arg6[%rem3A_535, %dma_wait3A_737, %dma_wait3A_738, %dma_wait3A_739] : memref<2x8x128x32xf32, #tpu.memory_space<vmem>> -> memref<1x1x128x32xf32, #tpu.memory_space<vmem>>
      %dma_wait3A_741 = tpu.memref_squeeze %dma_wait3A_740 : memref<1x1x128x32xf32, #tpu.memory_space<vmem>> -> memref<128x32xf32, #tpu.memory_space<vmem>>
      %dma_wait3A_742 = tpu.memref_slice %arg5[%rem3A_710, %mul3A_736] : memref<20x512xi32, #tpu.memory_space<vmem>> -> memref<1x128xi32, #tpu.memory_space<vmem>>
      %dma_wait3A_743 = tpu.memref_squeeze %dma_wait3A_742 : memref<1x128xi32, #tpu.memory_space<vmem>> -> memref<128xi32, #tpu.memory_space<vmem>>
      %dma_wait3A_744 = arith.constant 0 : i32
      %dma_wait3A_745 = arith.constant 0 : i32
      %dma_wait3A_746 = tpu.memref_slice %arg3[%dma_wait3A_744, %dma_wait3A_745] : memref<1000000x32xf32, #tpu.memory_space<hbm>> -> memref<1000000x32xf32, #tpu.memory_space<hbm>>
      %dma_wait3A_747 = tpu.memref_slice %arg7[%rem3A_535] : memref<2x!tpu.dma_semaphore, #tpu.memory_space<semaphore_mem>> -> memref<1x!tpu.dma_semaphore, #tpu.memory_space<semaphore_mem>>
      %dma_wait3A_748 = tpu.memref_squeeze %dma_wait3A_747 : memref<1x!tpu.dma_semaphore, #tpu.memory_space<semaphore_mem>> -> memref<!tpu.dma_semaphore, #tpu.memory_space<semaphore_mem>>
      tpu.wait_indirect_dma semaphore(%dma_wait3A_748 : memref<!tpu.dma_semaphore, #tpu.memory_space<semaphore_mem>>) src(%dma_wait3A_746 : memref<1000000x32xf32, #tpu.memory_space<hbm>>) dst(%dma_wait3A_741 : memref<128x32xf32, #tpu.memory_space<vmem>>)
      %mul3A_749 = arith.constant 8 : i32
      %mul3A_750 = arith.muli %scan3A_533, %mul3A_749 : i32
      %add3A_751 = arith.constant 5 : i32
      %add3A_752 = arith.addi %mul3A_750, %add3A_751 : i32
      %rem3A_753 = arith.constant 20 : i32
      %rem3A_754 = arith.remsi %add3A_752, %rem3A_753 : i32
      %jit3A_755 = arith.constant 20 : i32
      %div3A_756 = arith.divsi %add3A_752, %jit3A_755 : i32
      %sign3A_757 = arith.constant 0 : i32
      %sign3A_758 = arith.cmpi sgt, %add3A_752, %sign3A_757 : i32
      %sign3A_759 = arith.extui %sign3A_758 : i1 to i32
      %sign3A_760 = arith.constant 0 : i32
      %sign3A_761 = arith.cmpi slt, %add3A_752, %sign3A_760 : i32
      %sign3A_762 = arith.extui %sign3A_761 : i1 to i32
      %sign3A_763 = arith.subi %sign3A_759, %sign3A_762 : i32
      %sign3A_764 = arith.constant 0 : i32
      %sign3A_765 = arith.cmpi sgt, %jit3A_755, %sign3A_764 : i32
      %sign3A_766 = arith.extui %sign3A_765 : i1 to i32
      %sign3A_767 = arith.constant 0 : i32
      %sign3A_768 = arith.cmpi slt, %jit3A_755, %sign3A_767 : i32
      %sign3A_769 = arith.extui %sign3A_768 : i1 to i32
      %sign3A_770 = arith.subi %sign3A_766, %sign3A_769 : i32
      %ne3A_771 = arith.cmpi ne, %sign3A_763, %sign3A_770 : i32
      %rem3A_772 = arith.remsi %add3A_752, %jit3A_755 : i32
      %ne3A_773 = arith.constant 0 : i32
      %ne3A_774 = arith.cmpi ne, %rem3A_772, %ne3A_773 : i32
      %and3A_775 = arith.andi %ne3A_771, %ne3A_774 : i1
      %sub3A_776 = arith.constant 1 : i32
      %sub3A_777 = arith.subi %div3A_756, %sub3A_776 : i32
      %select_n3A_778 = arith.select %and3A_775, %sub3A_777, %div3A_756 : i32
      %mul3A_779 = arith.constant 128 : i32
      %mul3A_780 = arith.muli %select_n3A_778, %mul3A_779 : i32
      %dma_wait3A_781 = arith.constant 5 : i32
      %dma_wait3A_782 = arith.constant 0 : i32
      %dma_wait3A_783 = arith.constant 0 : i32
      %dma_wait3A_784 = tpu.memref_slice %arg6[%rem3A_535, %dma_wait3A_781, %dma_wait3A_782, %dma_wait3A_783] : memref<2x8x128x32xf32, #tpu.memory_space<vmem>> -> memref<1x1x128x32xf32, #tpu.memory_space<vmem>>
      %dma_wait3A_785 = tpu.memref_squeeze %dma_wait3A_784 : memref<1x1x128x32xf32, #tpu.memory_space<vmem>> -> memref<128x32xf32, #tpu.memory_space<vmem>>
      %dma_wait3A_786 = tpu.memref_slice %arg5[%rem3A_754, %mul3A_780] : memref<20x512xi32, #tpu.memory_space<vmem>> -> memref<1x128xi32, #tpu.memory_space<vmem>>
      %dma_wait3A_787 = tpu.memref_squeeze %dma_wait3A_786 : memref<1x128xi32, #tpu.memory_space<vmem>> -> memref<128xi32, #tpu.memory_space<vmem>>
      %dma_wait3A_788 = arith.constant 0 : i32
      %dma_wait3A_789 = arith.constant 0 : i32
      %dma_wait3A_790 = tpu.memref_slice %arg3[%dma_wait3A_788, %dma_wait3A_789] : memref<1000000x32xf32, #tpu.memory_space<hbm>> -> memref<1000000x32xf32, #tpu.memory_space<hbm>>
      %dma_wait3A_791 = tpu.memref_slice %arg7[%rem3A_535] : memref<2x!tpu.dma_semaphore, #tpu.memory_space<semaphore_mem>> -> memref<1x!tpu.dma_semaphore, #tpu.memory_space<semaphore_mem>>
      %dma_wait3A_792 = tpu.memref_squeeze %dma_wait3A_791 : memref<1x!tpu.dma_semaphore, #tpu.memory_space<semaphore_mem>> -> memref<!tpu.dma_semaphore, #tpu.memory_space<semaphore_mem>>
      tpu.wait_indirect_dma semaphore(%dma_wait3A_792 : memref<!tpu.dma_semaphore, #tpu.memory_space<semaphore_mem>>) src(%dma_wait3A_790 : memref<1000000x32xf32, #tpu.memory_space<hbm>>) dst(%dma_wait3A_785 : memref<128x32xf32, #tpu.memory_space<vmem>>)
      %mul3A_793 = arith.constant 8 : i32
      %mul3A_794 = arith.muli %scan3A_533, %mul3A_793 : i32
      %add3A_795 = arith.constant 6 : i32
      %add3A_796 = arith.addi %mul3A_794, %add3A_795 : i32
      %rem3A_797 = arith.constant 20 : i32
      %rem3A_798 = arith.remsi %add3A_796, %rem3A_797 : i32
      %jit3A_799 = arith.constant 20 : i32
      %div3A_800 = arith.divsi %add3A_796, %jit3A_799 : i32
      %sign3A_801 = arith.constant 0 : i32
      %sign3A_802 = arith.cmpi sgt, %add3A_796, %sign3A_801 : i32
      %sign3A_803 = arith.extui %sign3A_802 : i1 to i32
      %sign3A_804 = arith.constant 0 : i32
      %sign3A_805 = arith.cmpi slt, %add3A_796, %sign3A_804 : i32
      %sign3A_806 = arith.extui %sign3A_805 : i1 to i32
      %sign3A_807 = arith.subi %sign3A_803, %sign3A_806 : i32
      %sign3A_808 = arith.constant 0 : i32
      %sign3A_809 = arith.cmpi sgt, %jit3A_799, %sign3A_808 : i32
      %sign3A_810 = arith.extui %sign3A_809 : i1 to i32
      %sign3A_811 = arith.constant 0 : i32
      %sign3A_812 = arith.cmpi slt, %jit3A_799, %sign3A_811 : i32
      %sign3A_813 = arith.extui %sign3A_812 : i1 to i32
      %sign3A_814 = arith.subi %sign3A_810, %sign3A_813 : i32
      %ne3A_815 = arith.cmpi ne, %sign3A_807, %sign3A_814 : i32
      %rem3A_816 = arith.remsi %add3A_796, %jit3A_799 : i32
      %ne3A_817 = arith.constant 0 : i32
      %ne3A_818 = arith.cmpi ne, %rem3A_816, %ne3A_817 : i32
      %and3A_819 = arith.andi %ne3A_815, %ne3A_818 : i1
      %sub3A_820 = arith.constant 1 : i32
      %sub3A_821 = arith.subi %div3A_800, %sub3A_820 : i32
      %select_n3A_822 = arith.select %and3A_819, %sub3A_821, %div3A_800 : i32
      %mul3A_823 = arith.constant 128 : i32
      %mul3A_824 = arith.muli %select_n3A_822, %mul3A_823 : i32
      %dma_wait3A_825 = arith.constant 6 : i32
      %dma_wait3A_826 = arith.constant 0 : i32
      %dma_wait3A_827 = arith.constant 0 : i32
      %dma_wait3A_828 = tpu.memref_slice %arg6[%rem3A_535, %dma_wait3A_825, %dma_wait3A_826, %dma_wait3A_827] : memref<2x8x128x32xf32, #tpu.memory_space<vmem>> -> memref<1x1x128x32xf32, #tpu.memory_space<vmem>>
      %dma_wait3A_829 = tpu.memref_squeeze %dma_wait3A_828 : memref<1x1x128x32xf32, #tpu.memory_space<vmem>> -> memref<128x32xf32, #tpu.memory_space<vmem>>
      %dma_wait3A_830 = tpu.memref_slice %arg5[%rem3A_798, %mul3A_824] : memref<20x512xi32, #tpu.memory_space<vmem>> -> memref<1x128xi32, #tpu.memory_space<vmem>>
      %dma_wait3A_831 = tpu.memref_squeeze %dma_wait3A_830 : memref<1x128xi32, #tpu.memory_space<vmem>> -> memref<128xi32, #tpu.memory_space<vmem>>
      %dma_wait3A_832 = arith.constant 0 : i32
      %dma_wait3A_833 = arith.constant 0 : i32
      %dma_wait3A_834 = tpu.memref_slice %arg3[%dma_wait3A_832, %dma_wait3A_833] : memref<1000000x32xf32, #tpu.memory_space<hbm>> -> memref<1000000x32xf32, #tpu.memory_space<hbm>>
      %dma_wait3A_835 = tpu.memref_slice %arg7[%rem3A_535] : memref<2x!tpu.dma_semaphore, #tpu.memory_space<semaphore_mem>> -> memref<1x!tpu.dma_semaphore, #tpu.memory_space<semaphore_mem>>
      %dma_wait3A_836 = tpu.memref_squeeze %dma_wait3A_835 : memref<1x!tpu.dma_semaphore, #tpu.memory_space<semaphore_mem>> -> memref<!tpu.dma_semaphore, #tpu.memory_space<semaphore_mem>>
      tpu.wait_indirect_dma semaphore(%dma_wait3A_836 : memref<!tpu.dma_semaphore, #tpu.memory_space<semaphore_mem>>) src(%dma_wait3A_834 : memref<1000000x32xf32, #tpu.memory_space<hbm>>) dst(%dma_wait3A_829 : memref<128x32xf32, #tpu.memory_space<vmem>>)
      %mul3A_837 = arith.constant 8 : i32
      %mul3A_838 = arith.muli %scan3A_533, %mul3A_837 : i32
      %add3A_839 = arith.constant 7 : i32
      %add3A_840 = arith.addi %mul3A_838, %add3A_839 : i32
      %rem3A_841 = arith.constant 20 : i32
      %rem3A_842 = arith.remsi %add3A_840, %rem3A_841 : i32
      %jit3A_843 = arith.constant 20 : i32
      %div3A_844 = arith.divsi %add3A_840, %jit3A_843 : i32
      %sign3A_845 = arith.constant 0 : i32
      %sign3A_846 = arith.cmpi sgt, %add3A_840, %sign3A_845 : i32
      %sign3A_847 = arith.extui %sign3A_846 : i1 to i32
      %sign3A_848 = arith.constant 0 : i32
      %sign3A_849 = arith.cmpi slt, %add3A_840, %sign3A_848 : i32
      %sign3A_850 = arith.extui %sign3A_849 : i1 to i32
      %sign3A_851 = arith.subi %sign3A_847, %sign3A_850 : i32
      %sign3A_852 = arith.constant 0 : i32
      %sign3A_853 = arith.cmpi sgt, %jit3A_843, %sign3A_852 : i32
      %sign3A_854 = arith.extui %sign3A_853 : i1 to i32
      %sign3A_855 = arith.constant 0 : i32
      %sign3A_856 = arith.cmpi slt, %jit3A_843, %sign3A_855 : i32
      %sign3A_857 = arith.extui %sign3A_856 : i1 to i32
      %sign3A_858 = arith.subi %sign3A_854, %sign3A_857 : i32
      %ne3A_859 = arith.cmpi ne, %sign3A_851, %sign3A_858 : i32
      %rem3A_860 = arith.remsi %add3A_840, %jit3A_843 : i32
      %ne3A_861 = arith.constant 0 : i32
      %ne3A_862 = arith.cmpi ne, %rem3A_860, %ne3A_861 : i32
      %and3A_863 = arith.andi %ne3A_859, %ne3A_862 : i1
      %sub3A_864 = arith.constant 1 : i32
      %sub3A_865 = arith.subi %div3A_844, %sub3A_864 : i32
      %select_n3A_866 = arith.select %and3A_863, %sub3A_865, %div3A_844 : i32
      %mul3A_867 = arith.constant 128 : i32
      %mul3A_868 = arith.muli %select_n3A_866, %mul3A_867 : i32
      %dma_wait3A_869 = arith.constant 7 : i32
      %dma_wait3A_870 = arith.constant 0 : i32
      %dma_wait3A_871 = arith.constant 0 : i32
      %dma_wait3A_872 = tpu.memref_slice %arg6[%rem3A_535, %dma_wait3A_869, %dma_wait3A_870, %dma_wait3A_871] : memref<2x8x128x32xf32, #tpu.memory_space<vmem>> -> memref<1x1x128x32xf32, #tpu.memory_space<vmem>>
      %dma_wait3A_873 = tpu.memref_squeeze %dma_wait3A_872 : memref<1x1x128x32xf32, #tpu.memory_space<vmem>> -> memref<128x32xf32, #tpu.memory_space<vmem>>
      %dma_wait3A_874 = tpu.memref_slice %arg5[%rem3A_842, %mul3A_868] : memref<20x512xi32, #tpu.memory_space<vmem>> -> memref<1x128xi32, #tpu.memory_space<vmem>>
      %dma_wait3A_875 = tpu.memref_squeeze %dma_wait3A_874 : memref<1x128xi32, #tpu.memory_space<vmem>> -> memref<128xi32, #tpu.memory_space<vmem>>
      %dma_wait3A_876 = arith.constant 0 : i32
      %dma_wait3A_877 = arith.constant 0 : i32
      %dma_wait3A_878 = tpu.memref_slice %arg3[%dma_wait3A_876, %dma_wait3A_877] : memref<1000000x32xf32, #tpu.memory_space<hbm>> -> memref<1000000x32xf32, #tpu.memory_space<hbm>>
      %dma_wait3A_879 = tpu.memref_slice %arg7[%rem3A_535] : memref<2x!tpu.dma_semaphore, #tpu.memory_space<semaphore_mem>> -> memref<1x!tpu.dma_semaphore, #tpu.memory_space<semaphore_mem>>
      %dma_wait3A_880 = tpu.memref_squeeze %dma_wait3A_879 : memref<1x!tpu.dma_semaphore, #tpu.memory_space<semaphore_mem>> -> memref<!tpu.dma_semaphore, #tpu.memory_space<semaphore_mem>>
      tpu.wait_indirect_dma semaphore(%dma_wait3A_880 : memref<!tpu.dma_semaphore, #tpu.memory_space<semaphore_mem>>) src(%dma_wait3A_878 : memref<1000000x32xf32, #tpu.memory_space<hbm>>) dst(%dma_wait3A_873 : memref<128x32xf32, #tpu.memory_space<vmem>>)
      %mul3A_881 = arith.constant 8 : i32
      %mul3A_882 = arith.muli %scan3A_533, %mul3A_881 : i32
      %add3A_883 = arith.constant 0 : i32
      %add3A_884 = arith.addi %mul3A_882, %add3A_883 : i32
      %rem3A_885 = arith.constant 20 : i32
      %rem3A_886 = arith.remsi %add3A_884, %rem3A_885 : i32
      %jit3A_887 = arith.constant 20 : i32
      %div3A_888 = arith.divsi %add3A_884, %jit3A_887 : i32
      %sign3A_889 = arith.constant 0 : i32
      %sign3A_890 = arith.cmpi sgt, %add3A_884, %sign3A_889 : i32
      %sign3A_891 = arith.extui %sign3A_890 : i1 to i32
      %sign3A_892 = arith.constant 0 : i32
      %sign3A_893 = arith.cmpi slt, %add3A_884, %sign3A_892 : i32
      %sign3A_894 = arith.extui %sign3A_893 : i1 to i32
      %sign3A_895 = arith.subi %sign3A_891, %sign3A_894 : i32
      %sign3A_896 = arith.constant 0 : i32
      %sign3A_897 = arith.cmpi sgt, %jit3A_887, %sign3A_896 : i32
      %sign3A_898 = arith.extui %sign3A_897 : i1 to i32
      %sign3A_899 = arith.constant 0 : i32
      %sign3A_900 = arith.cmpi slt, %jit3A_887, %sign3A_899 : i32
      %sign3A_901 = arith.extui %sign3A_900 : i1 to i32
      %sign3A_902 = arith.subi %sign3A_898, %sign3A_901 : i32
      %ne3A_903 = arith.cmpi ne, %sign3A_895, %sign3A_902 : i32
      %rem3A_904 = arith.remsi %add3A_884, %jit3A_887 : i32
      %ne3A_905 = arith.constant 0 : i32
      %ne3A_906 = arith.cmpi ne, %rem3A_904, %ne3A_905 : i32
      %and3A_907 = arith.andi %ne3A_903, %ne3A_906 : i1
      %sub3A_908 = arith.constant 1 : i32
      %sub3A_909 = arith.subi %div3A_888, %sub3A_908 : i32
      %select_n3A_910 = arith.select %and3A_907, %sub3A_909, %div3A_888 : i32
      %mul3A_911 = arith.constant 128 : i32
      %mul3A_912 = arith.muli %select_n3A_910, %mul3A_911 : i32
      %add3A_913 = arith.addi %mul3A_2, %mul3A_912 : i32
      %dma_start3A_914 = arith.constant 0 : i32
      %dma_start3A_915 = arith.constant 0 : i32
      %dma_start3A_916 = arith.constant 0 : i32
      %dma_start3A_917 = tpu.memref_slice %arg6[%rem3A_535, %dma_start3A_914, %dma_start3A_915, %dma_start3A_916] : memref<2x8x128x32xf32, #tpu.memory_space<vmem>> -> memref<1x1x128x32xf32, #tpu.memory_space<vmem>>
      %dma_start3A_918 = tpu.memref_squeeze %dma_start3A_917 : memref<1x1x128x32xf32, #tpu.memory_space<vmem>> -> memref<128x32xf32, #tpu.memory_space<vmem>>
      %dma_start3A_919 = arith.constant 0 : i32
      %dma_start3A_920 = tpu.memref_slice %arg4[%rem3A_886, %add3A_913, %dma_start3A_919] : memref<20x16384x32xf32, #tpu.memory_space<hbm>> -> memref<1x128x32xf32, #tpu.memory_space<hbm>>
      %dma_start3A_921 = tpu.memref_squeeze %dma_start3A_920 : memref<1x128x32xf32, #tpu.memory_space<hbm>> -> memref<128x32xf32, #tpu.memory_space<hbm>>
      %dma_start3A_922 = tpu.memref_slice %arg8[%rem3A_535] : memref<2x!tpu.dma_semaphore, #tpu.memory_space<semaphore_mem>> -> memref<1x!tpu.dma_semaphore, #tpu.memory_space<semaphore_mem>>
      %dma_start3A_923 = tpu.memref_squeeze %dma_start3A_922 : memref<1x!tpu.dma_semaphore, #tpu.memory_space<semaphore_mem>> -> memref<!tpu.dma_semaphore, #tpu.memory_space<semaphore_mem>>
      %dma_start3A_924 = arith.constant 0 : i32
      %dma_start3A_925 = tpu.memref_slice %arg4[%rem3A_886, %add3A_913, %dma_start3A_924] : memref<20x16384x32xf32, #tpu.memory_space<hbm>> -> memref<1x128x32xf32, #tpu.memory_space<hbm>>
      %dma_start3A_926 = tpu.memref_squeeze %dma_start3A_925 : memref<1x128x32xf32, #tpu.memory_space<hbm>> -> memref<128x32xf32, #tpu.memory_space<hbm>>
      %dma_start3A_927 = arith.constant 0 : i32
      %dma_start3A_928 = arith.constant 0 : i32
      %dma_start3A_929 = tpu.memref_slice %arg6[%rem3A_535, %dma_start3A_914, %dma_start3A_927, %dma_start3A_928] : memref<2x8x128x32xf32, #tpu.memory_space<vmem>> -> memref<1x1x128x32xf32, #tpu.memory_space<vmem>>
      %dma_start3A_930 = tpu.memref_squeeze %dma_start3A_929 : memref<1x1x128x32xf32, #tpu.memory_space<vmem>> -> memref<128x32xf32, #tpu.memory_space<vmem>>
      tpu.enqueue_dma source(%dma_start3A_930 : memref<128x32xf32, #tpu.memory_space<vmem>>) target(%dma_start3A_926 : memref<128x32xf32, #tpu.memory_space<hbm>>) target_semaphore(%dma_start3A_923 : memref<!tpu.dma_semaphore, #tpu.memory_space<semaphore_mem>>)
      %mul3A_931 = arith.constant 8 : i32
      %mul3A_932 = arith.muli %scan3A_533, %mul3A_931 : i32
      %add3A_933 = arith.constant 1 : i32
      %add3A_934 = arith.addi %mul3A_932, %add3A_933 : i32
      %rem3A_935 = arith.constant 20 : i32
      %rem3A_936 = arith.remsi %add3A_934, %rem3A_935 : i32
      %jit3A_937 = arith.constant 20 : i32
      %div3A_938 = arith.divsi %add3A_934, %jit3A_937 : i32
      %sign3A_939 = arith.constant 0 : i32
      %sign3A_940 = arith.cmpi sgt, %add3A_934, %sign3A_939 : i32
      %sign3A_941 = arith.extui %sign3A_940 : i1 to i32
      %sign3A_942 = arith.constant 0 : i32
      %sign3A_943 = arith.cmpi slt, %add3A_934, %sign3A_942 : i32
      %sign3A_944 = arith.extui %sign3A_943 : i1 to i32
      %sign3A_945 = arith.subi %sign3A_941, %sign3A_944 : i32
      %sign3A_946 = arith.constant 0 : i32
      %sign3A_947 = arith.cmpi sgt, %jit3A_937, %sign3A_946 : i32
      %sign3A_948 = arith.extui %sign3A_947 : i1 to i32
      %sign3A_949 = arith.constant 0 : i32
      %sign3A_950 = arith.cmpi slt, %jit3A_937, %sign3A_949 : i32
      %sign3A_951 = arith.extui %sign3A_950 : i1 to i32
      %sign3A_952 = arith.subi %sign3A_948, %sign3A_951 : i32
      %ne3A_953 = arith.cmpi ne, %sign3A_945, %sign3A_952 : i32
      %rem3A_954 = arith.remsi %add3A_934, %jit3A_937 : i32
      %ne3A_955 = arith.constant 0 : i32
      %ne3A_956 = arith.cmpi ne, %rem3A_954, %ne3A_955 : i32
      %and3A_957 = arith.andi %ne3A_953, %ne3A_956 : i1
      %sub3A_958 = arith.constant 1 : i32
      %sub3A_959 = arith.subi %div3A_938, %sub3A_958 : i32
      %select_n3A_960 = arith.select %and3A_957, %sub3A_959, %div3A_938 : i32
      %mul3A_961 = arith.constant 128 : i32
      %mul3A_962 = arith.muli %select_n3A_960, %mul3A_961 : i32
      %add3A_963 = arith.addi %mul3A_2, %mul3A_962 : i32
      %dma_start3A_964 = arith.constant 1 : i32
      %dma_start3A_965 = arith.constant 0 : i32
      %dma_start3A_966 = arith.constant 0 : i32
      %dma_start3A_967 = tpu.memref_slice %arg6[%rem3A_535, %dma_start3A_964, %dma_start3A_965, %dma_start3A_966] : memref<2x8x128x32xf32, #tpu.memory_space<vmem>> -> memref<1x1x128x32xf32, #tpu.memory_space<vmem>>
      %dma_start3A_968 = tpu.memref_squeeze %dma_start3A_967 : memref<1x1x128x32xf32, #tpu.memory_space<vmem>> -> memref<128x32xf32, #tpu.memory_space<vmem>>
      %dma_start3A_969 = arith.constant 0 : i32
      %dma_start3A_970 = tpu.memref_slice %arg4[%rem3A_936, %add3A_963, %dma_start3A_969] : memref<20x16384x32xf32, #tpu.memory_space<hbm>> -> memref<1x128x32xf32, #tpu.memory_space<hbm>>
      %dma_start3A_971 = tpu.memref_squeeze %dma_start3A_970 : memref<1x128x32xf32, #tpu.memory_space<hbm>> -> memref<128x32xf32, #tpu.memory_space<hbm>>
      %dma_start3A_972 = tpu.memref_slice %arg8[%rem3A_535] : memref<2x!tpu.dma_semaphore, #tpu.memory_space<semaphore_mem>> -> memref<1x!tpu.dma_semaphore, #tpu.memory_space<semaphore_mem>>
      %dma_start3A_973 = tpu.memref_squeeze %dma_start3A_972 : memref<1x!tpu.dma_semaphore, #tpu.memory_space<semaphore_mem>> -> memref<!tpu.dma_semaphore, #tpu.memory_space<semaphore_mem>>
      %dma_start3A_974 = arith.constant 0 : i32
      %dma_start3A_975 = tpu.memref_slice %arg4[%rem3A_936, %add3A_963, %dma_start3A_974] : memref<20x16384x32xf32, #tpu.memory_space<hbm>> -> memref<1x128x32xf32, #tpu.memory_space<hbm>>
      %dma_start3A_976 = tpu.memref_squeeze %dma_start3A_975 : memref<1x128x32xf32, #tpu.memory_space<hbm>> -> memref<128x32xf32, #tpu.memory_space<hbm>>
      %dma_start3A_977 = arith.constant 0 : i32
      %dma_start3A_978 = arith.constant 0 : i32
      %dma_start3A_979 = tpu.memref_slice %arg6[%rem3A_535, %dma_start3A_964, %dma_start3A_977, %dma_start3A_978] : memref<2x8x128x32xf32, #tpu.memory_space<vmem>> -> memref<1x1x128x32xf32, #tpu.memory_space<vmem>>
      %dma_start3A_980 = tpu.memref_squeeze %dma_start3A_979 : memref<1x1x128x32xf32, #tpu.memory_space<vmem>> -> memref<128x32xf32, #tpu.memory_space<vmem>>
      tpu.enqueue_dma source(%dma_start3A_980 : memref<128x32xf32, #tpu.memory_space<vmem>>) target(%dma_start3A_976 : memref<128x32xf32, #tpu.memory_space<hbm>>) target_semaphore(%dma_start3A_973 : memref<!tpu.dma_semaphore, #tpu.memory_space<semaphore_mem>>)
      %mul3A_981 = arith.constant 8 : i32
      %mul3A_982 = arith.muli %scan3A_533, %mul3A_981 : i32
      %add3A_983 = arith.constant 2 : i32
      %add3A_984 = arith.addi %mul3A_982, %add3A_983 : i32
      %rem3A_985 = arith.constant 20 : i32
      %rem3A_986 = arith.remsi %add3A_984, %rem3A_985 : i32
      %jit3A_987 = arith.constant 20 : i32
      %div3A_988 = arith.divsi %add3A_984, %jit3A_987 : i32
      %sign3A_989 = arith.constant 0 : i32
      %sign3A_990 = arith.cmpi sgt, %add3A_984, %sign3A_989 : i32
      %sign3A_991 = arith.extui %sign3A_990 : i1 to i32
      %sign3A_992 = arith.constant 0 : i32
      %sign3A_993 = arith.cmpi slt, %add3A_984, %sign3A_992 : i32
      %sign3A_994 = arith.extui %sign3A_993 : i1 to i32
      %sign3A_995 = arith.subi %sign3A_991, %sign3A_994 : i32
      %sign3A_996 = arith.constant 0 : i32
      %sign3A_997 = arith.cmpi sgt, %jit3A_987, %sign3A_996 : i32
      %sign3A_998 = arith.extui %sign3A_997 : i1 to i32
      %sign3A_999 = arith.constant 0 : i32
      %sign3A_1000 = arith.cmpi slt, %jit3A_987, %sign3A_999 : i32
      %sign3A_1001 = arith.extui %sign3A_1000 : i1 to i32
      %sign3A_1002 = arith.subi %sign3A_998, %sign3A_1001 : i32
      %ne3A_1003 = arith.cmpi ne, %sign3A_995, %sign3A_1002 : i32
      %rem3A_1004 = arith.remsi %add3A_984, %jit3A_987 : i32
      %ne3A_1005 = arith.constant 0 : i32
      %ne3A_1006 = arith.cmpi ne, %rem3A_1004, %ne3A_1005 : i32
      %and3A_1007 = arith.andi %ne3A_1003, %ne3A_1006 : i1
      %sub3A_1008 = arith.constant 1 : i32
      %sub3A_1009 = arith.subi %div3A_988, %sub3A_1008 : i32
      %select_n3A_1010 = arith.select %and3A_1007, %sub3A_1009, %div3A_988 : i32
      %mul3A_1011 = arith.constant 128 : i32
      %mul3A_1012 = arith.muli %select_n3A_1010, %mul3A_1011 : i32
      %add3A_1013 = arith.addi %mul3A_2, %mul3A_1012 : i32
      %dma_start3A_1014 = arith.constant 2 : i32
      %dma_start3A_1015 = arith.constant 0 : i32
      %dma_start3A_1016 = arith.constant 0 : i32
      %dma_start3A_1017 = tpu.memref_slice %arg6[%rem3A_535, %dma_start3A_1014, %dma_start3A_1015, %dma_start3A_1016] : memref<2x8x128x32xf32, #tpu.memory_space<vmem>> -> memref<1x1x128x32xf32, #tpu.memory_space<vmem>>
      %dma_start3A_1018 = tpu.memref_squeeze %dma_start3A_1017 : memref<1x1x128x32xf32, #tpu.memory_space<vmem>> -> memref<128x32xf32, #tpu.memory_space<vmem>>
      %dma_start3A_1019 = arith.constant 0 : i32
      %dma_start3A_1020 = tpu.memref_slice %arg4[%rem3A_986, %add3A_1013, %dma_start3A_1019] : memref<20x16384x32xf32, #tpu.memory_space<hbm>> -> memref<1x128x32xf32, #tpu.memory_space<hbm>>
      %dma_start3A_1021 = tpu.memref_squeeze %dma_start3A_1020 : memref<1x128x32xf32, #tpu.memory_space<hbm>> -> memref<128x32xf32, #tpu.memory_space<hbm>>
      %dma_start3A_1022 = tpu.memref_slice %arg8[%rem3A_535] : memref<2x!tpu.dma_semaphore, #tpu.memory_space<semaphore_mem>> -> memref<1x!tpu.dma_semaphore, #tpu.memory_space<semaphore_mem>>
      %dma_start3A_1023 = tpu.memref_squeeze %dma_start3A_1022 : memref<1x!tpu.dma_semaphore, #tpu.memory_space<semaphore_mem>> -> memref<!tpu.dma_semaphore, #tpu.memory_space<semaphore_mem>>
      %dma_start3A_1024 = arith.constant 0 : i32
      %dma_start3A_1025 = tpu.memref_slice %arg4[%rem3A_986, %add3A_1013, %dma_start3A_1024] : memref<20x16384x32xf32, #tpu.memory_space<hbm>> -> memref<1x128x32xf32, #tpu.memory_space<hbm>>
      %dma_start3A_1026 = tpu.memref_squeeze %dma_start3A_1025 : memref<1x128x32xf32, #tpu.memory_space<hbm>> -> memref<128x32xf32, #tpu.memory_space<hbm>>
      %dma_start3A_1027 = arith.constant 0 : i32
      %dma_start3A_1028 = arith.constant 0 : i32
      %dma_start3A_1029 = tpu.memref_slice %arg6[%rem3A_535, %dma_start3A_1014, %dma_start3A_1027, %dma_start3A_1028] : memref<2x8x128x32xf32, #tpu.memory_space<vmem>> -> memref<1x1x128x32xf32, #tpu.memory_space<vmem>>
      %dma_start3A_1030 = tpu.memref_squeeze %dma_start3A_1029 : memref<1x1x128x32xf32, #tpu.memory_space<vmem>> -> memref<128x32xf32, #tpu.memory_space<vmem>>
      tpu.enqueue_dma source(%dma_start3A_1030 : memref<128x32xf32, #tpu.memory_space<vmem>>) target(%dma_start3A_1026 : memref<128x32xf32, #tpu.memory_space<hbm>>) target_semaphore(%dma_start3A_1023 : memref<!tpu.dma_semaphore, #tpu.memory_space<semaphore_mem>>)
      %mul3A_1031 = arith.constant 8 : i32
      %mul3A_1032 = arith.muli %scan3A_533, %mul3A_1031 : i32
      %add3A_1033 = arith.constant 3 : i32
      %add3A_1034 = arith.addi %mul3A_1032, %add3A_1033 : i32
      %rem3A_1035 = arith.constant 20 : i32
      %rem3A_1036 = arith.remsi %add3A_1034, %rem3A_1035 : i32
      %jit3A_1037 = arith.constant 20 : i32
      %div3A_1038 = arith.divsi %add3A_1034, %jit3A_1037 : i32
      %sign3A_1039 = arith.constant 0 : i32
      %sign3A_1040 = arith.cmpi sgt, %add3A_1034, %sign3A_1039 : i32
      %sign3A_1041 = arith.extui %sign3A_1040 : i1 to i32
      %sign3A_1042 = arith.constant 0 : i32
      %sign3A_1043 = arith.cmpi slt, %add3A_1034, %sign3A_1042 : i32
      %sign3A_1044 = arith.extui %sign3A_1043 : i1 to i32
      %sign3A_1045 = arith.subi %sign3A_1041, %sign3A_1044 : i32
      %sign3A_1046 = arith.constant 0 : i32
      %sign3A_1047 = arith.cmpi sgt, %jit3A_1037, %sign3A_1046 : i32
      %sign3A_1048 = arith.extui %sign3A_1047 : i1 to i32
      %sign3A_1049 = arith.constant 0 : i32
      %sign3A_1050 = arith.cmpi slt, %jit3A_1037, %sign3A_1049 : i32
      %sign3A_1051 = arith.extui %sign3A_1050 : i1 to i32
      %sign3A_1052 = arith.subi %sign3A_1048, %sign3A_1051 : i32
      %ne3A_1053 = arith.cmpi ne, %sign3A_1045, %sign3A_1052 : i32
      %rem3A_1054 = arith.remsi %add3A_1034, %jit3A_1037 : i32
      %ne3A_1055 = arith.constant 0 : i32
      %ne3A_1056 = arith.cmpi ne, %rem3A_1054, %ne3A_1055 : i32
      %and3A_1057 = arith.andi %ne3A_1053, %ne3A_1056 : i1
      %sub3A_1058 = arith.constant 1 : i32
      %sub3A_1059 = arith.subi %div3A_1038, %sub3A_1058 : i32
      %select_n3A_1060 = arith.select %and3A_1057, %sub3A_1059, %div3A_1038 : i32
      %mul3A_1061 = arith.constant 128 : i32
      %mul3A_1062 = arith.muli %select_n3A_1060, %mul3A_1061 : i32
      %add3A_1063 = arith.addi %mul3A_2, %mul3A_1062 : i32
      %dma_start3A_1064 = arith.constant 3 : i32
      %dma_start3A_1065 = arith.constant 0 : i32
      %dma_start3A_1066 = arith.constant 0 : i32
      %dma_start3A_1067 = tpu.memref_slice %arg6[%rem3A_535, %dma_start3A_1064, %dma_start3A_1065, %dma_start3A_1066] : memref<2x8x128x32xf32, #tpu.memory_space<vmem>> -> memref<1x1x128x32xf32, #tpu.memory_space<vmem>>
      %dma_start3A_1068 = tpu.memref_squeeze %dma_start3A_1067 : memref<1x1x128x32xf32, #tpu.memory_space<vmem>> -> memref<128x32xf32, #tpu.memory_space<vmem>>
      %dma_start3A_1069 = arith.constant 0 : i32
      %dma_start3A_1070 = tpu.memref_slice %arg4[%rem3A_1036, %add3A_1063, %dma_start3A_1069] : memref<20x16384x32xf32, #tpu.memory_space<hbm>> -> memref<1x128x32xf32, #tpu.memory_space<hbm>>
      %dma_start3A_1071 = tpu.memref_squeeze %dma_start3A_1070 : memref<1x128x32xf32, #tpu.memory_space<hbm>> -> memref<128x32xf32, #tpu.memory_space<hbm>>
      %dma_start3A_1072 = tpu.memref_slice %arg8[%rem3A_535] : memref<2x!tpu.dma_semaphore, #tpu.memory_space<semaphore_mem>> -> memref<1x!tpu.dma_semaphore, #tpu.memory_space<semaphore_mem>>
      %dma_start3A_1073 = tpu.memref_squeeze %dma_start3A_1072 : memref<1x!tpu.dma_semaphore, #tpu.memory_space<semaphore_mem>> -> memref<!tpu.dma_semaphore, #tpu.memory_space<semaphore_mem>>
      %dma_start3A_1074 = arith.constant 0 : i32
      %dma_start3A_1075 = tpu.memref_slice %arg4[%rem3A_1036, %add3A_1063, %dma_start3A_1074] : memref<20x16384x32xf32, #tpu.memory_space<hbm>> -> memref<1x128x32xf32, #tpu.memory_space<hbm>>
      %dma_start3A_1076 = tpu.memref_squeeze %dma_start3A_1075 : memref<1x128x32xf32, #tpu.memory_space<hbm>> -> memref<128x32xf32, #tpu.memory_space<hbm>>
      %dma_start3A_1077 = arith.constant 0 : i32
      %dma_start3A_1078 = arith.constant 0 : i32
      %dma_start3A_1079 = tpu.memref_slice %arg6[%rem3A_535, %dma_start3A_1064, %dma_start3A_1077, %dma_start3A_1078] : memref<2x8x128x32xf32, #tpu.memory_space<vmem>> -> memref<1x1x128x32xf32, #tpu.memory_space<vmem>>
      %dma_start3A_1080 = tpu.memref_squeeze %dma_start3A_1079 : memref<1x1x128x32xf32, #tpu.memory_space<vmem>> -> memref<128x32xf32, #tpu.memory_space<vmem>>
      tpu.enqueue_dma source(%dma_start3A_1080 : memref<128x32xf32, #tpu.memory_space<vmem>>) target(%dma_start3A_1076 : memref<128x32xf32, #tpu.memory_space<hbm>>) target_semaphore(%dma_start3A_1073 : memref<!tpu.dma_semaphore, #tpu.memory_space<semaphore_mem>>)
      %mul3A_1081 = arith.constant 8 : i32
      %mul3A_1082 = arith.muli %scan3A_533, %mul3A_1081 : i32
      %add3A_1083 = arith.constant 4 : i32
      %add3A_1084 = arith.addi %mul3A_1082, %add3A_1083 : i32
      %rem3A_1085 = arith.constant 20 : i32
      %rem3A_1086 = arith.remsi %add3A_1084, %rem3A_1085 : i32
      %jit3A_1087 = arith.constant 20 : i32
      %div3A_1088 = arith.divsi %add3A_1084, %jit3A_1087 : i32
      %sign3A_1089 = arith.constant 0 : i32
      %sign3A_1090 = arith.cmpi sgt, %add3A_1084, %sign3A_1089 : i32
      %sign3A_1091 = arith.extui %sign3A_1090 : i1 to i32
      %sign3A_1092 = arith.constant 0 : i32
      %sign3A_1093 = arith.cmpi slt, %add3A_1084, %sign3A_1092 : i32
      %sign3A_1094 = arith.extui %sign3A_1093 : i1 to i32
      %sign3A_1095 = arith.subi %sign3A_1091, %sign3A_1094 : i32
      %sign3A_1096 = arith.constant 0 : i32
      %sign3A_1097 = arith.cmpi sgt, %jit3A_1087, %sign3A_1096 : i32
      %sign3A_1098 = arith.extui %sign3A_1097 : i1 to i32
      %sign3A_1099 = arith.constant 0 : i32
      %sign3A_1100 = arith.cmpi slt, %jit3A_1087, %sign3A_1099 : i32
      %sign3A_1101 = arith.extui %sign3A_1100 : i1 to i32
      %sign3A_1102 = arith.subi %sign3A_1098, %sign3A_1101 : i32
      %ne3A_1103 = arith.cmpi ne, %sign3A_1095, %sign3A_1102 : i32
      %rem3A_1104 = arith.remsi %add3A_1084, %jit3A_1087 : i32
      %ne3A_1105 = arith.constant 0 : i32
      %ne3A_1106 = arith.cmpi ne, %rem3A_1104, %ne3A_1105 : i32
      %and3A_1107 = arith.andi %ne3A_1103, %ne3A_1106 : i1
      %sub3A_1108 = arith.constant 1 : i32
      %sub3A_1109 = arith.subi %div3A_1088, %sub3A_1108 : i32
      %select_n3A_1110 = arith.select %and3A_1107, %sub3A_1109, %div3A_1088 : i32
      %mul3A_1111 = arith.constant 128 : i32
      %mul3A_1112 = arith.muli %select_n3A_1110, %mul3A_1111 : i32
      %add3A_1113 = arith.addi %mul3A_2, %mul3A_1112 : i32
      %dma_start3A_1114 = arith.constant 4 : i32
      %dma_start3A_1115 = arith.constant 0 : i32
      %dma_start3A_1116 = arith.constant 0 : i32
      %dma_start3A_1117 = tpu.memref_slice %arg6[%rem3A_535, %dma_start3A_1114, %dma_start3A_1115, %dma_start3A_1116] : memref<2x8x128x32xf32, #tpu.memory_space<vmem>> -> memref<1x1x128x32xf32, #tpu.memory_space<vmem>>
      %dma_start3A_1118 = tpu.memref_squeeze %dma_start3A_1117 : memref<1x1x128x32xf32, #tpu.memory_space<vmem>> -> memref<128x32xf32, #tpu.memory_space<vmem>>
      %dma_start3A_1119 = arith.constant 0 : i32
      %dma_start3A_1120 = tpu.memref_slice %arg4[%rem3A_1086, %add3A_1113, %dma_start3A_1119] : memref<20x16384x32xf32, #tpu.memory_space<hbm>> -> memref<1x128x32xf32, #tpu.memory_space<hbm>>
      %dma_start3A_1121 = tpu.memref_squeeze %dma_start3A_1120 : memref<1x128x32xf32, #tpu.memory_space<hbm>> -> memref<128x32xf32, #tpu.memory_space<hbm>>
      %dma_start3A_1122 = tpu.memref_slice %arg8[%rem3A_535] : memref<2x!tpu.dma_semaphore, #tpu.memory_space<semaphore_mem>> -> memref<1x!tpu.dma_semaphore, #tpu.memory_space<semaphore_mem>>
      %dma_start3A_1123 = tpu.memref_squeeze %dma_start3A_1122 : memref<1x!tpu.dma_semaphore, #tpu.memory_space<semaphore_mem>> -> memref<!tpu.dma_semaphore, #tpu.memory_space<semaphore_mem>>
      %dma_start3A_1124 = arith.constant 0 : i32
      %dma_start3A_1125 = tpu.memref_slice %arg4[%rem3A_1086, %add3A_1113, %dma_start3A_1124] : memref<20x16384x32xf32, #tpu.memory_space<hbm>> -> memref<1x128x32xf32, #tpu.memory_space<hbm>>
      %dma_start3A_1126 = tpu.memref_squeeze %dma_start3A_1125 : memref<1x128x32xf32, #tpu.memory_space<hbm>> -> memref<128x32xf32, #tpu.memory_space<hbm>>
      %dma_start3A_1127 = arith.constant 0 : i32
      %dma_start3A_1128 = arith.constant 0 : i32
      %dma_start3A_1129 = tpu.memref_slice %arg6[%rem3A_535, %dma_start3A_1114, %dma_start3A_1127, %dma_start3A_1128] : memref<2x8x128x32xf32, #tpu.memory_space<vmem>> -> memref<1x1x128x32xf32, #tpu.memory_space<vmem>>
      %dma_start3A_1130 = tpu.memref_squeeze %dma_start3A_1129 : memref<1x1x128x32xf32, #tpu.memory_space<vmem>> -> memref<128x32xf32, #tpu.memory_space<vmem>>
      tpu.enqueue_dma source(%dma_start3A_1130 : memref<128x32xf32, #tpu.memory_space<vmem>>) target(%dma_start3A_1126 : memref<128x32xf32, #tpu.memory_space<hbm>>) target_semaphore(%dma_start3A_1123 : memref<!tpu.dma_semaphore, #tpu.memory_space<semaphore_mem>>)
      %mul3A_1131 = arith.constant 8 : i32
      %mul3A_1132 = arith.muli %scan3A_533, %mul3A_1131 : i32
      %add3A_1133 = arith.constant 5 : i32
      %add3A_1134 = arith.addi %mul3A_1132, %add3A_1133 : i32
      %rem3A_1135 = arith.constant 20 : i32
      %rem3A_1136 = arith.remsi %add3A_1134, %rem3A_1135 : i32
      %jit3A_1137 = arith.constant 20 : i32
      %div3A_1138 = arith.divsi %add3A_1134, %jit3A_1137 : i32
      %sign3A_1139 = arith.constant 0 : i32
      %sign3A_1140 = arith.cmpi sgt, %add3A_1134, %sign3A_1139 : i32
      %sign3A_1141 = arith.extui %sign3A_1140 : i1 to i32
      %sign3A_1142 = arith.constant 0 : i32
      %sign3A_1143 = arith.cmpi slt, %add3A_1134, %sign3A_1142 : i32
      %sign3A_1144 = arith.extui %sign3A_1143 : i1 to i32
      %sign3A_1145 = arith.subi %sign3A_1141, %sign3A_1144 : i32
      %sign3A_1146 = arith.constant 0 : i32
      %sign3A_1147 = arith.cmpi sgt, %jit3A_1137, %sign3A_1146 : i32
      %sign3A_1148 = arith.extui %sign3A_1147 : i1 to i32
      %sign3A_1149 = arith.constant 0 : i32
      %sign3A_1150 = arith.cmpi slt, %jit3A_1137, %sign3A_1149 : i32
      %sign3A_1151 = arith.extui %sign3A_1150 : i1 to i32
      %sign3A_1152 = arith.subi %sign3A_1148, %sign3A_1151 : i32
      %ne3A_1153 = arith.cmpi ne, %sign3A_1145, %sign3A_1152 : i32
      %rem3A_1154 = arith.remsi %add3A_1134, %jit3A_1137 : i32
      %ne3A_1155 = arith.constant 0 : i32
      %ne3A_1156 = arith.cmpi ne, %rem3A_1154, %ne3A_1155 : i32
      %and3A_1157 = arith.andi %ne3A_1153, %ne3A_1156 : i1
      %sub3A_1158 = arith.constant 1 : i32
      %sub3A_1159 = arith.subi %div3A_1138, %sub3A_1158 : i32
      %select_n3A_1160 = arith.select %and3A_1157, %sub3A_1159, %div3A_1138 : i32
      %mul3A_1161 = arith.constant 128 : i32
      %mul3A_1162 = arith.muli %select_n3A_1160, %mul3A_1161 : i32
      %add3A_1163 = arith.addi %mul3A_2, %mul3A_1162 : i32
      %dma_start3A_1164 = arith.constant 5 : i32
      %dma_start3A_1165 = arith.constant 0 : i32
      %dma_start3A_1166 = arith.constant 0 : i32
      %dma_start3A_1167 = tpu.memref_slice %arg6[%rem3A_535, %dma_start3A_1164, %dma_start3A_1165, %dma_start3A_1166] : memref<2x8x128x32xf32, #tpu.memory_space<vmem>> -> memref<1x1x128x32xf32, #tpu.memory_space<vmem>>
      %dma_start3A_1168 = tpu.memref_squeeze %dma_start3A_1167 : memref<1x1x128x32xf32, #tpu.memory_space<vmem>> -> memref<128x32xf32, #tpu.memory_space<vmem>>
      %dma_start3A_1169 = arith.constant 0 : i32
      %dma_start3A_1170 = tpu.memref_slice %arg4[%rem3A_1136, %add3A_1163, %dma_start3A_1169] : memref<20x16384x32xf32, #tpu.memory_space<hbm>> -> memref<1x128x32xf32, #tpu.memory_space<hbm>>
      %dma_start3A_1171 = tpu.memref_squeeze %dma_start3A_1170 : memref<1x128x32xf32, #tpu.memory_space<hbm>> -> memref<128x32xf32, #tpu.memory_space<hbm>>
      %dma_start3A_1172 = tpu.memref_slice %arg8[%rem3A_535] : memref<2x!tpu.dma_semaphore, #tpu.memory_space<semaphore_mem>> -> memref<1x!tpu.dma_semaphore, #tpu.memory_space<semaphore_mem>>
      %dma_start3A_1173 = tpu.memref_squeeze %dma_start3A_1172 : memref<1x!tpu.dma_semaphore, #tpu.memory_space<semaphore_mem>> -> memref<!tpu.dma_semaphore, #tpu.memory_space<semaphore_mem>>
      %dma_start3A_1174 = arith.constant 0 : i32
      %dma_start3A_1175 = tpu.memref_slice %arg4[%rem3A_1136, %add3A_1163, %dma_start3A_1174] : memref<20x16384x32xf32, #tpu.memory_space<hbm>> -> memref<1x128x32xf32, #tpu.memory_space<hbm>>
      %dma_start3A_1176 = tpu.memref_squeeze %dma_start3A_1175 : memref<1x128x32xf32, #tpu.memory_space<hbm>> -> memref<128x32xf32, #tpu.memory_space<hbm>>
      %dma_start3A_1177 = arith.constant 0 : i32
      %dma_start3A_1178 = arith.constant 0 : i32
      %dma_start3A_1179 = tpu.memref_slice %arg6[%rem3A_535, %dma_start3A_1164, %dma_start3A_1177, %dma_start3A_1178] : memref<2x8x128x32xf32, #tpu.memory_space<vmem>> -> memref<1x1x128x32xf32, #tpu.memory_space<vmem>>
      %dma_start3A_1180 = tpu.memref_squeeze %dma_start3A_1179 : memref<1x1x128x32xf32, #tpu.memory_space<vmem>> -> memref<128x32xf32, #tpu.memory_space<vmem>>
      tpu.enqueue_dma source(%dma_start3A_1180 : memref<128x32xf32, #tpu.memory_space<vmem>>) target(%dma_start3A_1176 : memref<128x32xf32, #tpu.memory_space<hbm>>) target_semaphore(%dma_start3A_1173 : memref<!tpu.dma_semaphore, #tpu.memory_space<semaphore_mem>>)
      %mul3A_1181 = arith.constant 8 : i32
      %mul3A_1182 = arith.muli %scan3A_533, %mul3A_1181 : i32
      %add3A_1183 = arith.constant 6 : i32
      %add3A_1184 = arith.addi %mul3A_1182, %add3A_1183 : i32
      %rem3A_1185 = arith.constant 20 : i32
      %rem3A_1186 = arith.remsi %add3A_1184, %rem3A_1185 : i32
      %jit3A_1187 = arith.constant 20 : i32
      %div3A_1188 = arith.divsi %add3A_1184, %jit3A_1187 : i32
      %sign3A_1189 = arith.constant 0 : i32
      %sign3A_1190 = arith.cmpi sgt, %add3A_1184, %sign3A_1189 : i32
      %sign3A_1191 = arith.extui %sign3A_1190 : i1 to i32
      %sign3A_1192 = arith.constant 0 : i32
      %sign3A_1193 = arith.cmpi slt, %add3A_1184, %sign3A_1192 : i32
      %sign3A_1194 = arith.extui %sign3A_1193 : i1 to i32
      %sign3A_1195 = arith.subi %sign3A_1191, %sign3A_1194 : i32
      %sign3A_1196 = arith.constant 0 : i32
      %sign3A_1197 = arith.cmpi sgt, %jit3A_1187, %sign3A_1196 : i32
      %sign3A_1198 = arith.extui %sign3A_1197 : i1 to i32
      %sign3A_1199 = arith.constant 0 : i32
      %sign3A_1200 = arith.cmpi slt, %jit3A_1187, %sign3A_1199 : i32
      %sign3A_1201 = arith.extui %sign3A_1200 : i1 to i32
      %sign3A_1202 = arith.subi %sign3A_1198, %sign3A_1201 : i32
      %ne3A_1203 = arith.cmpi ne, %sign3A_1195, %sign3A_1202 : i32
      %rem3A_1204 = arith.remsi %add3A_1184, %jit3A_1187 : i32
      %ne3A_1205 = arith.constant 0 : i32
      %ne3A_1206 = arith.cmpi ne, %rem3A_1204, %ne3A_1205 : i32
      %and3A_1207 = arith.andi %ne3A_1203, %ne3A_1206 : i1
      %sub3A_1208 = arith.constant 1 : i32
      %sub3A_1209 = arith.subi %div3A_1188, %sub3A_1208 : i32
      %select_n3A_1210 = arith.select %and3A_1207, %sub3A_1209, %div3A_1188 : i32
      %mul3A_1211 = arith.constant 128 : i32
      %mul3A_1212 = arith.muli %select_n3A_1210, %mul3A_1211 : i32
      %add3A_1213 = arith.addi %mul3A_2, %mul3A_1212 : i32
      %dma_start3A_1214 = arith.constant 6 : i32
      %dma_start3A_1215 = arith.constant 0 : i32
      %dma_start3A_1216 = arith.constant 0 : i32
      %dma_start3A_1217 = tpu.memref_slice %arg6[%rem3A_535, %dma_start3A_1214, %dma_start3A_1215, %dma_start3A_1216] : memref<2x8x128x32xf32, #tpu.memory_space<vmem>> -> memref<1x1x128x32xf32, #tpu.memory_space<vmem>>
      %dma_start3A_1218 = tpu.memref_squeeze %dma_start3A_1217 : memref<1x1x128x32xf32, #tpu.memory_space<vmem>> -> memref<128x32xf32, #tpu.memory_space<vmem>>
      %dma_start3A_1219 = arith.constant 0 : i32
      %dma_start3A_1220 = tpu.memref_slice %arg4[%rem3A_1186, %add3A_1213, %dma_start3A_1219] : memref<20x16384x32xf32, #tpu.memory_space<hbm>> -> memref<1x128x32xf32, #tpu.memory_space<hbm>>
      %dma_start3A_1221 = tpu.memref_squeeze %dma_start3A_1220 : memref<1x128x32xf32, #tpu.memory_space<hbm>> -> memref<128x32xf32, #tpu.memory_space<hbm>>
      %dma_start3A_1222 = tpu.memref_slice %arg8[%rem3A_535] : memref<2x!tpu.dma_semaphore, #tpu.memory_space<semaphore_mem>> -> memref<1x!tpu.dma_semaphore, #tpu.memory_space<semaphore_mem>>
      %dma_start3A_1223 = tpu.memref_squeeze %dma_start3A_1222 : memref<1x!tpu.dma_semaphore, #tpu.memory_space<semaphore_mem>> -> memref<!tpu.dma_semaphore, #tpu.memory_space<semaphore_mem>>
      %dma_start3A_1224 = arith.constant 0 : i32
      %dma_start3A_1225 = tpu.memref_slice %arg4[%rem3A_1186, %add3A_1213, %dma_start3A_1224] : memref<20x16384x32xf32, #tpu.memory_space<hbm>> -> memref<1x128x32xf32, #tpu.memory_space<hbm>>
      %dma_start3A_1226 = tpu.memref_squeeze %dma_start3A_1225 : memref<1x128x32xf32, #tpu.memory_space<hbm>> -> memref<128x32xf32, #tpu.memory_space<hbm>>
      %dma_start3A_1227 = arith.constant 0 : i32
      %dma_start3A_1228 = arith.constant 0 : i32
      %dma_start3A_1229 = tpu.memref_slice %arg6[%rem3A_535, %dma_start3A_1214, %dma_start3A_1227, %dma_start3A_1228] : memref<2x8x128x32xf32, #tpu.memory_space<vmem>> -> memref<1x1x128x32xf32, #tpu.memory_space<vmem>>
      %dma_start3A_1230 = tpu.memref_squeeze %dma_start3A_1229 : memref<1x1x128x32xf32, #tpu.memory_space<vmem>> -> memref<128x32xf32, #tpu.memory_space<vmem>>
      tpu.enqueue_dma source(%dma_start3A_1230 : memref<128x32xf32, #tpu.memory_space<vmem>>) target(%dma_start3A_1226 : memref<128x32xf32, #tpu.memory_space<hbm>>) target_semaphore(%dma_start3A_1223 : memref<!tpu.dma_semaphore, #tpu.memory_space<semaphore_mem>>)
      %mul3A_1231 = arith.constant 8 : i32
      %mul3A_1232 = arith.muli %scan3A_533, %mul3A_1231 : i32
      %add3A_1233 = arith.constant 7 : i32
      %add3A_1234 = arith.addi %mul3A_1232, %add3A_1233 : i32
      %rem3A_1235 = arith.constant 20 : i32
      %rem3A_1236 = arith.remsi %add3A_1234, %rem3A_1235 : i32
      %jit3A_1237 = arith.constant 20 : i32
      %div3A_1238 = arith.divsi %add3A_1234, %jit3A_1237 : i32
      %sign3A_1239 = arith.constant 0 : i32
      %sign3A_1240 = arith.cmpi sgt, %add3A_1234, %sign3A_1239 : i32
      %sign3A_1241 = arith.extui %sign3A_1240 : i1 to i32
      %sign3A_1242 = arith.constant 0 : i32
      %sign3A_1243 = arith.cmpi slt, %add3A_1234, %sign3A_1242 : i32
      %sign3A_1244 = arith.extui %sign3A_1243 : i1 to i32
      %sign3A_1245 = arith.subi %sign3A_1241, %sign3A_1244 : i32
      %sign3A_1246 = arith.constant 0 : i32
      %sign3A_1247 = arith.cmpi sgt, %jit3A_1237, %sign3A_1246 : i32
      %sign3A_1248 = arith.extui %sign3A_1247 : i1 to i32
      %sign3A_1249 = arith.constant 0 : i32
      %sign3A_1250 = arith.cmpi slt, %jit3A_1237, %sign3A_1249 : i32
      %sign3A_1251 = arith.extui %sign3A_1250 : i1 to i32
      %sign3A_1252 = arith.subi %sign3A_1248, %sign3A_1251 : i32
      %ne3A_1253 = arith.cmpi ne, %sign3A_1245, %sign3A_1252 : i32
      %rem3A_1254 = arith.remsi %add3A_1234, %jit3A_1237 : i32
      %ne3A_1255 = arith.constant 0 : i32
      %ne3A_1256 = arith.cmpi ne, %rem3A_1254, %ne3A_1255 : i32
      %and3A_1257 = arith.andi %ne3A_1253, %ne3A_1256 : i1
      %sub3A_1258 = arith.constant 1 : i32
      %sub3A_1259 = arith.subi %div3A_1238, %sub3A_1258 : i32
      %select_n3A_1260 = arith.select %and3A_1257, %sub3A_1259, %div3A_1238 : i32
      %mul3A_1261 = arith.constant 128 : i32
      %mul3A_1262 = arith.muli %select_n3A_1260, %mul3A_1261 : i32
      %add3A_1263 = arith.addi %mul3A_2, %mul3A_1262 : i32
      %dma_start3A_1264 = arith.constant 7 : i32
      %dma_start3A_1265 = arith.constant 0 : i32
      %dma_start3A_1266 = arith.constant 0 : i32
      %dma_start3A_1267 = tpu.memref_slice %arg6[%rem3A_535, %dma_start3A_1264, %dma_start3A_1265, %dma_start3A_1266] : memref<2x8x128x32xf32, #tpu.memory_space<vmem>> -> memref<1x1x128x32xf32, #tpu.memory_space<vmem>>
      %dma_start3A_1268 = tpu.memref_squeeze %dma_start3A_1267 : memref<1x1x128x32xf32, #tpu.memory_space<vmem>> -> memref<128x32xf32, #tpu.memory_space<vmem>>
      %dma_start3A_1269 = arith.constant 0 : i32
      %dma_start3A_1270 = tpu.memref_slice %arg4[%rem3A_1236, %add3A_1263, %dma_start3A_1269] : memref<20x16384x32xf32, #tpu.memory_space<hbm>> -> memref<1x128x32xf32, #tpu.memory_space<hbm>>
      %dma_start3A_1271 = tpu.memref_squeeze %dma_start3A_1270 : memref<1x128x32xf32, #tpu.memory_space<hbm>> -> memref<128x32xf32, #tpu.memory_space<hbm>>
      %dma_start3A_1272 = tpu.memref_slice %arg8[%rem3A_535] : memref<2x!tpu.dma_semaphore, #tpu.memory_space<semaphore_mem>> -> memref<1x!tpu.dma_semaphore, #tpu.memory_space<semaphore_mem>>
      %dma_start3A_1273 = tpu.memref_squeeze %dma_start3A_1272 : memref<1x!tpu.dma_semaphore, #tpu.memory_space<semaphore_mem>> -> memref<!tpu.dma_semaphore, #tpu.memory_space<semaphore_mem>>
      %dma_start3A_1274 = arith.constant 0 : i32
      %dma_start3A_1275 = tpu.memref_slice %arg4[%rem3A_1236, %add3A_1263, %dma_start3A_1274] : memref<20x16384x32xf32, #tpu.memory_space<hbm>> -> memref<1x128x32xf32, #tpu.memory_space<hbm>>
      %dma_start3A_1276 = tpu.memref_squeeze %dma_start3A_1275 : memref<1x128x32xf32, #tpu.memory_space<hbm>> -> memref<128x32xf32, #tpu.memory_space<hbm>>
      %dma_start3A_1277 = arith.constant 0 : i32
      %dma_start3A_1278 = arith.constant 0 : i32
      %dma_start3A_1279 = tpu.memref_slice %arg6[%rem3A_535, %dma_start3A_1264, %dma_start3A_1277, %dma_start3A_1278] : memref<2x8x128x32xf32, #tpu.memory_space<vmem>> -> memref<1x1x128x32xf32, #tpu.memory_space<vmem>>
      %dma_start3A_1280 = tpu.memref_squeeze %dma_start3A_1279 : memref<1x1x128x32xf32, #tpu.memory_space<vmem>> -> memref<128x32xf32, #tpu.memory_space<vmem>>
      tpu.enqueue_dma source(%dma_start3A_1280 : memref<128x32xf32, #tpu.memory_space<vmem>>) target(%dma_start3A_1276 : memref<128x32xf32, #tpu.memory_space<hbm>>) target_semaphore(%dma_start3A_1273 : memref<!tpu.dma_semaphore, #tpu.memory_space<semaphore_mem>>)
      %add3A_1281 = arith.constant 1 : i32
      %add3A_1282 = arith.addi %scan3A_533, %add3A_1281 : i32
      %lt3A = arith.constant 10 : i32
      %lt3A_1283 = arith.cmpi slt, %add3A_1282, %lt3A : i32
      %convert_element_type3A = arith.extui %lt3A_1283 : i1 to i32
      %cond3A = arith.constant 0 : i32
      %cond3A_1284 = arith.cmpi ne, %convert_element_type3A, %cond3A : i32
      scf.if %cond3A_1284 {
        %ge3A = arith.constant 1 : i32
        %ge3A_1285 = arith.cmpi sge, %scan3A_533, %ge3A : i32
        %convert_element_type3A_1286 = arith.extui %ge3A_1285 : i1 to i32
        %cond3A_1287 = arith.constant 0 : i32
        %cond3A_1288 = arith.cmpi ne, %convert_element_type3A_1286, %cond3A_1287 : i32
        scf.if %cond3A_1288 {
          %sub3A_1645 = arith.constant 1 : i32
          %sub3A_1646 = arith.subi %scan3A_533, %sub3A_1645 : i32
          %sub3A_1647 = arith.constant 1 : i32
          %sub3A_1648 = arith.subi %sub3A_1647, %rem3A_535 : i32
          %mul3A_1649 = arith.constant 8 : i32
          %mul3A_1650 = arith.muli %sub3A_1646, %mul3A_1649 : i32
          %add3A_1651 = arith.constant 0 : i32
          %add3A_1652 = arith.addi %mul3A_1650, %add3A_1651 : i32
          %rem3A_1653 = arith.constant 20 : i32
          %rem3A_1654 = arith.remsi %add3A_1652, %rem3A_1653 : i32
          %jit3A_1655 = arith.constant 20 : i32
          %div3A_1656 = arith.divsi %add3A_1652, %jit3A_1655 : i32
          %sign3A_1657 = arith.constant 0 : i32
          %sign3A_1658 = arith.cmpi sgt, %add3A_1652, %sign3A_1657 : i32
          %sign3A_1659 = arith.extui %sign3A_1658 : i1 to i32
          %sign3A_1660 = arith.constant 0 : i32
          %sign3A_1661 = arith.cmpi slt, %add3A_1652, %sign3A_1660 : i32
          %sign3A_1662 = arith.extui %sign3A_1661 : i1 to i32
          %sign3A_1663 = arith.subi %sign3A_1659, %sign3A_1662 : i32
          %sign3A_1664 = arith.constant 0 : i32
          %sign3A_1665 = arith.cmpi sgt, %jit3A_1655, %sign3A_1664 : i32
          %sign3A_1666 = arith.extui %sign3A_1665 : i1 to i32
          %sign3A_1667 = arith.constant 0 : i32
          %sign3A_1668 = arith.cmpi slt, %jit3A_1655, %sign3A_1667 : i32
          %sign3A_1669 = arith.extui %sign3A_1668 : i1 to i32
          %sign3A_1670 = arith.subi %sign3A_1666, %sign3A_1669 : i32
          %ne3A_1671 = arith.cmpi ne, %sign3A_1663, %sign3A_1670 : i32
          %rem3A_1672 = arith.remsi %add3A_1652, %jit3A_1655 : i32
          %ne3A_1673 = arith.constant 0 : i32
          %ne3A_1674 = arith.cmpi ne, %rem3A_1672, %ne3A_1673 : i32
          %and3A_1675 = arith.andi %ne3A_1671, %ne3A_1674 : i1
          %sub3A_1676 = arith.constant 1 : i32
          %sub3A_1677 = arith.subi %div3A_1656, %sub3A_1676 : i32
          %select_n3A_1678 = arith.select %and3A_1675, %sub3A_1677, %div3A_1656 : i32
          %mul3A_1679 = arith.constant 128 : i32
          %mul3A_1680 = arith.muli %select_n3A_1678, %mul3A_1679 : i32
          %add3A_1681 = arith.addi %mul3A_2, %mul3A_1680 : i32
          %dma_wait3A_1682 = arith.constant 0 : i32
          %dma_wait3A_1683 = arith.constant 0 : i32
          %dma_wait3A_1684 = arith.constant 0 : i32
          %dma_wait3A_1685 = tpu.memref_slice %arg6[%sub3A_1648, %dma_wait3A_1682, %dma_wait3A_1683, %dma_wait3A_1684] : memref<2x8x128x32xf32, #tpu.memory_space<vmem>> -> memref<1x1x128x32xf32, #tpu.memory_space<vmem>>
          %dma_wait3A_1686 = tpu.memref_squeeze %dma_wait3A_1685 : memref<1x1x128x32xf32, #tpu.memory_space<vmem>> -> memref<128x32xf32, #tpu.memory_space<vmem>>
          %dma_wait3A_1687 = arith.constant 0 : i32
          %dma_wait3A_1688 = tpu.memref_slice %arg4[%rem3A_1654, %add3A_1681, %dma_wait3A_1687] : memref<20x16384x32xf32, #tpu.memory_space<hbm>> -> memref<1x128x32xf32, #tpu.memory_space<hbm>>
          %dma_wait3A_1689 = tpu.memref_squeeze %dma_wait3A_1688 : memref<1x128x32xf32, #tpu.memory_space<hbm>> -> memref<128x32xf32, #tpu.memory_space<hbm>>
          %dma_wait3A_1690 = tpu.memref_slice %arg8[%sub3A_1648] : memref<2x!tpu.dma_semaphore, #tpu.memory_space<semaphore_mem>> -> memref<1x!tpu.dma_semaphore, #tpu.memory_space<semaphore_mem>>
          %dma_wait3A_1691 = tpu.memref_squeeze %dma_wait3A_1690 : memref<1x!tpu.dma_semaphore, #tpu.memory_space<semaphore_mem>> -> memref<!tpu.dma_semaphore, #tpu.memory_space<semaphore_mem>>
          %dma_wait3A_1692 = arith.constant 0 : i32
          %dma_wait3A_1693 = tpu.memref_slice %arg4[%rem3A_1654, %add3A_1681, %dma_wait3A_1692] : memref<20x16384x32xf32, #tpu.memory_space<hbm>> -> memref<1x128x32xf32, #tpu.memory_space<hbm>>
          %dma_wait3A_1694 = tpu.memref_squeeze %dma_wait3A_1693 : memref<1x128x32xf32, #tpu.memory_space<hbm>> -> memref<128x32xf32, #tpu.memory_space<hbm>>
          %dma_wait3A_1695 = arith.constant 0 : i32
          %dma_wait3A_1696 = arith.constant 0 : i32
          %dma_wait3A_1697 = tpu.memref_slice %arg6[%sub3A_1648, %dma_wait3A_1682, %dma_wait3A_1695, %dma_wait3A_1696] : memref<2x8x128x32xf32, #tpu.memory_space<vmem>> -> memref<1x1x128x32xf32, #tpu.memory_space<vmem>>
          %dma_wait3A_1698 = tpu.memref_squeeze %dma_wait3A_1697 : memref<1x1x128x32xf32, #tpu.memory_space<vmem>> -> memref<128x32xf32, #tpu.memory_space<vmem>>
          tpu.wait_dma2 semaphore(%dma_wait3A_1691 : memref<!tpu.dma_semaphore, #tpu.memory_space<semaphore_mem>>) src(%dma_wait3A_1698 : memref<128x32xf32, #tpu.memory_space<vmem>>) dst(%dma_wait3A_1694 : memref<128x32xf32, #tpu.memory_space<hbm>>)
          %mul3A_1699 = arith.constant 8 : i32
          %mul3A_1700 = arith.muli %sub3A_1646, %mul3A_1699 : i32
          %add3A_1701 = arith.constant 1 : i32
          %add3A_1702 = arith.addi %mul3A_1700, %add3A_1701 : i32
          %rem3A_1703 = arith.constant 20 : i32
          %rem3A_1704 = arith.remsi %add3A_1702, %rem3A_1703 : i32
          %jit3A_1705 = arith.constant 20 : i32
          %div3A_1706 = arith.divsi %add3A_1702, %jit3A_1705 : i32
          %sign3A_1707 = arith.constant 0 : i32
          %sign3A_1708 = arith.cmpi sgt, %add3A_1702, %sign3A_1707 : i32
          %sign3A_1709 = arith.extui %sign3A_1708 : i1 to i32
          %sign3A_1710 = arith.constant 0 : i32
          %sign3A_1711 = arith.cmpi slt, %add3A_1702, %sign3A_1710 : i32
          %sign3A_1712 = arith.extui %sign3A_1711 : i1 to i32
          %sign3A_1713 = arith.subi %sign3A_1709, %sign3A_1712 : i32
          %sign3A_1714 = arith.constant 0 : i32
          %sign3A_1715 = arith.cmpi sgt, %jit3A_1705, %sign3A_1714 : i32
          %sign3A_1716 = arith.extui %sign3A_1715 : i1 to i32
          %sign3A_1717 = arith.constant 0 : i32
          %sign3A_1718 = arith.cmpi slt, %jit3A_1705, %sign3A_1717 : i32
          %sign3A_1719 = arith.extui %sign3A_1718 : i1 to i32
          %sign3A_1720 = arith.subi %sign3A_1716, %sign3A_1719 : i32
          %ne3A_1721 = arith.cmpi ne, %sign3A_1713, %sign3A_1720 : i32
          %rem3A_1722 = arith.remsi %add3A_1702, %jit3A_1705 : i32
          %ne3A_1723 = arith.constant 0 : i32
          %ne3A_1724 = arith.cmpi ne, %rem3A_1722, %ne3A_1723 : i32
          %and3A_1725 = arith.andi %ne3A_1721, %ne3A_1724 : i1
          %sub3A_1726 = arith.constant 1 : i32
          %sub3A_1727 = arith.subi %div3A_1706, %sub3A_1726 : i32
          %select_n3A_1728 = arith.select %and3A_1725, %sub3A_1727, %div3A_1706 : i32
          %mul3A_1729 = arith.constant 128 : i32
          %mul3A_1730 = arith.muli %select_n3A_1728, %mul3A_1729 : i32
          %add3A_1731 = arith.addi %mul3A_2, %mul3A_1730 : i32
          %dma_wait3A_1732 = arith.constant 1 : i32
          %dma_wait3A_1733 = arith.constant 0 : i32
          %dma_wait3A_1734 = arith.constant 0 : i32
          %dma_wait3A_1735 = tpu.memref_slice %arg6[%sub3A_1648, %dma_wait3A_1732, %dma_wait3A_1733, %dma_wait3A_1734] : memref<2x8x128x32xf32, #tpu.memory_space<vmem>> -> memref<1x1x128x32xf32, #tpu.memory_space<vmem>>
          %dma_wait3A_1736 = tpu.memref_squeeze %dma_wait3A_1735 : memref<1x1x128x32xf32, #tpu.memory_space<vmem>> -> memref<128x32xf32, #tpu.memory_space<vmem>>
          %dma_wait3A_1737 = arith.constant 0 : i32
          %dma_wait3A_1738 = tpu.memref_slice %arg4[%rem3A_1704, %add3A_1731, %dma_wait3A_1737] : memref<20x16384x32xf32, #tpu.memory_space<hbm>> -> memref<1x128x32xf32, #tpu.memory_space<hbm>>
          %dma_wait3A_1739 = tpu.memref_squeeze %dma_wait3A_1738 : memref<1x128x32xf32, #tpu.memory_space<hbm>> -> memref<128x32xf32, #tpu.memory_space<hbm>>
          %dma_wait3A_1740 = tpu.memref_slice %arg8[%sub3A_1648] : memref<2x!tpu.dma_semaphore, #tpu.memory_space<semaphore_mem>> -> memref<1x!tpu.dma_semaphore, #tpu.memory_space<semaphore_mem>>
          %dma_wait3A_1741 = tpu.memref_squeeze %dma_wait3A_1740 : memref<1x!tpu.dma_semaphore, #tpu.memory_space<semaphore_mem>> -> memref<!tpu.dma_semaphore, #tpu.memory_space<semaphore_mem>>
          %dma_wait3A_1742 = arith.constant 0 : i32
          %dma_wait3A_1743 = tpu.memref_slice %arg4[%rem3A_1704, %add3A_1731, %dma_wait3A_1742] : memref<20x16384x32xf32, #tpu.memory_space<hbm>> -> memref<1x128x32xf32, #tpu.memory_space<hbm>>
          %dma_wait3A_1744 = tpu.memref_squeeze %dma_wait3A_1743 : memref<1x128x32xf32, #tpu.memory_space<hbm>> -> memref<128x32xf32, #tpu.memory_space<hbm>>
          %dma_wait3A_1745 = arith.constant 0 : i32
          %dma_wait3A_1746 = arith.constant 0 : i32
          %dma_wait3A_1747 = tpu.memref_slice %arg6[%sub3A_1648, %dma_wait3A_1732, %dma_wait3A_1745, %dma_wait3A_1746] : memref<2x8x128x32xf32, #tpu.memory_space<vmem>> -> memref<1x1x128x32xf32, #tpu.memory_space<vmem>>
          %dma_wait3A_1748 = tpu.memref_squeeze %dma_wait3A_1747 : memref<1x1x128x32xf32, #tpu.memory_space<vmem>> -> memref<128x32xf32, #tpu.memory_space<vmem>>
          tpu.wait_dma2 semaphore(%dma_wait3A_1741 : memref<!tpu.dma_semaphore, #tpu.memory_space<semaphore_mem>>) src(%dma_wait3A_1748 : memref<128x32xf32, #tpu.memory_space<vmem>>) dst(%dma_wait3A_1744 : memref<128x32xf32, #tpu.memory_space<hbm>>)
          %mul3A_1749 = arith.constant 8 : i32
          %mul3A_1750 = arith.muli %sub3A_1646, %mul3A_1749 : i32
          %add3A_1751 = arith.constant 2 : i32
          %add3A_1752 = arith.addi %mul3A_1750, %add3A_1751 : i32
          %rem3A_1753 = arith.constant 20 : i32
          %rem3A_1754 = arith.remsi %add3A_1752, %rem3A_1753 : i32
          %jit3A_1755 = arith.constant 20 : i32
          %div3A_1756 = arith.divsi %add3A_1752, %jit3A_1755 : i32
          %sign3A_1757 = arith.constant 0 : i32
          %sign3A_1758 = arith.cmpi sgt, %add3A_1752, %sign3A_1757 : i32
          %sign3A_1759 = arith.extui %sign3A_1758 : i1 to i32
          %sign3A_1760 = arith.constant 0 : i32
          %sign3A_1761 = arith.cmpi slt, %add3A_1752, %sign3A_1760 : i32
          %sign3A_1762 = arith.extui %sign3A_1761 : i1 to i32
          %sign3A_1763 = arith.subi %sign3A_1759, %sign3A_1762 : i32
          %sign3A_1764 = arith.constant 0 : i32
          %sign3A_1765 = arith.cmpi sgt, %jit3A_1755, %sign3A_1764 : i32
          %sign3A_1766 = arith.extui %sign3A_1765 : i1 to i32
          %sign3A_1767 = arith.constant 0 : i32
          %sign3A_1768 = arith.cmpi slt, %jit3A_1755, %sign3A_1767 : i32
          %sign3A_1769 = arith.extui %sign3A_1768 : i1 to i32
          %sign3A_1770 = arith.subi %sign3A_1766, %sign3A_1769 : i32
          %ne3A_1771 = arith.cmpi ne, %sign3A_1763, %sign3A_1770 : i32
          %rem3A_1772 = arith.remsi %add3A_1752, %jit3A_1755 : i32
          %ne3A_1773 = arith.constant 0 : i32
          %ne3A_1774 = arith.cmpi ne, %rem3A_1772, %ne3A_1773 : i32
          %and3A_1775 = arith.andi %ne3A_1771, %ne3A_1774 : i1
          %sub3A_1776 = arith.constant 1 : i32
          %sub3A_1777 = arith.subi %div3A_1756, %sub3A_1776 : i32
          %select_n3A_1778 = arith.select %and3A_1775, %sub3A_1777, %div3A_1756 : i32
          %mul3A_1779 = arith.constant 128 : i32
          %mul3A_1780 = arith.muli %select_n3A_1778, %mul3A_1779 : i32
          %add3A_1781 = arith.addi %mul3A_2, %mul3A_1780 : i32
          %dma_wait3A_1782 = arith.constant 2 : i32
          %dma_wait3A_1783 = arith.constant 0 : i32
          %dma_wait3A_1784 = arith.constant 0 : i32
          %dma_wait3A_1785 = tpu.memref_slice %arg6[%sub3A_1648, %dma_wait3A_1782, %dma_wait3A_1783, %dma_wait3A_1784] : memref<2x8x128x32xf32, #tpu.memory_space<vmem>> -> memref<1x1x128x32xf32, #tpu.memory_space<vmem>>
          %dma_wait3A_1786 = tpu.memref_squeeze %dma_wait3A_1785 : memref<1x1x128x32xf32, #tpu.memory_space<vmem>> -> memref<128x32xf32, #tpu.memory_space<vmem>>
          %dma_wait3A_1787 = arith.constant 0 : i32
          %dma_wait3A_1788 = tpu.memref_slice %arg4[%rem3A_1754, %add3A_1781, %dma_wait3A_1787] : memref<20x16384x32xf32, #tpu.memory_space<hbm>> -> memref<1x128x32xf32, #tpu.memory_space<hbm>>
          %dma_wait3A_1789 = tpu.memref_squeeze %dma_wait3A_1788 : memref<1x128x32xf32, #tpu.memory_space<hbm>> -> memref<128x32xf32, #tpu.memory_space<hbm>>
          %dma_wait3A_1790 = tpu.memref_slice %arg8[%sub3A_1648] : memref<2x!tpu.dma_semaphore, #tpu.memory_space<semaphore_mem>> -> memref<1x!tpu.dma_semaphore, #tpu.memory_space<semaphore_mem>>
          %dma_wait3A_1791 = tpu.memref_squeeze %dma_wait3A_1790 : memref<1x!tpu.dma_semaphore, #tpu.memory_space<semaphore_mem>> -> memref<!tpu.dma_semaphore, #tpu.memory_space<semaphore_mem>>
          %dma_wait3A_1792 = arith.constant 0 : i32
          %dma_wait3A_1793 = tpu.memref_slice %arg4[%rem3A_1754, %add3A_1781, %dma_wait3A_1792] : memref<20x16384x32xf32, #tpu.memory_space<hbm>> -> memref<1x128x32xf32, #tpu.memory_space<hbm>>
          %dma_wait3A_1794 = tpu.memref_squeeze %dma_wait3A_1793 : memref<1x128x32xf32, #tpu.memory_space<hbm>> -> memref<128x32xf32, #tpu.memory_space<hbm>>
          %dma_wait3A_1795 = arith.constant 0 : i32
          %dma_wait3A_1796 = arith.constant 0 : i32
          %dma_wait3A_1797 = tpu.memref_slice %arg6[%sub3A_1648, %dma_wait3A_1782, %dma_wait3A_1795, %dma_wait3A_1796] : memref<2x8x128x32xf32, #tpu.memory_space<vmem>> -> memref<1x1x128x32xf32, #tpu.memory_space<vmem>>
          %dma_wait3A_1798 = tpu.memref_squeeze %dma_wait3A_1797 : memref<1x1x128x32xf32, #tpu.memory_space<vmem>> -> memref<128x32xf32, #tpu.memory_space<vmem>>
          tpu.wait_dma2 semaphore(%dma_wait3A_1791 : memref<!tpu.dma_semaphore, #tpu.memory_space<semaphore_mem>>) src(%dma_wait3A_1798 : memref<128x32xf32, #tpu.memory_space<vmem>>) dst(%dma_wait3A_1794 : memref<128x32xf32, #tpu.memory_space<hbm>>)
          %mul3A_1799 = arith.constant 8 : i32
          %mul3A_1800 = arith.muli %sub3A_1646, %mul3A_1799 : i32
          %add3A_1801 = arith.constant 3 : i32
          %add3A_1802 = arith.addi %mul3A_1800, %add3A_1801 : i32
          %rem3A_1803 = arith.constant 20 : i32
          %rem3A_1804 = arith.remsi %add3A_1802, %rem3A_1803 : i32
          %jit3A_1805 = arith.constant 20 : i32
          %div3A_1806 = arith.divsi %add3A_1802, %jit3A_1805 : i32
          %sign3A_1807 = arith.constant 0 : i32
          %sign3A_1808 = arith.cmpi sgt, %add3A_1802, %sign3A_1807 : i32
          %sign3A_1809 = arith.extui %sign3A_1808 : i1 to i32
          %sign3A_1810 = arith.constant 0 : i32
          %sign3A_1811 = arith.cmpi slt, %add3A_1802, %sign3A_1810 : i32
          %sign3A_1812 = arith.extui %sign3A_1811 : i1 to i32
          %sign3A_1813 = arith.subi %sign3A_1809, %sign3A_1812 : i32
          %sign3A_1814 = arith.constant 0 : i32
          %sign3A_1815 = arith.cmpi sgt, %jit3A_1805, %sign3A_1814 : i32
          %sign3A_1816 = arith.extui %sign3A_1815 : i1 to i32
          %sign3A_1817 = arith.constant 0 : i32
          %sign3A_1818 = arith.cmpi slt, %jit3A_1805, %sign3A_1817 : i32
          %sign3A_1819 = arith.extui %sign3A_1818 : i1 to i32
          %sign3A_1820 = arith.subi %sign3A_1816, %sign3A_1819 : i32
          %ne3A_1821 = arith.cmpi ne, %sign3A_1813, %sign3A_1820 : i32
          %rem3A_1822 = arith.remsi %add3A_1802, %jit3A_1805 : i32
          %ne3A_1823 = arith.constant 0 : i32
          %ne3A_1824 = arith.cmpi ne, %rem3A_1822, %ne3A_1823 : i32
          %and3A_1825 = arith.andi %ne3A_1821, %ne3A_1824 : i1
          %sub3A_1826 = arith.constant 1 : i32
          %sub3A_1827 = arith.subi %div3A_1806, %sub3A_1826 : i32
          %select_n3A_1828 = arith.select %and3A_1825, %sub3A_1827, %div3A_1806 : i32
          %mul3A_1829 = arith.constant 128 : i32
          %mul3A_1830 = arith.muli %select_n3A_1828, %mul3A_1829 : i32
          %add3A_1831 = arith.addi %mul3A_2, %mul3A_1830 : i32
          %dma_wait3A_1832 = arith.constant 3 : i32
          %dma_wait3A_1833 = arith.constant 0 : i32
          %dma_wait3A_1834 = arith.constant 0 : i32
          %dma_wait3A_1835 = tpu.memref_slice %arg6[%sub3A_1648, %dma_wait3A_1832, %dma_wait3A_1833, %dma_wait3A_1834] : memref<2x8x128x32xf32, #tpu.memory_space<vmem>> -> memref<1x1x128x32xf32, #tpu.memory_space<vmem>>
          %dma_wait3A_1836 = tpu.memref_squeeze %dma_wait3A_1835 : memref<1x1x128x32xf32, #tpu.memory_space<vmem>> -> memref<128x32xf32, #tpu.memory_space<vmem>>
          %dma_wait3A_1837 = arith.constant 0 : i32
          %dma_wait3A_1838 = tpu.memref_slice %arg4[%rem3A_1804, %add3A_1831, %dma_wait3A_1837] : memref<20x16384x32xf32, #tpu.memory_space<hbm>> -> memref<1x128x32xf32, #tpu.memory_space<hbm>>
          %dma_wait3A_1839 = tpu.memref_squeeze %dma_wait3A_1838 : memref<1x128x32xf32, #tpu.memory_space<hbm>> -> memref<128x32xf32, #tpu.memory_space<hbm>>
          %dma_wait3A_1840 = tpu.memref_slice %arg8[%sub3A_1648] : memref<2x!tpu.dma_semaphore, #tpu.memory_space<semaphore_mem>> -> memref<1x!tpu.dma_semaphore, #tpu.memory_space<semaphore_mem>>
          %dma_wait3A_1841 = tpu.memref_squeeze %dma_wait3A_1840 : memref<1x!tpu.dma_semaphore, #tpu.memory_space<semaphore_mem>> -> memref<!tpu.dma_semaphore, #tpu.memory_space<semaphore_mem>>
          %dma_wait3A_1842 = arith.constant 0 : i32
          %dma_wait3A_1843 = tpu.memref_slice %arg4[%rem3A_1804, %add3A_1831, %dma_wait3A_1842] : memref<20x16384x32xf32, #tpu.memory_space<hbm>> -> memref<1x128x32xf32, #tpu.memory_space<hbm>>
          %dma_wait3A_1844 = tpu.memref_squeeze %dma_wait3A_1843 : memref<1x128x32xf32, #tpu.memory_space<hbm>> -> memref<128x32xf32, #tpu.memory_space<hbm>>
          %dma_wait3A_1845 = arith.constant 0 : i32
          %dma_wait3A_1846 = arith.constant 0 : i32
          %dma_wait3A_1847 = tpu.memref_slice %arg6[%sub3A_1648, %dma_wait3A_1832, %dma_wait3A_1845, %dma_wait3A_1846] : memref<2x8x128x32xf32, #tpu.memory_space<vmem>> -> memref<1x1x128x32xf32, #tpu.memory_space<vmem>>
          %dma_wait3A_1848 = tpu.memref_squeeze %dma_wait3A_1847 : memref<1x1x128x32xf32, #tpu.memory_space<vmem>> -> memref<128x32xf32, #tpu.memory_space<vmem>>
          tpu.wait_dma2 semaphore(%dma_wait3A_1841 : memref<!tpu.dma_semaphore, #tpu.memory_space<semaphore_mem>>) src(%dma_wait3A_1848 : memref<128x32xf32, #tpu.memory_space<vmem>>) dst(%dma_wait3A_1844 : memref<128x32xf32, #tpu.memory_space<hbm>>)
          %mul3A_1849 = arith.constant 8 : i32
          %mul3A_1850 = arith.muli %sub3A_1646, %mul3A_1849 : i32
          %add3A_1851 = arith.constant 4 : i32
          %add3A_1852 = arith.addi %mul3A_1850, %add3A_1851 : i32
          %rem3A_1853 = arith.constant 20 : i32
          %rem3A_1854 = arith.remsi %add3A_1852, %rem3A_1853 : i32
          %jit3A_1855 = arith.constant 20 : i32
          %div3A_1856 = arith.divsi %add3A_1852, %jit3A_1855 : i32
          %sign3A_1857 = arith.constant 0 : i32
          %sign3A_1858 = arith.cmpi sgt, %add3A_1852, %sign3A_1857 : i32
          %sign3A_1859 = arith.extui %sign3A_1858 : i1 to i32
          %sign3A_1860 = arith.constant 0 : i32
          %sign3A_1861 = arith.cmpi slt, %add3A_1852, %sign3A_1860 : i32
          %sign3A_1862 = arith.extui %sign3A_1861 : i1 to i32
          %sign3A_1863 = arith.subi %sign3A_1859, %sign3A_1862 : i32
          %sign3A_1864 = arith.constant 0 : i32
          %sign3A_1865 = arith.cmpi sgt, %jit3A_1855, %sign3A_1864 : i32
          %sign3A_1866 = arith.extui %sign3A_1865 : i1 to i32
          %sign3A_1867 = arith.constant 0 : i32
          %sign3A_1868 = arith.cmpi slt, %jit3A_1855, %sign3A_1867 : i32
          %sign3A_1869 = arith.extui %sign3A_1868 : i1 to i32
          %sign3A_1870 = arith.subi %sign3A_1866, %sign3A_1869 : i32
          %ne3A_1871 = arith.cmpi ne, %sign3A_1863, %sign3A_1870 : i32
          %rem3A_1872 = arith.remsi %add3A_1852, %jit3A_1855 : i32
          %ne3A_1873 = arith.constant 0 : i32
          %ne3A_1874 = arith.cmpi ne, %rem3A_1872, %ne3A_1873 : i32
          %and3A_1875 = arith.andi %ne3A_1871, %ne3A_1874 : i1
          %sub3A_1876 = arith.constant 1 : i32
          %sub3A_1877 = arith.subi %div3A_1856, %sub3A_1876 : i32
          %select_n3A_1878 = arith.select %and3A_1875, %sub3A_1877, %div3A_1856 : i32
          %mul3A_1879 = arith.constant 128 : i32
          %mul3A_1880 = arith.muli %select_n3A_1878, %mul3A_1879 : i32
          %add3A_1881 = arith.addi %mul3A_2, %mul3A_1880 : i32
          %dma_wait3A_1882 = arith.constant 4 : i32
          %dma_wait3A_1883 = arith.constant 0 : i32
          %dma_wait3A_1884 = arith.constant 0 : i32
          %dma_wait3A_1885 = tpu.memref_slice %arg6[%sub3A_1648, %dma_wait3A_1882, %dma_wait3A_1883, %dma_wait3A_1884] : memref<2x8x128x32xf32, #tpu.memory_space<vmem>> -> memref<1x1x128x32xf32, #tpu.memory_space<vmem>>
          %dma_wait3A_1886 = tpu.memref_squeeze %dma_wait3A_1885 : memref<1x1x128x32xf32, #tpu.memory_space<vmem>> -> memref<128x32xf32, #tpu.memory_space<vmem>>
          %dma_wait3A_1887 = arith.constant 0 : i32
          %dma_wait3A_1888 = tpu.memref_slice %arg4[%rem3A_1854, %add3A_1881, %dma_wait3A_1887] : memref<20x16384x32xf32, #tpu.memory_space<hbm>> -> memref<1x128x32xf32, #tpu.memory_space<hbm>>
          %dma_wait3A_1889 = tpu.memref_squeeze %dma_wait3A_1888 : memref<1x128x32xf32, #tpu.memory_space<hbm>> -> memref<128x32xf32, #tpu.memory_space<hbm>>
          %dma_wait3A_1890 = tpu.memref_slice %arg8[%sub3A_1648] : memref<2x!tpu.dma_semaphore, #tpu.memory_space<semaphore_mem>> -> memref<1x!tpu.dma_semaphore, #tpu.memory_space<semaphore_mem>>
          %dma_wait3A_1891 = tpu.memref_squeeze %dma_wait3A_1890 : memref<1x!tpu.dma_semaphore, #tpu.memory_space<semaphore_mem>> -> memref<!tpu.dma_semaphore, #tpu.memory_space<semaphore_mem>>
          %dma_wait3A_1892 = arith.constant 0 : i32
          %dma_wait3A_1893 = tpu.memref_slice %arg4[%rem3A_1854, %add3A_1881, %dma_wait3A_1892] : memref<20x16384x32xf32, #tpu.memory_space<hbm>> -> memref<1x128x32xf32, #tpu.memory_space<hbm>>
          %dma_wait3A_1894 = tpu.memref_squeeze %dma_wait3A_1893 : memref<1x128x32xf32, #tpu.memory_space<hbm>> -> memref<128x32xf32, #tpu.memory_space<hbm>>
          %dma_wait3A_1895 = arith.constant 0 : i32
          %dma_wait3A_1896 = arith.constant 0 : i32
          %dma_wait3A_1897 = tpu.memref_slice %arg6[%sub3A_1648, %dma_wait3A_1882, %dma_wait3A_1895, %dma_wait3A_1896] : memref<2x8x128x32xf32, #tpu.memory_space<vmem>> -> memref<1x1x128x32xf32, #tpu.memory_space<vmem>>
          %dma_wait3A_1898 = tpu.memref_squeeze %dma_wait3A_1897 : memref<1x1x128x32xf32, #tpu.memory_space<vmem>> -> memref<128x32xf32, #tpu.memory_space<vmem>>
          tpu.wait_dma2 semaphore(%dma_wait3A_1891 : memref<!tpu.dma_semaphore, #tpu.memory_space<semaphore_mem>>) src(%dma_wait3A_1898 : memref<128x32xf32, #tpu.memory_space<vmem>>) dst(%dma_wait3A_1894 : memref<128x32xf32, #tpu.memory_space<hbm>>)
          %mul3A_1899 = arith.constant 8 : i32
          %mul3A_1900 = arith.muli %sub3A_1646, %mul3A_1899 : i32
          %add3A_1901 = arith.constant 5 : i32
          %add3A_1902 = arith.addi %mul3A_1900, %add3A_1901 : i32
          %rem3A_1903 = arith.constant 20 : i32
          %rem3A_1904 = arith.remsi %add3A_1902, %rem3A_1903 : i32
          %jit3A_1905 = arith.constant 20 : i32
          %div3A_1906 = arith.divsi %add3A_1902, %jit3A_1905 : i32
          %sign3A_1907 = arith.constant 0 : i32
          %sign3A_1908 = arith.cmpi sgt, %add3A_1902, %sign3A_1907 : i32
          %sign3A_1909 = arith.extui %sign3A_1908 : i1 to i32
          %sign3A_1910 = arith.constant 0 : i32
          %sign3A_1911 = arith.cmpi slt, %add3A_1902, %sign3A_1910 : i32
          %sign3A_1912 = arith.extui %sign3A_1911 : i1 to i32
          %sign3A_1913 = arith.subi %sign3A_1909, %sign3A_1912 : i32
          %sign3A_1914 = arith.constant 0 : i32
          %sign3A_1915 = arith.cmpi sgt, %jit3A_1905, %sign3A_1914 : i32
          %sign3A_1916 = arith.extui %sign3A_1915 : i1 to i32
          %sign3A_1917 = arith.constant 0 : i32
          %sign3A_1918 = arith.cmpi slt, %jit3A_1905, %sign3A_1917 : i32
          %sign3A_1919 = arith.extui %sign3A_1918 : i1 to i32
          %sign3A_1920 = arith.subi %sign3A_1916, %sign3A_1919 : i32
          %ne3A_1921 = arith.cmpi ne, %sign3A_1913, %sign3A_1920 : i32
          %rem3A_1922 = arith.remsi %add3A_1902, %jit3A_1905 : i32
          %ne3A_1923 = arith.constant 0 : i32
          %ne3A_1924 = arith.cmpi ne, %rem3A_1922, %ne3A_1923 : i32
          %and3A_1925 = arith.andi %ne3A_1921, %ne3A_1924 : i1
          %sub3A_1926 = arith.constant 1 : i32
          %sub3A_1927 = arith.subi %div3A_1906, %sub3A_1926 : i32
          %select_n3A_1928 = arith.select %and3A_1925, %sub3A_1927, %div3A_1906 : i32
          %mul3A_1929 = arith.constant 128 : i32
          %mul3A_1930 = arith.muli %select_n3A_1928, %mul3A_1929 : i32
          %add3A_1931 = arith.addi %mul3A_2, %mul3A_1930 : i32
          %dma_wait3A_1932 = arith.constant 5 : i32
          %dma_wait3A_1933 = arith.constant 0 : i32
          %dma_wait3A_1934 = arith.constant 0 : i32
          %dma_wait3A_1935 = tpu.memref_slice %arg6[%sub3A_1648, %dma_wait3A_1932, %dma_wait3A_1933, %dma_wait3A_1934] : memref<2x8x128x32xf32, #tpu.memory_space<vmem>> -> memref<1x1x128x32xf32, #tpu.memory_space<vmem>>
          %dma_wait3A_1936 = tpu.memref_squeeze %dma_wait3A_1935 : memref<1x1x128x32xf32, #tpu.memory_space<vmem>> -> memref<128x32xf32, #tpu.memory_space<vmem>>
          %dma_wait3A_1937 = arith.constant 0 : i32
          %dma_wait3A_1938 = tpu.memref_slice %arg4[%rem3A_1904, %add3A_1931, %dma_wait3A_1937] : memref<20x16384x32xf32, #tpu.memory_space<hbm>> -> memref<1x128x32xf32, #tpu.memory_space<hbm>>
          %dma_wait3A_1939 = tpu.memref_squeeze %dma_wait3A_1938 : memref<1x128x32xf32, #tpu.memory_space<hbm>> -> memref<128x32xf32, #tpu.memory_space<hbm>>
          %dma_wait3A_1940 = tpu.memref_slice %arg8[%sub3A_1648] : memref<2x!tpu.dma_semaphore, #tpu.memory_space<semaphore_mem>> -> memref<1x!tpu.dma_semaphore, #tpu.memory_space<semaphore_mem>>
          %dma_wait3A_1941 = tpu.memref_squeeze %dma_wait3A_1940 : memref<1x!tpu.dma_semaphore, #tpu.memory_space<semaphore_mem>> -> memref<!tpu.dma_semaphore, #tpu.memory_space<semaphore_mem>>
          %dma_wait3A_1942 = arith.constant 0 : i32
          %dma_wait3A_1943 = tpu.memref_slice %arg4[%rem3A_1904, %add3A_1931, %dma_wait3A_1942] : memref<20x16384x32xf32, #tpu.memory_space<hbm>> -> memref<1x128x32xf32, #tpu.memory_space<hbm>>
          %dma_wait3A_1944 = tpu.memref_squeeze %dma_wait3A_1943 : memref<1x128x32xf32, #tpu.memory_space<hbm>> -> memref<128x32xf32, #tpu.memory_space<hbm>>
          %dma_wait3A_1945 = arith.constant 0 : i32
          %dma_wait3A_1946 = arith.constant 0 : i32
          %dma_wait3A_1947 = tpu.memref_slice %arg6[%sub3A_1648, %dma_wait3A_1932, %dma_wait3A_1945, %dma_wait3A_1946] : memref<2x8x128x32xf32, #tpu.memory_space<vmem>> -> memref<1x1x128x32xf32, #tpu.memory_space<vmem>>
          %dma_wait3A_1948 = tpu.memref_squeeze %dma_wait3A_1947 : memref<1x1x128x32xf32, #tpu.memory_space<vmem>> -> memref<128x32xf32, #tpu.memory_space<vmem>>
          tpu.wait_dma2 semaphore(%dma_wait3A_1941 : memref<!tpu.dma_semaphore, #tpu.memory_space<semaphore_mem>>) src(%dma_wait3A_1948 : memref<128x32xf32, #tpu.memory_space<vmem>>) dst(%dma_wait3A_1944 : memref<128x32xf32, #tpu.memory_space<hbm>>)
          %mul3A_1949 = arith.constant 8 : i32
          %mul3A_1950 = arith.muli %sub3A_1646, %mul3A_1949 : i32
          %add3A_1951 = arith.constant 6 : i32
          %add3A_1952 = arith.addi %mul3A_1950, %add3A_1951 : i32
          %rem3A_1953 = arith.constant 20 : i32
          %rem3A_1954 = arith.remsi %add3A_1952, %rem3A_1953 : i32
          %jit3A_1955 = arith.constant 20 : i32
          %div3A_1956 = arith.divsi %add3A_1952, %jit3A_1955 : i32
          %sign3A_1957 = arith.constant 0 : i32
          %sign3A_1958 = arith.cmpi sgt, %add3A_1952, %sign3A_1957 : i32
          %sign3A_1959 = arith.extui %sign3A_1958 : i1 to i32
          %sign3A_1960 = arith.constant 0 : i32
          %sign3A_1961 = arith.cmpi slt, %add3A_1952, %sign3A_1960 : i32
          %sign3A_1962 = arith.extui %sign3A_1961 : i1 to i32
          %sign3A_1963 = arith.subi %sign3A_1959, %sign3A_1962 : i32
          %sign3A_1964 = arith.constant 0 : i32
          %sign3A_1965 = arith.cmpi sgt, %jit3A_1955, %sign3A_1964 : i32
          %sign3A_1966 = arith.extui %sign3A_1965 : i1 to i32
          %sign3A_1967 = arith.constant 0 : i32
          %sign3A_1968 = arith.cmpi slt, %jit3A_1955, %sign3A_1967 : i32
          %sign3A_1969 = arith.extui %sign3A_1968 : i1 to i32
          %sign3A_1970 = arith.subi %sign3A_1966, %sign3A_1969 : i32
          %ne3A_1971 = arith.cmpi ne, %sign3A_1963, %sign3A_1970 : i32
          %rem3A_1972 = arith.remsi %add3A_1952, %jit3A_1955 : i32
          %ne3A_1973 = arith.constant 0 : i32
          %ne3A_1974 = arith.cmpi ne, %rem3A_1972, %ne3A_1973 : i32
          %and3A_1975 = arith.andi %ne3A_1971, %ne3A_1974 : i1
          %sub3A_1976 = arith.constant 1 : i32
          %sub3A_1977 = arith.subi %div3A_1956, %sub3A_1976 : i32
          %select_n3A_1978 = arith.select %and3A_1975, %sub3A_1977, %div3A_1956 : i32
          %mul3A_1979 = arith.constant 128 : i32
          %mul3A_1980 = arith.muli %select_n3A_1978, %mul3A_1979 : i32
          %add3A_1981 = arith.addi %mul3A_2, %mul3A_1980 : i32
          %dma_wait3A_1982 = arith.constant 6 : i32
          %dma_wait3A_1983 = arith.constant 0 : i32
          %dma_wait3A_1984 = arith.constant 0 : i32
          %dma_wait3A_1985 = tpu.memref_slice %arg6[%sub3A_1648, %dma_wait3A_1982, %dma_wait3A_1983, %dma_wait3A_1984] : memref<2x8x128x32xf32, #tpu.memory_space<vmem>> -> memref<1x1x128x32xf32, #tpu.memory_space<vmem>>
          %dma_wait3A_1986 = tpu.memref_squeeze %dma_wait3A_1985 : memref<1x1x128x32xf32, #tpu.memory_space<vmem>> -> memref<128x32xf32, #tpu.memory_space<vmem>>
          %dma_wait3A_1987 = arith.constant 0 : i32
          %dma_wait3A_1988 = tpu.memref_slice %arg4[%rem3A_1954, %add3A_1981, %dma_wait3A_1987] : memref<20x16384x32xf32, #tpu.memory_space<hbm>> -> memref<1x128x32xf32, #tpu.memory_space<hbm>>
          %dma_wait3A_1989 = tpu.memref_squeeze %dma_wait3A_1988 : memref<1x128x32xf32, #tpu.memory_space<hbm>> -> memref<128x32xf32, #tpu.memory_space<hbm>>
          %dma_wait3A_1990 = tpu.memref_slice %arg8[%sub3A_1648] : memref<2x!tpu.dma_semaphore, #tpu.memory_space<semaphore_mem>> -> memref<1x!tpu.dma_semaphore, #tpu.memory_space<semaphore_mem>>
          %dma_wait3A_1991 = tpu.memref_squeeze %dma_wait3A_1990 : memref<1x!tpu.dma_semaphore, #tpu.memory_space<semaphore_mem>> -> memref<!tpu.dma_semaphore, #tpu.memory_space<semaphore_mem>>
          %dma_wait3A_1992 = arith.constant 0 : i32
          %dma_wait3A_1993 = tpu.memref_slice %arg4[%rem3A_1954, %add3A_1981, %dma_wait3A_1992] : memref<20x16384x32xf32, #tpu.memory_space<hbm>> -> memref<1x128x32xf32, #tpu.memory_space<hbm>>
          %dma_wait3A_1994 = tpu.memref_squeeze %dma_wait3A_1993 : memref<1x128x32xf32, #tpu.memory_space<hbm>> -> memref<128x32xf32, #tpu.memory_space<hbm>>
          %dma_wait3A_1995 = arith.constant 0 : i32
          %dma_wait3A_1996 = arith.constant 0 : i32
          %dma_wait3A_1997 = tpu.memref_slice %arg6[%sub3A_1648, %dma_wait3A_1982, %dma_wait3A_1995, %dma_wait3A_1996] : memref<2x8x128x32xf32, #tpu.memory_space<vmem>> -> memref<1x1x128x32xf32, #tpu.memory_space<vmem>>
          %dma_wait3A_1998 = tpu.memref_squeeze %dma_wait3A_1997 : memref<1x1x128x32xf32, #tpu.memory_space<vmem>> -> memref<128x32xf32, #tpu.memory_space<vmem>>
          tpu.wait_dma2 semaphore(%dma_wait3A_1991 : memref<!tpu.dma_semaphore, #tpu.memory_space<semaphore_mem>>) src(%dma_wait3A_1998 : memref<128x32xf32, #tpu.memory_space<vmem>>) dst(%dma_wait3A_1994 : memref<128x32xf32, #tpu.memory_space<hbm>>)
          %mul3A_1999 = arith.constant 8 : i32
          %mul3A_2000 = arith.muli %sub3A_1646, %mul3A_1999 : i32
          %add3A_2001 = arith.constant 7 : i32
          %add3A_2002 = arith.addi %mul3A_2000, %add3A_2001 : i32
          %rem3A_2003 = arith.constant 20 : i32
          %rem3A_2004 = arith.remsi %add3A_2002, %rem3A_2003 : i32
          %jit3A_2005 = arith.constant 20 : i32
          %div3A_2006 = arith.divsi %add3A_2002, %jit3A_2005 : i32
          %sign3A_2007 = arith.constant 0 : i32
          %sign3A_2008 = arith.cmpi sgt, %add3A_2002, %sign3A_2007 : i32
          %sign3A_2009 = arith.extui %sign3A_2008 : i1 to i32
          %sign3A_2010 = arith.constant 0 : i32
          %sign3A_2011 = arith.cmpi slt, %add3A_2002, %sign3A_2010 : i32
          %sign3A_2012 = arith.extui %sign3A_2011 : i1 to i32
          %sign3A_2013 = arith.subi %sign3A_2009, %sign3A_2012 : i32
          %sign3A_2014 = arith.constant 0 : i32
          %sign3A_2015 = arith.cmpi sgt, %jit3A_2005, %sign3A_2014 : i32
          %sign3A_2016 = arith.extui %sign3A_2015 : i1 to i32
          %sign3A_2017 = arith.constant 0 : i32
          %sign3A_2018 = arith.cmpi slt, %jit3A_2005, %sign3A_2017 : i32
          %sign3A_2019 = arith.extui %sign3A_2018 : i1 to i32
          %sign3A_2020 = arith.subi %sign3A_2016, %sign3A_2019 : i32
          %ne3A_2021 = arith.cmpi ne, %sign3A_2013, %sign3A_2020 : i32
          %rem3A_2022 = arith.remsi %add3A_2002, %jit3A_2005 : i32
          %ne3A_2023 = arith.constant 0 : i32
          %ne3A_2024 = arith.cmpi ne, %rem3A_2022, %ne3A_2023 : i32
          %and3A_2025 = arith.andi %ne3A_2021, %ne3A_2024 : i1
          %sub3A_2026 = arith.constant 1 : i32
          %sub3A_2027 = arith.subi %div3A_2006, %sub3A_2026 : i32
          %select_n3A_2028 = arith.select %and3A_2025, %sub3A_2027, %div3A_2006 : i32
          %mul3A_2029 = arith.constant 128 : i32
          %mul3A_2030 = arith.muli %select_n3A_2028, %mul3A_2029 : i32
          %add3A_2031 = arith.addi %mul3A_2, %mul3A_2030 : i32
          %dma_wait3A_2032 = arith.constant 7 : i32
          %dma_wait3A_2033 = arith.constant 0 : i32
          %dma_wait3A_2034 = arith.constant 0 : i32
          %dma_wait3A_2035 = tpu.memref_slice %arg6[%sub3A_1648, %dma_wait3A_2032, %dma_wait3A_2033, %dma_wait3A_2034] : memref<2x8x128x32xf32, #tpu.memory_space<vmem>> -> memref<1x1x128x32xf32, #tpu.memory_space<vmem>>
          %dma_wait3A_2036 = tpu.memref_squeeze %dma_wait3A_2035 : memref<1x1x128x32xf32, #tpu.memory_space<vmem>> -> memref<128x32xf32, #tpu.memory_space<vmem>>
          %dma_wait3A_2037 = arith.constant 0 : i32
          %dma_wait3A_2038 = tpu.memref_slice %arg4[%rem3A_2004, %add3A_2031, %dma_wait3A_2037] : memref<20x16384x32xf32, #tpu.memory_space<hbm>> -> memref<1x128x32xf32, #tpu.memory_space<hbm>>
          %dma_wait3A_2039 = tpu.memref_squeeze %dma_wait3A_2038 : memref<1x128x32xf32, #tpu.memory_space<hbm>> -> memref<128x32xf32, #tpu.memory_space<hbm>>
          %dma_wait3A_2040 = tpu.memref_slice %arg8[%sub3A_1648] : memref<2x!tpu.dma_semaphore, #tpu.memory_space<semaphore_mem>> -> memref<1x!tpu.dma_semaphore, #tpu.memory_space<semaphore_mem>>
          %dma_wait3A_2041 = tpu.memref_squeeze %dma_wait3A_2040 : memref<1x!tpu.dma_semaphore, #tpu.memory_space<semaphore_mem>> -> memref<!tpu.dma_semaphore, #tpu.memory_space<semaphore_mem>>
          %dma_wait3A_2042 = arith.constant 0 : i32
          %dma_wait3A_2043 = tpu.memref_slice %arg4[%rem3A_2004, %add3A_2031, %dma_wait3A_2042] : memref<20x16384x32xf32, #tpu.memory_space<hbm>> -> memref<1x128x32xf32, #tpu.memory_space<hbm>>
          %dma_wait3A_2044 = tpu.memref_squeeze %dma_wait3A_2043 : memref<1x128x32xf32, #tpu.memory_space<hbm>> -> memref<128x32xf32, #tpu.memory_space<hbm>>
          %dma_wait3A_2045 = arith.constant 0 : i32
          %dma_wait3A_2046 = arith.constant 0 : i32
          %dma_wait3A_2047 = tpu.memref_slice %arg6[%sub3A_1648, %dma_wait3A_2032, %dma_wait3A_2045, %dma_wait3A_2046] : memref<2x8x128x32xf32, #tpu.memory_space<vmem>> -> memref<1x1x128x32xf32, #tpu.memory_space<vmem>>
          %dma_wait3A_2048 = tpu.memref_squeeze %dma_wait3A_2047 : memref<1x1x128x32xf32, #tpu.memory_space<vmem>> -> memref<128x32xf32, #tpu.memory_space<vmem>>
          tpu.wait_dma2 semaphore(%dma_wait3A_2041 : memref<!tpu.dma_semaphore, #tpu.memory_space<semaphore_mem>>) src(%dma_wait3A_2048 : memref<128x32xf32, #tpu.memory_space<vmem>>) dst(%dma_wait3A_2044 : memref<128x32xf32, #tpu.memory_space<hbm>>)
        } else {
        }
        %add3A_1289 = arith.constant 1 : i32
        %add3A_1290 = arith.addi %scan3A_533, %add3A_1289 : i32
        %sub3A_1291 = arith.constant 1 : i32
        %sub3A_1292 = arith.subi %sub3A_1291, %rem3A_535 : i32
        %mul3A_1293 = arith.constant 8 : i32
        %mul3A_1294 = arith.muli %add3A_1290, %mul3A_1293 : i32
        %add3A_1295 = arith.constant 0 : i32
        %add3A_1296 = arith.addi %mul3A_1294, %add3A_1295 : i32
        %rem3A_1297 = arith.constant 20 : i32
        %rem3A_1298 = arith.remsi %add3A_1296, %rem3A_1297 : i32
        %jit3A_1299 = arith.constant 20 : i32
        %div3A_1300 = arith.divsi %add3A_1296, %jit3A_1299 : i32
        %sign3A_1301 = arith.constant 0 : i32
        %sign3A_1302 = arith.cmpi sgt, %add3A_1296, %sign3A_1301 : i32
        %sign3A_1303 = arith.extui %sign3A_1302 : i1 to i32
        %sign3A_1304 = arith.constant 0 : i32
        %sign3A_1305 = arith.cmpi slt, %add3A_1296, %sign3A_1304 : i32
        %sign3A_1306 = arith.extui %sign3A_1305 : i1 to i32
        %sign3A_1307 = arith.subi %sign3A_1303, %sign3A_1306 : i32
        %sign3A_1308 = arith.constant 0 : i32
        %sign3A_1309 = arith.cmpi sgt, %jit3A_1299, %sign3A_1308 : i32
        %sign3A_1310 = arith.extui %sign3A_1309 : i1 to i32
        %sign3A_1311 = arith.constant 0 : i32
        %sign3A_1312 = arith.cmpi slt, %jit3A_1299, %sign3A_1311 : i32
        %sign3A_1313 = arith.extui %sign3A_1312 : i1 to i32
        %sign3A_1314 = arith.subi %sign3A_1310, %sign3A_1313 : i32
        %ne3A_1315 = arith.cmpi ne, %sign3A_1307, %sign3A_1314 : i32
        %rem3A_1316 = arith.remsi %add3A_1296, %jit3A_1299 : i32
        %ne3A_1317 = arith.constant 0 : i32
        %ne3A_1318 = arith.cmpi ne, %rem3A_1316, %ne3A_1317 : i32
        %and3A_1319 = arith.andi %ne3A_1315, %ne3A_1318 : i1
        %sub3A_1320 = arith.constant 1 : i32
        %sub3A_1321 = arith.subi %div3A_1300, %sub3A_1320 : i32
        %select_n3A_1322 = arith.select %and3A_1319, %sub3A_1321, %div3A_1300 : i32
        %mul3A_1323 = arith.constant 128 : i32
        %mul3A_1324 = arith.muli %select_n3A_1322, %mul3A_1323 : i32
        %dma_start3A_1325 = arith.constant 0 : i32
        %dma_start3A_1326 = arith.constant 0 : i32
        %dma_start3A_1327 = arith.constant 0 : i32
        %dma_start3A_1328 = tpu.memref_slice %arg6[%sub3A_1292, %dma_start3A_1325, %dma_start3A_1326, %dma_start3A_1327] : memref<2x8x128x32xf32, #tpu.memory_space<vmem>> -> memref<1x1x128x32xf32, #tpu.memory_space<vmem>>
        %dma_start3A_1329 = tpu.memref_squeeze %dma_start3A_1328 : memref<1x1x128x32xf32, #tpu.memory_space<vmem>> -> memref<128x32xf32, #tpu.memory_space<vmem>>
        %dma_start3A_1330 = tpu.memref_slice %arg5[%rem3A_1298, %mul3A_1324] : memref<20x512xi32, #tpu.memory_space<vmem>> -> memref<1x128xi32, #tpu.memory_space<vmem>>
        %dma_start3A_1331 = tpu.memref_squeeze %dma_start3A_1330 : memref<1x128xi32, #tpu.memory_space<vmem>> -> memref<128xi32, #tpu.memory_space<vmem>>
        %dma_start3A_1332 = arith.constant 0 : i32
        %dma_start3A_1333 = arith.constant 0 : i32
        %dma_start3A_1334 = tpu.memref_slice %arg3[%dma_start3A_1332, %dma_start3A_1333] : memref<1000000x32xf32, #tpu.memory_space<hbm>> -> memref<1000000x32xf32, #tpu.memory_space<hbm>>
        %dma_start3A_1335 = tpu.memref_slice %arg7[%sub3A_1292] : memref<2x!tpu.dma_semaphore, #tpu.memory_space<semaphore_mem>> -> memref<1x!tpu.dma_semaphore, #tpu.memory_space<semaphore_mem>>
        %dma_start3A_1336 = tpu.memref_squeeze %dma_start3A_1335 : memref<1x!tpu.dma_semaphore, #tpu.memory_space<semaphore_mem>> -> memref<!tpu.dma_semaphore, #tpu.memory_space<semaphore_mem>>
        tpu.enqueue_indirect_dma source(%dma_start3A_1334 : memref<1000000x32xf32, #tpu.memory_space<hbm>>) target(%dma_start3A_1329 : memref<128x32xf32, #tpu.memory_space<vmem>>) offsets(%dma_start3A_1331 : memref<128xi32, #tpu.memory_space<vmem>>) semaphore(%dma_start3A_1336 : memref<!tpu.dma_semaphore, #tpu.memory_space<semaphore_mem>>)
        %mul3A_1337 = arith.constant 8 : i32
        %mul3A_1338 = arith.muli %add3A_1290, %mul3A_1337 : i32
        %add3A_1339 = arith.constant 1 : i32
        %add3A_1340 = arith.addi %mul3A_1338, %add3A_1339 : i32
        %rem3A_1341 = arith.constant 20 : i32
        %rem3A_1342 = arith.remsi %add3A_1340, %rem3A_1341 : i32
        %jit3A_1343 = arith.constant 20 : i32
        %div3A_1344 = arith.divsi %add3A_1340, %jit3A_1343 : i32
        %sign3A_1345 = arith.constant 0 : i32
        %sign3A_1346 = arith.cmpi sgt, %add3A_1340, %sign3A_1345 : i32
        %sign3A_1347 = arith.extui %sign3A_1346 : i1 to i32
        %sign3A_1348 = arith.constant 0 : i32
        %sign3A_1349 = arith.cmpi slt, %add3A_1340, %sign3A_1348 : i32
        %sign3A_1350 = arith.extui %sign3A_1349 : i1 to i32
        %sign3A_1351 = arith.subi %sign3A_1347, %sign3A_1350 : i32
        %sign3A_1352 = arith.constant 0 : i32
        %sign3A_1353 = arith.cmpi sgt, %jit3A_1343, %sign3A_1352 : i32
        %sign3A_1354 = arith.extui %sign3A_1353 : i1 to i32
        %sign3A_1355 = arith.constant 0 : i32
        %sign3A_1356 = arith.cmpi slt, %jit3A_1343, %sign3A_1355 : i32
        %sign3A_1357 = arith.extui %sign3A_1356 : i1 to i32
        %sign3A_1358 = arith.subi %sign3A_1354, %sign3A_1357 : i32
        %ne3A_1359 = arith.cmpi ne, %sign3A_1351, %sign3A_1358 : i32
        %rem3A_1360 = arith.remsi %add3A_1340, %jit3A_1343 : i32
        %ne3A_1361 = arith.constant 0 : i32
        %ne3A_1362 = arith.cmpi ne, %rem3A_1360, %ne3A_1361 : i32
        %and3A_1363 = arith.andi %ne3A_1359, %ne3A_1362 : i1
        %sub3A_1364 = arith.constant 1 : i32
        %sub3A_1365 = arith.subi %div3A_1344, %sub3A_1364 : i32
        %select_n3A_1366 = arith.select %and3A_1363, %sub3A_1365, %div3A_1344 : i32
        %mul3A_1367 = arith.constant 128 : i32
        %mul3A_1368 = arith.muli %select_n3A_1366, %mul3A_1367 : i32
        %dma_start3A_1369 = arith.constant 1 : i32
        %dma_start3A_1370 = arith.constant 0 : i32
        %dma_start3A_1371 = arith.constant 0 : i32
        %dma_start3A_1372 = tpu.memref_slice %arg6[%sub3A_1292, %dma_start3A_1369, %dma_start3A_1370, %dma_start3A_1371] : memref<2x8x128x32xf32, #tpu.memory_space<vmem>> -> memref<1x1x128x32xf32, #tpu.memory_space<vmem>>
        %dma_start3A_1373 = tpu.memref_squeeze %dma_start3A_1372 : memref<1x1x128x32xf32, #tpu.memory_space<vmem>> -> memref<128x32xf32, #tpu.memory_space<vmem>>
        %dma_start3A_1374 = tpu.memref_slice %arg5[%rem3A_1342, %mul3A_1368] : memref<20x512xi32, #tpu.memory_space<vmem>> -> memref<1x128xi32, #tpu.memory_space<vmem>>
        %dma_start3A_1375 = tpu.memref_squeeze %dma_start3A_1374 : memref<1x128xi32, #tpu.memory_space<vmem>> -> memref<128xi32, #tpu.memory_space<vmem>>
        %dma_start3A_1376 = arith.constant 0 : i32
        %dma_start3A_1377 = arith.constant 0 : i32
        %dma_start3A_1378 = tpu.memref_slice %arg3[%dma_start3A_1376, %dma_start3A_1377] : memref<1000000x32xf32, #tpu.memory_space<hbm>> -> memref<1000000x32xf32, #tpu.memory_space<hbm>>
        %dma_start3A_1379 = tpu.memref_slice %arg7[%sub3A_1292] : memref<2x!tpu.dma_semaphore, #tpu.memory_space<semaphore_mem>> -> memref<1x!tpu.dma_semaphore, #tpu.memory_space<semaphore_mem>>
        %dma_start3A_1380 = tpu.memref_squeeze %dma_start3A_1379 : memref<1x!tpu.dma_semaphore, #tpu.memory_space<semaphore_mem>> -> memref<!tpu.dma_semaphore, #tpu.memory_space<semaphore_mem>>
        tpu.enqueue_indirect_dma source(%dma_start3A_1378 : memref<1000000x32xf32, #tpu.memory_space<hbm>>) target(%dma_start3A_1373 : memref<128x32xf32, #tpu.memory_space<vmem>>) offsets(%dma_start3A_1375 : memref<128xi32, #tpu.memory_space<vmem>>) semaphore(%dma_start3A_1380 : memref<!tpu.dma_semaphore, #tpu.memory_space<semaphore_mem>>)
        %mul3A_1381 = arith.constant 8 : i32
        %mul3A_1382 = arith.muli %add3A_1290, %mul3A_1381 : i32
        %add3A_1383 = arith.constant 2 : i32
        %add3A_1384 = arith.addi %mul3A_1382, %add3A_1383 : i32
        %rem3A_1385 = arith.constant 20 : i32
        %rem3A_1386 = arith.remsi %add3A_1384, %rem3A_1385 : i32
        %jit3A_1387 = arith.constant 20 : i32
        %div3A_1388 = arith.divsi %add3A_1384, %jit3A_1387 : i32
        %sign3A_1389 = arith.constant 0 : i32
        %sign3A_1390 = arith.cmpi sgt, %add3A_1384, %sign3A_1389 : i32
        %sign3A_1391 = arith.extui %sign3A_1390 : i1 to i32
        %sign3A_1392 = arith.constant 0 : i32
        %sign3A_1393 = arith.cmpi slt, %add3A_1384, %sign3A_1392 : i32
        %sign3A_1394 = arith.extui %sign3A_1393 : i1 to i32
        %sign3A_1395 = arith.subi %sign3A_1391, %sign3A_1394 : i32
        %sign3A_1396 = arith.constant 0 : i32
        %sign3A_1397 = arith.cmpi sgt, %jit3A_1387, %sign3A_1396 : i32
        %sign3A_1398 = arith.extui %sign3A_1397 : i1 to i32
        %sign3A_1399 = arith.constant 0 : i32
        %sign3A_1400 = arith.cmpi slt, %jit3A_1387, %sign3A_1399 : i32
        %sign3A_1401 = arith.extui %sign3A_1400 : i1 to i32
        %sign3A_1402 = arith.subi %sign3A_1398, %sign3A_1401 : i32
        %ne3A_1403 = arith.cmpi ne, %sign3A_1395, %sign3A_1402 : i32
        %rem3A_1404 = arith.remsi %add3A_1384, %jit3A_1387 : i32
        %ne3A_1405 = arith.constant 0 : i32
        %ne3A_1406 = arith.cmpi ne, %rem3A_1404, %ne3A_1405 : i32
        %and3A_1407 = arith.andi %ne3A_1403, %ne3A_1406 : i1
        %sub3A_1408 = arith.constant 1 : i32
        %sub3A_1409 = arith.subi %div3A_1388, %sub3A_1408 : i32
        %select_n3A_1410 = arith.select %and3A_1407, %sub3A_1409, %div3A_1388 : i32
        %mul3A_1411 = arith.constant 128 : i32
        %mul3A_1412 = arith.muli %select_n3A_1410, %mul3A_1411 : i32
        %dma_start3A_1413 = arith.constant 2 : i32
        %dma_start3A_1414 = arith.constant 0 : i32
        %dma_start3A_1415 = arith.constant 0 : i32
        %dma_start3A_1416 = tpu.memref_slice %arg6[%sub3A_1292, %dma_start3A_1413, %dma_start3A_1414, %dma_start3A_1415] : memref<2x8x128x32xf32, #tpu.memory_space<vmem>> -> memref<1x1x128x32xf32, #tpu.memory_space<vmem>>
        %dma_start3A_1417 = tpu.memref_squeeze %dma_start3A_1416 : memref<1x1x128x32xf32, #tpu.memory_space<vmem>> -> memref<128x32xf32, #tpu.memory_space<vmem>>
        %dma_start3A_1418 = tpu.memref_slice %arg5[%rem3A_1386, %mul3A_1412] : memref<20x512xi32, #tpu.memory_space<vmem>> -> memref<1x128xi32, #tpu.memory_space<vmem>>
        %dma_start3A_1419 = tpu.memref_squeeze %dma_start3A_1418 : memref<1x128xi32, #tpu.memory_space<vmem>> -> memref<128xi32, #tpu.memory_space<vmem>>
        %dma_start3A_1420 = arith.constant 0 : i32
        %dma_start3A_1421 = arith.constant 0 : i32
        %dma_start3A_1422 = tpu.memref_slice %arg3[%dma_start3A_1420, %dma_start3A_1421] : memref<1000000x32xf32, #tpu.memory_space<hbm>> -> memref<1000000x32xf32, #tpu.memory_space<hbm>>
        %dma_start3A_1423 = tpu.memref_slice %arg7[%sub3A_1292] : memref<2x!tpu.dma_semaphore, #tpu.memory_space<semaphore_mem>> -> memref<1x!tpu.dma_semaphore, #tpu.memory_space<semaphore_mem>>
        %dma_start3A_1424 = tpu.memref_squeeze %dma_start3A_1423 : memref<1x!tpu.dma_semaphore, #tpu.memory_space<semaphore_mem>> -> memref<!tpu.dma_semaphore, #tpu.memory_space<semaphore_mem>>
        tpu.enqueue_indirect_dma source(%dma_start3A_1422 : memref<1000000x32xf32, #tpu.memory_space<hbm>>) target(%dma_start3A_1417 : memref<128x32xf32, #tpu.memory_space<vmem>>) offsets(%dma_start3A_1419 : memref<128xi32, #tpu.memory_space<vmem>>) semaphore(%dma_start3A_1424 : memref<!tpu.dma_semaphore, #tpu.memory_space<semaphore_mem>>)
        %mul3A_1425 = arith.constant 8 : i32
        %mul3A_1426 = arith.muli %add3A_1290, %mul3A_1425 : i32
        %add3A_1427 = arith.constant 3 : i32
        %add3A_1428 = arith.addi %mul3A_1426, %add3A_1427 : i32
        %rem3A_1429 = arith.constant 20 : i32
        %rem3A_1430 = arith.remsi %add3A_1428, %rem3A_1429 : i32
        %jit3A_1431 = arith.constant 20 : i32
        %div3A_1432 = arith.divsi %add3A_1428, %jit3A_1431 : i32
        %sign3A_1433 = arith.constant 0 : i32
        %sign3A_1434 = arith.cmpi sgt, %add3A_1428, %sign3A_1433 : i32
        %sign3A_1435 = arith.extui %sign3A_1434 : i1 to i32
        %sign3A_1436 = arith.constant 0 : i32
        %sign3A_1437 = arith.cmpi slt, %add3A_1428, %sign3A_1436 : i32
        %sign3A_1438 = arith.extui %sign3A_1437 : i1 to i32
        %sign3A_1439 = arith.subi %sign3A_1435, %sign3A_1438 : i32
        %sign3A_1440 = arith.constant 0 : i32
        %sign3A_1441 = arith.cmpi sgt, %jit3A_1431, %sign3A_1440 : i32
        %sign3A_1442 = arith.extui %sign3A_1441 : i1 to i32
        %sign3A_1443 = arith.constant 0 : i32
        %sign3A_1444 = arith.cmpi slt, %jit3A_1431, %sign3A_1443 : i32
        %sign3A_1445 = arith.extui %sign3A_1444 : i1 to i32
        %sign3A_1446 = arith.subi %sign3A_1442, %sign3A_1445 : i32
        %ne3A_1447 = arith.cmpi ne, %sign3A_1439, %sign3A_1446 : i32
        %rem3A_1448 = arith.remsi %add3A_1428, %jit3A_1431 : i32
        %ne3A_1449 = arith.constant 0 : i32
        %ne3A_1450 = arith.cmpi ne, %rem3A_1448, %ne3A_1449 : i32
        %and3A_1451 = arith.andi %ne3A_1447, %ne3A_1450 : i1
        %sub3A_1452 = arith.constant 1 : i32
        %sub3A_1453 = arith.subi %div3A_1432, %sub3A_1452 : i32
        %select_n3A_1454 = arith.select %and3A_1451, %sub3A_1453, %div3A_1432 : i32
        %mul3A_1455 = arith.constant 128 : i32
        %mul3A_1456 = arith.muli %select_n3A_1454, %mul3A_1455 : i32
        %dma_start3A_1457 = arith.constant 3 : i32
        %dma_start3A_1458 = arith.constant 0 : i32
        %dma_start3A_1459 = arith.constant 0 : i32
        %dma_start3A_1460 = tpu.memref_slice %arg6[%sub3A_1292, %dma_start3A_1457, %dma_start3A_1458, %dma_start3A_1459] : memref<2x8x128x32xf32, #tpu.memory_space<vmem>> -> memref<1x1x128x32xf32, #tpu.memory_space<vmem>>
        %dma_start3A_1461 = tpu.memref_squeeze %dma_start3A_1460 : memref<1x1x128x32xf32, #tpu.memory_space<vmem>> -> memref<128x32xf32, #tpu.memory_space<vmem>>
        %dma_start3A_1462 = tpu.memref_slice %arg5[%rem3A_1430, %mul3A_1456] : memref<20x512xi32, #tpu.memory_space<vmem>> -> memref<1x128xi32, #tpu.memory_space<vmem>>
        %dma_start3A_1463 = tpu.memref_squeeze %dma_start3A_1462 : memref<1x128xi32, #tpu.memory_space<vmem>> -> memref<128xi32, #tpu.memory_space<vmem>>
        %dma_start3A_1464 = arith.constant 0 : i32
        %dma_start3A_1465 = arith.constant 0 : i32
        %dma_start3A_1466 = tpu.memref_slice %arg3[%dma_start3A_1464, %dma_start3A_1465] : memref<1000000x32xf32, #tpu.memory_space<hbm>> -> memref<1000000x32xf32, #tpu.memory_space<hbm>>
        %dma_start3A_1467 = tpu.memref_slice %arg7[%sub3A_1292] : memref<2x!tpu.dma_semaphore, #tpu.memory_space<semaphore_mem>> -> memref<1x!tpu.dma_semaphore, #tpu.memory_space<semaphore_mem>>
        %dma_start3A_1468 = tpu.memref_squeeze %dma_start3A_1467 : memref<1x!tpu.dma_semaphore, #tpu.memory_space<semaphore_mem>> -> memref<!tpu.dma_semaphore, #tpu.memory_space<semaphore_mem>>
        tpu.enqueue_indirect_dma source(%dma_start3A_1466 : memref<1000000x32xf32, #tpu.memory_space<hbm>>) target(%dma_start3A_1461 : memref<128x32xf32, #tpu.memory_space<vmem>>) offsets(%dma_start3A_1463 : memref<128xi32, #tpu.memory_space<vmem>>) semaphore(%dma_start3A_1468 : memref<!tpu.dma_semaphore, #tpu.memory_space<semaphore_mem>>)
        %mul3A_1469 = arith.constant 8 : i32
        %mul3A_1470 = arith.muli %add3A_1290, %mul3A_1469 : i32
        %add3A_1471 = arith.constant 4 : i32
        %add3A_1472 = arith.addi %mul3A_1470, %add3A_1471 : i32
        %rem3A_1473 = arith.constant 20 : i32
        %rem3A_1474 = arith.remsi %add3A_1472, %rem3A_1473 : i32
        %jit3A_1475 = arith.constant 20 : i32
        %div3A_1476 = arith.divsi %add3A_1472, %jit3A_1475 : i32
        %sign3A_1477 = arith.constant 0 : i32
        %sign3A_1478 = arith.cmpi sgt, %add3A_1472, %sign3A_1477 : i32
        %sign3A_1479 = arith.extui %sign3A_1478 : i1 to i32
        %sign3A_1480 = arith.constant 0 : i32
        %sign3A_1481 = arith.cmpi slt, %add3A_1472, %sign3A_1480 : i32
        %sign3A_1482 = arith.extui %sign3A_1481 : i1 to i32
        %sign3A_1483 = arith.subi %sign3A_1479, %sign3A_1482 : i32
        %sign3A_1484 = arith.constant 0 : i32
        %sign3A_1485 = arith.cmpi sgt, %jit3A_1475, %sign3A_1484 : i32
        %sign3A_1486 = arith.extui %sign3A_1485 : i1 to i32
        %sign3A_1487 = arith.constant 0 : i32
        %sign3A_1488 = arith.cmpi slt, %jit3A_1475, %sign3A_1487 : i32
        %sign3A_1489 = arith.extui %sign3A_1488 : i1 to i32
        %sign3A_1490 = arith.subi %sign3A_1486, %sign3A_1489 : i32
        %ne3A_1491 = arith.cmpi ne, %sign3A_1483, %sign3A_1490 : i32
        %rem3A_1492 = arith.remsi %add3A_1472, %jit3A_1475 : i32
        %ne3A_1493 = arith.constant 0 : i32
        %ne3A_1494 = arith.cmpi ne, %rem3A_1492, %ne3A_1493 : i32
        %and3A_1495 = arith.andi %ne3A_1491, %ne3A_1494 : i1
        %sub3A_1496 = arith.constant 1 : i32
        %sub3A_1497 = arith.subi %div3A_1476, %sub3A_1496 : i32
        %select_n3A_1498 = arith.select %and3A_1495, %sub3A_1497, %div3A_1476 : i32
        %mul3A_1499 = arith.constant 128 : i32
        %mul3A_1500 = arith.muli %select_n3A_1498, %mul3A_1499 : i32
        %dma_start3A_1501 = arith.constant 4 : i32
        %dma_start3A_1502 = arith.constant 0 : i32
        %dma_start3A_1503 = arith.constant 0 : i32
        %dma_start3A_1504 = tpu.memref_slice %arg6[%sub3A_1292, %dma_start3A_1501, %dma_start3A_1502, %dma_start3A_1503] : memref<2x8x128x32xf32, #tpu.memory_space<vmem>> -> memref<1x1x128x32xf32, #tpu.memory_space<vmem>>
        %dma_start3A_1505 = tpu.memref_squeeze %dma_start3A_1504 : memref<1x1x128x32xf32, #tpu.memory_space<vmem>> -> memref<128x32xf32, #tpu.memory_space<vmem>>
        %dma_start3A_1506 = tpu.memref_slice %arg5[%rem3A_1474, %mul3A_1500] : memref<20x512xi32, #tpu.memory_space<vmem>> -> memref<1x128xi32, #tpu.memory_space<vmem>>
        %dma_start3A_1507 = tpu.memref_squeeze %dma_start3A_1506 : memref<1x128xi32, #tpu.memory_space<vmem>> -> memref<128xi32, #tpu.memory_space<vmem>>
        %dma_start3A_1508 = arith.constant 0 : i32
        %dma_start3A_1509 = arith.constant 0 : i32
        %dma_start3A_1510 = tpu.memref_slice %arg3[%dma_start3A_1508, %dma_start3A_1509] : memref<1000000x32xf32, #tpu.memory_space<hbm>> -> memref<1000000x32xf32, #tpu.memory_space<hbm>>
        %dma_start3A_1511 = tpu.memref_slice %arg7[%sub3A_1292] : memref<2x!tpu.dma_semaphore, #tpu.memory_space<semaphore_mem>> -> memref<1x!tpu.dma_semaphore, #tpu.memory_space<semaphore_mem>>
        %dma_start3A_1512 = tpu.memref_squeeze %dma_start3A_1511 : memref<1x!tpu.dma_semaphore, #tpu.memory_space<semaphore_mem>> -> memref<!tpu.dma_semaphore, #tpu.memory_space<semaphore_mem>>
        tpu.enqueue_indirect_dma source(%dma_start3A_1510 : memref<1000000x32xf32, #tpu.memory_space<hbm>>) target(%dma_start3A_1505 : memref<128x32xf32, #tpu.memory_space<vmem>>) offsets(%dma_start3A_1507 : memref<128xi32, #tpu.memory_space<vmem>>) semaphore(%dma_start3A_1512 : memref<!tpu.dma_semaphore, #tpu.memory_space<semaphore_mem>>)
        %mul3A_1513 = arith.constant 8 : i32
        %mul3A_1514 = arith.muli %add3A_1290, %mul3A_1513 : i32
        %add3A_1515 = arith.constant 5 : i32
        %add3A_1516 = arith.addi %mul3A_1514, %add3A_1515 : i32
        %rem3A_1517 = arith.constant 20 : i32
        %rem3A_1518 = arith.remsi %add3A_1516, %rem3A_1517 : i32
        %jit3A_1519 = arith.constant 20 : i32
        %div3A_1520 = arith.divsi %add3A_1516, %jit3A_1519 : i32
        %sign3A_1521 = arith.constant 0 : i32
        %sign3A_1522 = arith.cmpi sgt, %add3A_1516, %sign3A_1521 : i32
        %sign3A_1523 = arith.extui %sign3A_1522 : i1 to i32
        %sign3A_1524 = arith.constant 0 : i32
        %sign3A_1525 = arith.cmpi slt, %add3A_1516, %sign3A_1524 : i32
        %sign3A_1526 = arith.extui %sign3A_1525 : i1 to i32
        %sign3A_1527 = arith.subi %sign3A_1523, %sign3A_1526 : i32
        %sign3A_1528 = arith.constant 0 : i32
        %sign3A_1529 = arith.cmpi sgt, %jit3A_1519, %sign3A_1528 : i32
        %sign3A_1530 = arith.extui %sign3A_1529 : i1 to i32
        %sign3A_1531 = arith.constant 0 : i32
        %sign3A_1532 = arith.cmpi slt, %jit3A_1519, %sign3A_1531 : i32
        %sign3A_1533 = arith.extui %sign3A_1532 : i1 to i32
        %sign3A_1534 = arith.subi %sign3A_1530, %sign3A_1533 : i32
        %ne3A_1535 = arith.cmpi ne, %sign3A_1527, %sign3A_1534 : i32
        %rem3A_1536 = arith.remsi %add3A_1516, %jit3A_1519 : i32
        %ne3A_1537 = arith.constant 0 : i32
        %ne3A_1538 = arith.cmpi ne, %rem3A_1536, %ne3A_1537 : i32
        %and3A_1539 = arith.andi %ne3A_1535, %ne3A_1538 : i1
        %sub3A_1540 = arith.constant 1 : i32
        %sub3A_1541 = arith.subi %div3A_1520, %sub3A_1540 : i32
        %select_n3A_1542 = arith.select %and3A_1539, %sub3A_1541, %div3A_1520 : i32
        %mul3A_1543 = arith.constant 128 : i32
        %mul3A_1544 = arith.muli %select_n3A_1542, %mul3A_1543 : i32
        %dma_start3A_1545 = arith.constant 5 : i32
        %dma_start3A_1546 = arith.constant 0 : i32
        %dma_start3A_1547 = arith.constant 0 : i32
        %dma_start3A_1548 = tpu.memref_slice %arg6[%sub3A_1292, %dma_start3A_1545, %dma_start3A_1546, %dma_start3A_1547] : memref<2x8x128x32xf32, #tpu.memory_space<vmem>> -> memref<1x1x128x32xf32, #tpu.memory_space<vmem>>
        %dma_start3A_1549 = tpu.memref_squeeze %dma_start3A_1548 : memref<1x1x128x32xf32, #tpu.memory_space<vmem>> -> memref<128x32xf32, #tpu.memory_space<vmem>>
        %dma_start3A_1550 = tpu.memref_slice %arg5[%rem3A_1518, %mul3A_1544] : memref<20x512xi32, #tpu.memory_space<vmem>> -> memref<1x128xi32, #tpu.memory_space<vmem>>
        %dma_start3A_1551 = tpu.memref_squeeze %dma_start3A_1550 : memref<1x128xi32, #tpu.memory_space<vmem>> -> memref<128xi32, #tpu.memory_space<vmem>>
        %dma_start3A_1552 = arith.constant 0 : i32
        %dma_start3A_1553 = arith.constant 0 : i32
        %dma_start3A_1554 = tpu.memref_slice %arg3[%dma_start3A_1552, %dma_start3A_1553] : memref<1000000x32xf32, #tpu.memory_space<hbm>> -> memref<1000000x32xf32, #tpu.memory_space<hbm>>
        %dma_start3A_1555 = tpu.memref_slice %arg7[%sub3A_1292] : memref<2x!tpu.dma_semaphore, #tpu.memory_space<semaphore_mem>> -> memref<1x!tpu.dma_semaphore, #tpu.memory_space<semaphore_mem>>
        %dma_start3A_1556 = tpu.memref_squeeze %dma_start3A_1555 : memref<1x!tpu.dma_semaphore, #tpu.memory_space<semaphore_mem>> -> memref<!tpu.dma_semaphore, #tpu.memory_space<semaphore_mem>>
        tpu.enqueue_indirect_dma source(%dma_start3A_1554 : memref<1000000x32xf32, #tpu.memory_space<hbm>>) target(%dma_start3A_1549 : memref<128x32xf32, #tpu.memory_space<vmem>>) offsets(%dma_start3A_1551 : memref<128xi32, #tpu.memory_space<vmem>>) semaphore(%dma_start3A_1556 : memref<!tpu.dma_semaphore, #tpu.memory_space<semaphore_mem>>)
        %mul3A_1557 = arith.constant 8 : i32
        %mul3A_1558 = arith.muli %add3A_1290, %mul3A_1557 : i32
        %add3A_1559 = arith.constant 6 : i32
        %add3A_1560 = arith.addi %mul3A_1558, %add3A_1559 : i32
        %rem3A_1561 = arith.constant 20 : i32
        %rem3A_1562 = arith.remsi %add3A_1560, %rem3A_1561 : i32
        %jit3A_1563 = arith.constant 20 : i32
        %div3A_1564 = arith.divsi %add3A_1560, %jit3A_1563 : i32
        %sign3A_1565 = arith.constant 0 : i32
        %sign3A_1566 = arith.cmpi sgt, %add3A_1560, %sign3A_1565 : i32
        %sign3A_1567 = arith.extui %sign3A_1566 : i1 to i32
        %sign3A_1568 = arith.constant 0 : i32
        %sign3A_1569 = arith.cmpi slt, %add3A_1560, %sign3A_1568 : i32
        %sign3A_1570 = arith.extui %sign3A_1569 : i1 to i32
        %sign3A_1571 = arith.subi %sign3A_1567, %sign3A_1570 : i32
        %sign3A_1572 = arith.constant 0 : i32
        %sign3A_1573 = arith.cmpi sgt, %jit3A_1563, %sign3A_1572 : i32
        %sign3A_1574 = arith.extui %sign3A_1573 : i1 to i32
        %sign3A_1575 = arith.constant 0 : i32
        %sign3A_1576 = arith.cmpi slt, %jit3A_1563, %sign3A_1575 : i32
        %sign3A_1577 = arith.extui %sign3A_1576 : i1 to i32
        %sign3A_1578 = arith.subi %sign3A_1574, %sign3A_1577 : i32
        %ne3A_1579 = arith.cmpi ne, %sign3A_1571, %sign3A_1578 : i32
        %rem3A_1580 = arith.remsi %add3A_1560, %jit3A_1563 : i32
        %ne3A_1581 = arith.constant 0 : i32
        %ne3A_1582 = arith.cmpi ne, %rem3A_1580, %ne3A_1581 : i32
        %and3A_1583 = arith.andi %ne3A_1579, %ne3A_1582 : i1
        %sub3A_1584 = arith.constant 1 : i32
        %sub3A_1585 = arith.subi %div3A_1564, %sub3A_1584 : i32
        %select_n3A_1586 = arith.select %and3A_1583, %sub3A_1585, %div3A_1564 : i32
        %mul3A_1587 = arith.constant 128 : i32
        %mul3A_1588 = arith.muli %select_n3A_1586, %mul3A_1587 : i32
        %dma_start3A_1589 = arith.constant 6 : i32
        %dma_start3A_1590 = arith.constant 0 : i32
        %dma_start3A_1591 = arith.constant 0 : i32
        %dma_start3A_1592 = tpu.memref_slice %arg6[%sub3A_1292, %dma_start3A_1589, %dma_start3A_1590, %dma_start3A_1591] : memref<2x8x128x32xf32, #tpu.memory_space<vmem>> -> memref<1x1x128x32xf32, #tpu.memory_space<vmem>>
        %dma_start3A_1593 = tpu.memref_squeeze %dma_start3A_1592 : memref<1x1x128x32xf32, #tpu.memory_space<vmem>> -> memref<128x32xf32, #tpu.memory_space<vmem>>
        %dma_start3A_1594 = tpu.memref_slice %arg5[%rem3A_1562, %mul3A_1588] : memref<20x512xi32, #tpu.memory_space<vmem>> -> memref<1x128xi32, #tpu.memory_space<vmem>>
        %dma_start3A_1595 = tpu.memref_squeeze %dma_start3A_1594 : memref<1x128xi32, #tpu.memory_space<vmem>> -> memref<128xi32, #tpu.memory_space<vmem>>
        %dma_start3A_1596 = arith.constant 0 : i32
        %dma_start3A_1597 = arith.constant 0 : i32
        %dma_start3A_1598 = tpu.memref_slice %arg3[%dma_start3A_1596, %dma_start3A_1597] : memref<1000000x32xf32, #tpu.memory_space<hbm>> -> memref<1000000x32xf32, #tpu.memory_space<hbm>>
        %dma_start3A_1599 = tpu.memref_slice %arg7[%sub3A_1292] : memref<2x!tpu.dma_semaphore, #tpu.memory_space<semaphore_mem>> -> memref<1x!tpu.dma_semaphore, #tpu.memory_space<semaphore_mem>>
        %dma_start3A_1600 = tpu.memref_squeeze %dma_start3A_1599 : memref<1x!tpu.dma_semaphore, #tpu.memory_space<semaphore_mem>> -> memref<!tpu.dma_semaphore, #tpu.memory_space<semaphore_mem>>
        tpu.enqueue_indirect_dma source(%dma_start3A_1598 : memref<1000000x32xf32, #tpu.memory_space<hbm>>) target(%dma_start3A_1593 : memref<128x32xf32, #tpu.memory_space<vmem>>) offsets(%dma_start3A_1595 : memref<128xi32, #tpu.memory_space<vmem>>) semaphore(%dma_start3A_1600 : memref<!tpu.dma_semaphore, #tpu.memory_space<semaphore_mem>>)
        %mul3A_1601 = arith.constant 8 : i32
        %mul3A_1602 = arith.muli %add3A_1290, %mul3A_1601 : i32
        %add3A_1603 = arith.constant 7 : i32
        %add3A_1604 = arith.addi %mul3A_1602, %add3A_1603 : i32
        %rem3A_1605 = arith.constant 20 : i32
        %rem3A_1606 = arith.remsi %add3A_1604, %rem3A_1605 : i32
        %jit3A_1607 = arith.constant 20 : i32
        %div3A_1608 = arith.divsi %add3A_1604, %jit3A_1607 : i32
        %sign3A_1609 = arith.constant 0 : i32
        %sign3A_1610 = arith.cmpi sgt, %add3A_1604, %sign3A_1609 : i32
        %sign3A_1611 = arith.extui %sign3A_1610 : i1 to i32
        %sign3A_1612 = arith.constant 0 : i32
        %sign3A_1613 = arith.cmpi slt, %add3A_1604, %sign3A_1612 : i32
        %sign3A_1614 = arith.extui %sign3A_1613 : i1 to i32
        %sign3A_1615 = arith.subi %sign3A_1611, %sign3A_1614 : i32
        %sign3A_1616 = arith.constant 0 : i32
        %sign3A_1617 = arith.cmpi sgt, %jit3A_1607, %sign3A_1616 : i32
        %sign3A_1618 = arith.extui %sign3A_1617 : i1 to i32
        %sign3A_1619 = arith.constant 0 : i32
        %sign3A_1620 = arith.cmpi slt, %jit3A_1607, %sign3A_1619 : i32
        %sign3A_1621 = arith.extui %sign3A_1620 : i1 to i32
        %sign3A_1622 = arith.subi %sign3A_1618, %sign3A_1621 : i32
        %ne3A_1623 = arith.cmpi ne, %sign3A_1615, %sign3A_1622 : i32
        %rem3A_1624 = arith.remsi %add3A_1604, %jit3A_1607 : i32
        %ne3A_1625 = arith.constant 0 : i32
        %ne3A_1626 = arith.cmpi ne, %rem3A_1624, %ne3A_1625 : i32
        %and3A_1627 = arith.andi %ne3A_1623, %ne3A_1626 : i1
        %sub3A_1628 = arith.constant 1 : i32
        %sub3A_1629 = arith.subi %div3A_1608, %sub3A_1628 : i32
        %select_n3A_1630 = arith.select %and3A_1627, %sub3A_1629, %div3A_1608 : i32
        %mul3A_1631 = arith.constant 128 : i32
        %mul3A_1632 = arith.muli %select_n3A_1630, %mul3A_1631 : i32
        %dma_start3A_1633 = arith.constant 7 : i32
        %dma_start3A_1634 = arith.constant 0 : i32
        %dma_start3A_1635 = arith.constant 0 : i32
        %dma_start3A_1636 = tpu.memref_slice %arg6[%sub3A_1292, %dma_start3A_1633, %dma_start3A_1634, %dma_start3A_1635] : memref<2x8x128x32xf32, #tpu.memory_space<vmem>> -> memref<1x1x128x32xf32, #tpu.memory_space<vmem>>
        %dma_start3A_1637 = tpu.memref_squeeze %dma_start3A_1636 : memref<1x1x128x32xf32, #tpu.memory_space<vmem>> -> memref<128x32xf32, #tpu.memory_space<vmem>>
        %dma_start3A_1638 = tpu.memref_slice %arg5[%rem3A_1606, %mul3A_1632] : memref<20x512xi32, #tpu.memory_space<vmem>> -> memref<1x128xi32, #tpu.memory_space<vmem>>
        %dma_start3A_1639 = tpu.memref_squeeze %dma_start3A_1638 : memref<1x128xi32, #tpu.memory_space<vmem>> -> memref<128xi32, #tpu.memory_space<vmem>>
        %dma_start3A_1640 = arith.constant 0 : i32
        %dma_start3A_1641 = arith.constant 0 : i32
        %dma_start3A_1642 = tpu.memref_slice %arg3[%dma_start3A_1640, %dma_start3A_1641] : memref<1000000x32xf32, #tpu.memory_space<hbm>> -> memref<1000000x32xf32, #tpu.memory_space<hbm>>
        %dma_start3A_1643 = tpu.memref_slice %arg7[%sub3A_1292] : memref<2x!tpu.dma_semaphore, #tpu.memory_space<semaphore_mem>> -> memref<1x!tpu.dma_semaphore, #tpu.memory_space<semaphore_mem>>
        %dma_start3A_1644 = tpu.memref_squeeze %dma_start3A_1643 : memref<1x!tpu.dma_semaphore, #tpu.memory_space<semaphore_mem>> -> memref<!tpu.dma_semaphore, #tpu.memory_space<semaphore_mem>>
        tpu.enqueue_indirect_dma source(%dma_start3A_1642 : memref<1000000x32xf32, #tpu.memory_space<hbm>>) target(%dma_start3A_1637 : memref<128x32xf32, #tpu.memory_space<vmem>>) offsets(%dma_start3A_1639 : memref<128xi32, #tpu.memory_space<vmem>>) semaphore(%dma_start3A_1644 : memref<!tpu.dma_semaphore, #tpu.memory_space<semaphore_mem>>)
      } else {
      }
    }
    %scan3A_149 = arith.constant 10 : i32
    %rem3A_150 = arith.constant 64 : i32
    %rem3A_151 = arith.constant 20 : i32
    %rem3A_152 = arith.remsi %rem3A_150, %rem3A_151 : i32
    %add3A_153 = arith.constant 384 : i32
    %add3A_154 = arith.addi %mul3A_2, %add3A_153 : i32
    %dma_wait3A = arith.constant 0 : i32
    %dma_wait3A_155 = arith.constant 0 : i32
    %dma_wait3A_156 = arith.constant 0 : i32
    %dma_wait3A_157 = arith.constant 0 : i32
    %dma_wait3A_158 = arith.constant 0 : i32
    %dma_wait3A_159 = tpu.memref_slice %arg6[%dma_wait3A, %dma_wait3A_155, %dma_wait3A_157, %dma_wait3A_158] : memref<2x8x128x32xf32, #tpu.memory_space<vmem>> -> memref<1x1x128x32xf32, #tpu.memory_space<vmem>>
    %dma_wait3A_160 = tpu.memref_squeeze %dma_wait3A_159 : memref<1x1x128x32xf32, #tpu.memory_space<vmem>> -> memref<128x32xf32, #tpu.memory_space<vmem>>
    %dma_wait3A_161 = arith.constant 0 : i32
    %dma_wait3A_162 = tpu.memref_slice %arg4[%rem3A_152, %add3A_154, %dma_wait3A_161] : memref<20x16384x32xf32, #tpu.memory_space<hbm>> -> memref<1x128x32xf32, #tpu.memory_space<hbm>>
    %dma_wait3A_163 = tpu.memref_squeeze %dma_wait3A_162 : memref<1x128x32xf32, #tpu.memory_space<hbm>> -> memref<128x32xf32, #tpu.memory_space<hbm>>
    %dma_wait3A_164 = tpu.memref_slice %arg8[%dma_wait3A_156] : memref<2x!tpu.dma_semaphore, #tpu.memory_space<semaphore_mem>> -> memref<1x!tpu.dma_semaphore, #tpu.memory_space<semaphore_mem>>
    %dma_wait3A_165 = tpu.memref_squeeze %dma_wait3A_164 : memref<1x!tpu.dma_semaphore, #tpu.memory_space<semaphore_mem>> -> memref<!tpu.dma_semaphore, #tpu.memory_space<semaphore_mem>>
    %dma_wait3A_166 = arith.constant 0 : i32
    %dma_wait3A_167 = tpu.memref_slice %arg4[%rem3A_152, %add3A_154, %dma_wait3A_166] : memref<20x16384x32xf32, #tpu.memory_space<hbm>> -> memref<1x128x32xf32, #tpu.memory_space<hbm>>
    %dma_wait3A_168 = tpu.memref_squeeze %dma_wait3A_167 : memref<1x128x32xf32, #tpu.memory_space<hbm>> -> memref<128x32xf32, #tpu.memory_space<hbm>>
    %dma_wait3A_169 = arith.constant 0 : i32
    %dma_wait3A_170 = arith.constant 0 : i32
    %dma_wait3A_171 = tpu.memref_slice %arg6[%dma_wait3A, %dma_wait3A_155, %dma_wait3A_169, %dma_wait3A_170] : memref<2x8x128x32xf32, #tpu.memory_space<vmem>> -> memref<1x1x128x32xf32, #tpu.memory_space<vmem>>
    %dma_wait3A_172 = tpu.memref_squeeze %dma_wait3A_171 : memref<1x1x128x32xf32, #tpu.memory_space<vmem>> -> memref<128x32xf32, #tpu.memory_space<vmem>>
    tpu.wait_dma2 semaphore(%dma_wait3A_165 : memref<!tpu.dma_semaphore, #tpu.memory_space<semaphore_mem>>) src(%dma_wait3A_172 : memref<128x32xf32, #tpu.memory_space<vmem>>) dst(%dma_wait3A_168 : memref<128x32xf32, #tpu.memory_space<hbm>>)
    %rem3A_173 = arith.constant 65 : i32
    %rem3A_174 = arith.constant 20 : i32
    %rem3A_175 = arith.remsi %rem3A_173, %rem3A_174 : i32
    %add3A_176 = arith.constant 384 : i32
    %add3A_177 = arith.addi %mul3A_2, %add3A_176 : i32
    %dma_wait3A_178 = arith.constant 0 : i32
    %dma_wait3A_179 = arith.constant 1 : i32
    %dma_wait3A_180 = arith.constant 0 : i32
    %dma_wait3A_181 = arith.constant 0 : i32
    %dma_wait3A_182 = arith.constant 0 : i32
    %dma_wait3A_183 = tpu.memref_slice %arg6[%dma_wait3A_178, %dma_wait3A_179, %dma_wait3A_181, %dma_wait3A_182] : memref<2x8x128x32xf32, #tpu.memory_space<vmem>> -> memref<1x1x128x32xf32, #tpu.memory_space<vmem>>
    %dma_wait3A_184 = tpu.memref_squeeze %dma_wait3A_183 : memref<1x1x128x32xf32, #tpu.memory_space<vmem>> -> memref<128x32xf32, #tpu.memory_space<vmem>>
    %dma_wait3A_185 = arith.constant 0 : i32
    %dma_wait3A_186 = tpu.memref_slice %arg4[%rem3A_175, %add3A_177, %dma_wait3A_185] : memref<20x16384x32xf32, #tpu.memory_space<hbm>> -> memref<1x128x32xf32, #tpu.memory_space<hbm>>
    %dma_wait3A_187 = tpu.memref_squeeze %dma_wait3A_186 : memref<1x128x32xf32, #tpu.memory_space<hbm>> -> memref<128x32xf32, #tpu.memory_space<hbm>>
    %dma_wait3A_188 = tpu.memref_slice %arg8[%dma_wait3A_180] : memref<2x!tpu.dma_semaphore, #tpu.memory_space<semaphore_mem>> -> memref<1x!tpu.dma_semaphore, #tpu.memory_space<semaphore_mem>>
    %dma_wait3A_189 = tpu.memref_squeeze %dma_wait3A_188 : memref<1x!tpu.dma_semaphore, #tpu.memory_space<semaphore_mem>> -> memref<!tpu.dma_semaphore, #tpu.memory_space<semaphore_mem>>
    %dma_wait3A_190 = arith.constant 0 : i32
    %dma_wait3A_191 = tpu.memref_slice %arg4[%rem3A_175, %add3A_177, %dma_wait3A_190] : memref<20x16384x32xf32, #tpu.memory_space<hbm>> -> memref<1x128x32xf32, #tpu.memory_space<hbm>>
    %dma_wait3A_192 = tpu.memref_squeeze %dma_wait3A_191 : memref<1x128x32xf32, #tpu.memory_space<hbm>> -> memref<128x32xf32, #tpu.memory_space<hbm>>
    %dma_wait3A_193 = arith.constant 0 : i32
    %dma_wait3A_194 = arith.constant 0 : i32
    %dma_wait3A_195 = tpu.memref_slice %arg6[%dma_wait3A_178, %dma_wait3A_179, %dma_wait3A_193, %dma_wait3A_194] : memref<2x8x128x32xf32, #tpu.memory_space<vmem>> -> memref<1x1x128x32xf32, #tpu.memory_space<vmem>>
    %dma_wait3A_196 = tpu.memref_squeeze %dma_wait3A_195 : memref<1x1x128x32xf32, #tpu.memory_space<vmem>> -> memref<128x32xf32, #tpu.memory_space<vmem>>
    tpu.wait_dma2 semaphore(%dma_wait3A_189 : memref<!tpu.dma_semaphore, #tpu.memory_space<semaphore_mem>>) src(%dma_wait3A_196 : memref<128x32xf32, #tpu.memory_space<vmem>>) dst(%dma_wait3A_192 : memref<128x32xf32, #tpu.memory_space<hbm>>)
    %rem3A_197 = arith.constant 66 : i32
    %rem3A_198 = arith.constant 20 : i32
    %rem3A_199 = arith.remsi %rem3A_197, %rem3A_198 : i32
    %add3A_200 = arith.constant 384 : i32
    %add3A_201 = arith.addi %mul3A_2, %add3A_200 : i32
    %dma_wait3A_202 = arith.constant 0 : i32
    %dma_wait3A_203 = arith.constant 2 : i32
    %dma_wait3A_204 = arith.constant 0 : i32
    %dma_wait3A_205 = arith.constant 0 : i32
    %dma_wait3A_206 = arith.constant 0 : i32
    %dma_wait3A_207 = tpu.memref_slice %arg6[%dma_wait3A_202, %dma_wait3A_203, %dma_wait3A_205, %dma_wait3A_206] : memref<2x8x128x32xf32, #tpu.memory_space<vmem>> -> memref<1x1x128x32xf32, #tpu.memory_space<vmem>>
    %dma_wait3A_208 = tpu.memref_squeeze %dma_wait3A_207 : memref<1x1x128x32xf32, #tpu.memory_space<vmem>> -> memref<128x32xf32, #tpu.memory_space<vmem>>
    %dma_wait3A_209 = arith.constant 0 : i32
    %dma_wait3A_210 = tpu.memref_slice %arg4[%rem3A_199, %add3A_201, %dma_wait3A_209] : memref<20x16384x32xf32, #tpu.memory_space<hbm>> -> memref<1x128x32xf32, #tpu.memory_space<hbm>>
    %dma_wait3A_211 = tpu.memref_squeeze %dma_wait3A_210 : memref<1x128x32xf32, #tpu.memory_space<hbm>> -> memref<128x32xf32, #tpu.memory_space<hbm>>
    %dma_wait3A_212 = tpu.memref_slice %arg8[%dma_wait3A_204] : memref<2x!tpu.dma_semaphore, #tpu.memory_space<semaphore_mem>> -> memref<1x!tpu.dma_semaphore, #tpu.memory_space<semaphore_mem>>
    %dma_wait3A_213 = tpu.memref_squeeze %dma_wait3A_212 : memref<1x!tpu.dma_semaphore, #tpu.memory_space<semaphore_mem>> -> memref<!tpu.dma_semaphore, #tpu.memory_space<semaphore_mem>>
    %dma_wait3A_214 = arith.constant 0 : i32
    %dma_wait3A_215 = tpu.memref_slice %arg4[%rem3A_199, %add3A_201, %dma_wait3A_214] : memref<20x16384x32xf32, #tpu.memory_space<hbm>> -> memref<1x128x32xf32, #tpu.memory_space<hbm>>
    %dma_wait3A_216 = tpu.memref_squeeze %dma_wait3A_215 : memref<1x128x32xf32, #tpu.memory_space<hbm>> -> memref<128x32xf32, #tpu.memory_space<hbm>>
    %dma_wait3A_217 = arith.constant 0 : i32
    %dma_wait3A_218 = arith.constant 0 : i32
    %dma_wait3A_219 = tpu.memref_slice %arg6[%dma_wait3A_202, %dma_wait3A_203, %dma_wait3A_217, %dma_wait3A_218] : memref<2x8x128x32xf32, #tpu.memory_space<vmem>> -> memref<1x1x128x32xf32, #tpu.memory_space<vmem>>
    %dma_wait3A_220 = tpu.memref_squeeze %dma_wait3A_219 : memref<1x1x128x32xf32, #tpu.memory_space<vmem>> -> memref<128x32xf32, #tpu.memory_space<vmem>>
    tpu.wait_dma2 semaphore(%dma_wait3A_213 : memref<!tpu.dma_semaphore, #tpu.memory_space<semaphore_mem>>) src(%dma_wait3A_220 : memref<128x32xf32, #tpu.memory_space<vmem>>) dst(%dma_wait3A_216 : memref<128x32xf32, #tpu.memory_space<hbm>>)
    %rem3A_221 = arith.constant 67 : i32
    %rem3A_222 = arith.constant 20 : i32
    %rem3A_223 = arith.remsi %rem3A_221, %rem3A_222 : i32
    %add3A_224 = arith.constant 384 : i32
    %add3A_225 = arith.addi %mul3A_2, %add3A_224 : i32
    %dma_wait3A_226 = arith.constant 0 : i32
    %dma_wait3A_227 = arith.constant 3 : i32
    %dma_wait3A_228 = arith.constant 0 : i32
    %dma_wait3A_229 = arith.constant 0 : i32
    %dma_wait3A_230 = arith.constant 0 : i32
    %dma_wait3A_231 = tpu.memref_slice %arg6[%dma_wait3A_226, %dma_wait3A_227, %dma_wait3A_229, %dma_wait3A_230] : memref<2x8x128x32xf32, #tpu.memory_space<vmem>> -> memref<1x1x128x32xf32, #tpu.memory_space<vmem>>
    %dma_wait3A_232 = tpu.memref_squeeze %dma_wait3A_231 : memref<1x1x128x32xf32, #tpu.memory_space<vmem>> -> memref<128x32xf32, #tpu.memory_space<vmem>>
    %dma_wait3A_233 = arith.constant 0 : i32
    %dma_wait3A_234 = tpu.memref_slice %arg4[%rem3A_223, %add3A_225, %dma_wait3A_233] : memref<20x16384x32xf32, #tpu.memory_space<hbm>> -> memref<1x128x32xf32, #tpu.memory_space<hbm>>
    %dma_wait3A_235 = tpu.memref_squeeze %dma_wait3A_234 : memref<1x128x32xf32, #tpu.memory_space<hbm>> -> memref<128x32xf32, #tpu.memory_space<hbm>>
    %dma_wait3A_236 = tpu.memref_slice %arg8[%dma_wait3A_228] : memref<2x!tpu.dma_semaphore, #tpu.memory_space<semaphore_mem>> -> memref<1x!tpu.dma_semaphore, #tpu.memory_space<semaphore_mem>>
    %dma_wait3A_237 = tpu.memref_squeeze %dma_wait3A_236 : memref<1x!tpu.dma_semaphore, #tpu.memory_space<semaphore_mem>> -> memref<!tpu.dma_semaphore, #tpu.memory_space<semaphore_mem>>
    %dma_wait3A_238 = arith.constant 0 : i32
    %dma_wait3A_239 = tpu.memref_slice %arg4[%rem3A_223, %add3A_225, %dma_wait3A_238] : memref<20x16384x32xf32, #tpu.memory_space<hbm>> -> memref<1x128x32xf32, #tpu.memory_space<hbm>>
    %dma_wait3A_240 = tpu.memref_squeeze %dma_wait3A_239 : memref<1x128x32xf32, #tpu.memory_space<hbm>> -> memref<128x32xf32, #tpu.memory_space<hbm>>
    %dma_wait3A_241 = arith.constant 0 : i32
    %dma_wait3A_242 = arith.constant 0 : i32
    %dma_wait3A_243 = tpu.memref_slice %arg6[%dma_wait3A_226, %dma_wait3A_227, %dma_wait3A_241, %dma_wait3A_242] : memref<2x8x128x32xf32, #tpu.memory_space<vmem>> -> memref<1x1x128x32xf32, #tpu.memory_space<vmem>>
    %dma_wait3A_244 = tpu.memref_squeeze %dma_wait3A_243 : memref<1x1x128x32xf32, #tpu.memory_space<vmem>> -> memref<128x32xf32, #tpu.memory_space<vmem>>
    tpu.wait_dma2 semaphore(%dma_wait3A_237 : memref<!tpu.dma_semaphore, #tpu.memory_space<semaphore_mem>>) src(%dma_wait3A_244 : memref<128x32xf32, #tpu.memory_space<vmem>>) dst(%dma_wait3A_240 : memref<128x32xf32, #tpu.memory_space<hbm>>)
    %rem3A_245 = arith.constant 68 : i32
    %rem3A_246 = arith.constant 20 : i32
    %rem3A_247 = arith.remsi %rem3A_245, %rem3A_246 : i32
    %add3A_248 = arith.constant 384 : i32
    %add3A_249 = arith.addi %mul3A_2, %add3A_248 : i32
    %dma_wait3A_250 = arith.constant 0 : i32
    %dma_wait3A_251 = arith.constant 4 : i32
    %dma_wait3A_252 = arith.constant 0 : i32
    %dma_wait3A_253 = arith.constant 0 : i32
    %dma_wait3A_254 = arith.constant 0 : i32
    %dma_wait3A_255 = tpu.memref_slice %arg6[%dma_wait3A_250, %dma_wait3A_251, %dma_wait3A_253, %dma_wait3A_254] : memref<2x8x128x32xf32, #tpu.memory_space<vmem>> -> memref<1x1x128x32xf32, #tpu.memory_space<vmem>>
    %dma_wait3A_256 = tpu.memref_squeeze %dma_wait3A_255 : memref<1x1x128x32xf32, #tpu.memory_space<vmem>> -> memref<128x32xf32, #tpu.memory_space<vmem>>
    %dma_wait3A_257 = arith.constant 0 : i32
    %dma_wait3A_258 = tpu.memref_slice %arg4[%rem3A_247, %add3A_249, %dma_wait3A_257] : memref<20x16384x32xf32, #tpu.memory_space<hbm>> -> memref<1x128x32xf32, #tpu.memory_space<hbm>>
    %dma_wait3A_259 = tpu.memref_squeeze %dma_wait3A_258 : memref<1x128x32xf32, #tpu.memory_space<hbm>> -> memref<128x32xf32, #tpu.memory_space<hbm>>
    %dma_wait3A_260 = tpu.memref_slice %arg8[%dma_wait3A_252] : memref<2x!tpu.dma_semaphore, #tpu.memory_space<semaphore_mem>> -> memref<1x!tpu.dma_semaphore, #tpu.memory_space<semaphore_mem>>
    %dma_wait3A_261 = tpu.memref_squeeze %dma_wait3A_260 : memref<1x!tpu.dma_semaphore, #tpu.memory_space<semaphore_mem>> -> memref<!tpu.dma_semaphore, #tpu.memory_space<semaphore_mem>>
    %dma_wait3A_262 = arith.constant 0 : i32
    %dma_wait3A_263 = tpu.memref_slice %arg4[%rem3A_247, %add3A_249, %dma_wait3A_262] : memref<20x16384x32xf32, #tpu.memory_space<hbm>> -> memref<1x128x32xf32, #tpu.memory_space<hbm>>
    %dma_wait3A_264 = tpu.memref_squeeze %dma_wait3A_263 : memref<1x128x32xf32, #tpu.memory_space<hbm>> -> memref<128x32xf32, #tpu.memory_space<hbm>>
    %dma_wait3A_265 = arith.constant 0 : i32
    %dma_wait3A_266 = arith.constant 0 : i32
    %dma_wait3A_267 = tpu.memref_slice %arg6[%dma_wait3A_250, %dma_wait3A_251, %dma_wait3A_265, %dma_wait3A_266] : memref<2x8x128x32xf32, #tpu.memory_space<vmem>> -> memref<1x1x128x32xf32, #tpu.memory_space<vmem>>
    %dma_wait3A_268 = tpu.memref_squeeze %dma_wait3A_267 : memref<1x1x128x32xf32, #tpu.memory_space<vmem>> -> memref<128x32xf32, #tpu.memory_space<vmem>>
    tpu.wait_dma2 semaphore(%dma_wait3A_261 : memref<!tpu.dma_semaphore, #tpu.memory_space<semaphore_mem>>) src(%dma_wait3A_268 : memref<128x32xf32, #tpu.memory_space<vmem>>) dst(%dma_wait3A_264 : memref<128x32xf32, #tpu.memory_space<hbm>>)
    %rem3A_269 = arith.constant 69 : i32
    %rem3A_270 = arith.constant 20 : i32
    %rem3A_271 = arith.remsi %rem3A_269, %rem3A_270 : i32
    %add3A_272 = arith.constant 384 : i32
    %add3A_273 = arith.addi %mul3A_2, %add3A_272 : i32
    %dma_wait3A_274 = arith.constant 0 : i32
    %dma_wait3A_275 = arith.constant 5 : i32
    %dma_wait3A_276 = arith.constant 0 : i32
    %dma_wait3A_277 = arith.constant 0 : i32
    %dma_wait3A_278 = arith.constant 0 : i32
    %dma_wait3A_279 = tpu.memref_slice %arg6[%dma_wait3A_274, %dma_wait3A_275, %dma_wait3A_277, %dma_wait3A_278] : memref<2x8x128x32xf32, #tpu.memory_space<vmem>> -> memref<1x1x128x32xf32, #tpu.memory_space<vmem>>
    %dma_wait3A_280 = tpu.memref_squeeze %dma_wait3A_279 : memref<1x1x128x32xf32, #tpu.memory_space<vmem>> -> memref<128x32xf32, #tpu.memory_space<vmem>>
    %dma_wait3A_281 = arith.constant 0 : i32
    %dma_wait3A_282 = tpu.memref_slice %arg4[%rem3A_271, %add3A_273, %dma_wait3A_281] : memref<20x16384x32xf32, #tpu.memory_space<hbm>> -> memref<1x128x32xf32, #tpu.memory_space<hbm>>
    %dma_wait3A_283 = tpu.memref_squeeze %dma_wait3A_282 : memref<1x128x32xf32, #tpu.memory_space<hbm>> -> memref<128x32xf32, #tpu.memory_space<hbm>>
    %dma_wait3A_284 = tpu.memref_slice %arg8[%dma_wait3A_276] : memref<2x!tpu.dma_semaphore, #tpu.memory_space<semaphore_mem>> -> memref<1x!tpu.dma_semaphore, #tpu.memory_space<semaphore_mem>>
    %dma_wait3A_285 = tpu.memref_squeeze %dma_wait3A_284 : memref<1x!tpu.dma_semaphore, #tpu.memory_space<semaphore_mem>> -> memref<!tpu.dma_semaphore, #tpu.memory_space<semaphore_mem>>
    %dma_wait3A_286 = arith.constant 0 : i32
    %dma_wait3A_287 = tpu.memref_slice %arg4[%rem3A_271, %add3A_273, %dma_wait3A_286] : memref<20x16384x32xf32, #tpu.memory_space<hbm>> -> memref<1x128x32xf32, #tpu.memory_space<hbm>>
    %dma_wait3A_288 = tpu.memref_squeeze %dma_wait3A_287 : memref<1x128x32xf32, #tpu.memory_space<hbm>> -> memref<128x32xf32, #tpu.memory_space<hbm>>
    %dma_wait3A_289 = arith.constant 0 : i32
    %dma_wait3A_290 = arith.constant 0 : i32
    %dma_wait3A_291 = tpu.memref_slice %arg6[%dma_wait3A_274, %dma_wait3A_275, %dma_wait3A_289, %dma_wait3A_290] : memref<2x8x128x32xf32, #tpu.memory_space<vmem>> -> memref<1x1x128x32xf32, #tpu.memory_space<vmem>>
    %dma_wait3A_292 = tpu.memref_squeeze %dma_wait3A_291 : memref<1x1x128x32xf32, #tpu.memory_space<vmem>> -> memref<128x32xf32, #tpu.memory_space<vmem>>
    tpu.wait_dma2 semaphore(%dma_wait3A_285 : memref<!tpu.dma_semaphore, #tpu.memory_space<semaphore_mem>>) src(%dma_wait3A_292 : memref<128x32xf32, #tpu.memory_space<vmem>>) dst(%dma_wait3A_288 : memref<128x32xf32, #tpu.memory_space<hbm>>)
    %rem3A_293 = arith.constant 70 : i32
    %rem3A_294 = arith.constant 20 : i32
    %rem3A_295 = arith.remsi %rem3A_293, %rem3A_294 : i32
    %add3A_296 = arith.constant 384 : i32
    %add3A_297 = arith.addi %mul3A_2, %add3A_296 : i32
    %dma_wait3A_298 = arith.constant 0 : i32
    %dma_wait3A_299 = arith.constant 6 : i32
    %dma_wait3A_300 = arith.constant 0 : i32
    %dma_wait3A_301 = arith.constant 0 : i32
    %dma_wait3A_302 = arith.constant 0 : i32
    %dma_wait3A_303 = tpu.memref_slice %arg6[%dma_wait3A_298, %dma_wait3A_299, %dma_wait3A_301, %dma_wait3A_302] : memref<2x8x128x32xf32, #tpu.memory_space<vmem>> -> memref<1x1x128x32xf32, #tpu.memory_space<vmem>>
    %dma_wait3A_304 = tpu.memref_squeeze %dma_wait3A_303 : memref<1x1x128x32xf32, #tpu.memory_space<vmem>> -> memref<128x32xf32, #tpu.memory_space<vmem>>
    %dma_wait3A_305 = arith.constant 0 : i32
    %dma_wait3A_306 = tpu.memref_slice %arg4[%rem3A_295, %add3A_297, %dma_wait3A_305] : memref<20x16384x32xf32, #tpu.memory_space<hbm>> -> memref<1x128x32xf32, #tpu.memory_space<hbm>>
    %dma_wait3A_307 = tpu.memref_squeeze %dma_wait3A_306 : memref<1x128x32xf32, #tpu.memory_space<hbm>> -> memref<128x32xf32, #tpu.memory_space<hbm>>
    %dma_wait3A_308 = tpu.memref_slice %arg8[%dma_wait3A_300] : memref<2x!tpu.dma_semaphore, #tpu.memory_space<semaphore_mem>> -> memref<1x!tpu.dma_semaphore, #tpu.memory_space<semaphore_mem>>
    %dma_wait3A_309 = tpu.memref_squeeze %dma_wait3A_308 : memref<1x!tpu.dma_semaphore, #tpu.memory_space<semaphore_mem>> -> memref<!tpu.dma_semaphore, #tpu.memory_space<semaphore_mem>>
    %dma_wait3A_310 = arith.constant 0 : i32
    %dma_wait3A_311 = tpu.memref_slice %arg4[%rem3A_295, %add3A_297, %dma_wait3A_310] : memref<20x16384x32xf32, #tpu.memory_space<hbm>> -> memref<1x128x32xf32, #tpu.memory_space<hbm>>
    %dma_wait3A_312 = tpu.memref_squeeze %dma_wait3A_311 : memref<1x128x32xf32, #tpu.memory_space<hbm>> -> memref<128x32xf32, #tpu.memory_space<hbm>>
    %dma_wait3A_313 = arith.constant 0 : i32
    %dma_wait3A_314 = arith.constant 0 : i32
    %dma_wait3A_315 = tpu.memref_slice %arg6[%dma_wait3A_298, %dma_wait3A_299, %dma_wait3A_313, %dma_wait3A_314] : memref<2x8x128x32xf32, #tpu.memory_space<vmem>> -> memref<1x1x128x32xf32, #tpu.memory_space<vmem>>
    %dma_wait3A_316 = tpu.memref_squeeze %dma_wait3A_315 : memref<1x1x128x32xf32, #tpu.memory_space<vmem>> -> memref<128x32xf32, #tpu.memory_space<vmem>>
    tpu.wait_dma2 semaphore(%dma_wait3A_309 : memref<!tpu.dma_semaphore, #tpu.memory_space<semaphore_mem>>) src(%dma_wait3A_316 : memref<128x32xf32, #tpu.memory_space<vmem>>) dst(%dma_wait3A_312 : memref<128x32xf32, #tpu.memory_space<hbm>>)
    %rem3A_317 = arith.constant 71 : i32
    %rem3A_318 = arith.constant 20 : i32
    %rem3A_319 = arith.remsi %rem3A_317, %rem3A_318 : i32
    %add3A_320 = arith.constant 384 : i32
    %add3A_321 = arith.addi %mul3A_2, %add3A_320 : i32
    %dma_wait3A_322 = arith.constant 0 : i32
    %dma_wait3A_323 = arith.constant 7 : i32
    %dma_wait3A_324 = arith.constant 0 : i32
    %dma_wait3A_325 = arith.constant 0 : i32
    %dma_wait3A_326 = arith.constant 0 : i32
    %dma_wait3A_327 = tpu.memref_slice %arg6[%dma_wait3A_322, %dma_wait3A_323, %dma_wait3A_325, %dma_wait3A_326] : memref<2x8x128x32xf32, #tpu.memory_space<vmem>> -> memref<1x1x128x32xf32, #tpu.memory_space<vmem>>
    %dma_wait3A_328 = tpu.memref_squeeze %dma_wait3A_327 : memref<1x1x128x32xf32, #tpu.memory_space<vmem>> -> memref<128x32xf32, #tpu.memory_space<vmem>>
    %dma_wait3A_329 = arith.constant 0 : i32
    %dma_wait3A_330 = tpu.memref_slice %arg4[%rem3A_319, %add3A_321, %dma_wait3A_329] : memref<20x16384x32xf32, #tpu.memory_space<hbm>> -> memref<1x128x32xf32, #tpu.memory_space<hbm>>
    %dma_wait3A_331 = tpu.memref_squeeze %dma_wait3A_330 : memref<1x128x32xf32, #tpu.memory_space<hbm>> -> memref<128x32xf32, #tpu.memory_space<hbm>>
    %dma_wait3A_332 = tpu.memref_slice %arg8[%dma_wait3A_324] : memref<2x!tpu.dma_semaphore, #tpu.memory_space<semaphore_mem>> -> memref<1x!tpu.dma_semaphore, #tpu.memory_space<semaphore_mem>>
    %dma_wait3A_333 = tpu.memref_squeeze %dma_wait3A_332 : memref<1x!tpu.dma_semaphore, #tpu.memory_space<semaphore_mem>> -> memref<!tpu.dma_semaphore, #tpu.memory_space<semaphore_mem>>
    %dma_wait3A_334 = arith.constant 0 : i32
    %dma_wait3A_335 = tpu.memref_slice %arg4[%rem3A_319, %add3A_321, %dma_wait3A_334] : memref<20x16384x32xf32, #tpu.memory_space<hbm>> -> memref<1x128x32xf32, #tpu.memory_space<hbm>>
    %dma_wait3A_336 = tpu.memref_squeeze %dma_wait3A_335 : memref<1x128x32xf32, #tpu.memory_space<hbm>> -> memref<128x32xf32, #tpu.memory_space<hbm>>
    %dma_wait3A_337 = arith.constant 0 : i32
    %dma_wait3A_338 = arith.constant 0 : i32
    %dma_wait3A_339 = tpu.memref_slice %arg6[%dma_wait3A_322, %dma_wait3A_323, %dma_wait3A_337, %dma_wait3A_338] : memref<2x8x128x32xf32, #tpu.memory_space<vmem>> -> memref<1x1x128x32xf32, #tpu.memory_space<vmem>>
    %dma_wait3A_340 = tpu.memref_squeeze %dma_wait3A_339 : memref<1x1x128x32xf32, #tpu.memory_space<vmem>> -> memref<128x32xf32, #tpu.memory_space<vmem>>
    tpu.wait_dma2 semaphore(%dma_wait3A_333 : memref<!tpu.dma_semaphore, #tpu.memory_space<semaphore_mem>>) src(%dma_wait3A_340 : memref<128x32xf32, #tpu.memory_space<vmem>>) dst(%dma_wait3A_336 : memref<128x32xf32, #tpu.memory_space<hbm>>)
    %rem3A_341 = arith.constant 72 : i32
    %rem3A_342 = arith.constant 20 : i32
    %rem3A_343 = arith.remsi %rem3A_341, %rem3A_342 : i32
    %add3A_344 = arith.constant 384 : i32
    %add3A_345 = arith.addi %mul3A_2, %add3A_344 : i32
    %dma_wait3A_346 = arith.constant 1 : i32
    %dma_wait3A_347 = arith.constant 0 : i32
    %dma_wait3A_348 = arith.constant 1 : i32
    %dma_wait3A_349 = arith.constant 0 : i32
    %dma_wait3A_350 = arith.constant 0 : i32
    %dma_wait3A_351 = tpu.memref_slice %arg6[%dma_wait3A_346, %dma_wait3A_347, %dma_wait3A_349, %dma_wait3A_350] : memref<2x8x128x32xf32, #tpu.memory_space<vmem>> -> memref<1x1x128x32xf32, #tpu.memory_space<vmem>>
    %dma_wait3A_352 = tpu.memref_squeeze %dma_wait3A_351 : memref<1x1x128x32xf32, #tpu.memory_space<vmem>> -> memref<128x32xf32, #tpu.memory_space<vmem>>
    %dma_wait3A_353 = arith.constant 0 : i32
    %dma_wait3A_354 = tpu.memref_slice %arg4[%rem3A_343, %add3A_345, %dma_wait3A_353] : memref<20x16384x32xf32, #tpu.memory_space<hbm>> -> memref<1x128x32xf32, #tpu.memory_space<hbm>>
    %dma_wait3A_355 = tpu.memref_squeeze %dma_wait3A_354 : memref<1x128x32xf32, #tpu.memory_space<hbm>> -> memref<128x32xf32, #tpu.memory_space<hbm>>
    %dma_wait3A_356 = tpu.memref_slice %arg8[%dma_wait3A_348] : memref<2x!tpu.dma_semaphore, #tpu.memory_space<semaphore_mem>> -> memref<1x!tpu.dma_semaphore, #tpu.memory_space<semaphore_mem>>
    %dma_wait3A_357 = tpu.memref_squeeze %dma_wait3A_356 : memref<1x!tpu.dma_semaphore, #tpu.memory_space<semaphore_mem>> -> memref<!tpu.dma_semaphore, #tpu.memory_space<semaphore_mem>>
    %dma_wait3A_358 = arith.constant 0 : i32
    %dma_wait3A_359 = tpu.memref_slice %arg4[%rem3A_343, %add3A_345, %dma_wait3A_358] : memref<20x16384x32xf32, #tpu.memory_space<hbm>> -> memref<1x128x32xf32, #tpu.memory_space<hbm>>
    %dma_wait3A_360 = tpu.memref_squeeze %dma_wait3A_359 : memref<1x128x32xf32, #tpu.memory_space<hbm>> -> memref<128x32xf32, #tpu.memory_space<hbm>>
    %dma_wait3A_361 = arith.constant 0 : i32
    %dma_wait3A_362 = arith.constant 0 : i32
    %dma_wait3A_363 = tpu.memref_slice %arg6[%dma_wait3A_346, %dma_wait3A_347, %dma_wait3A_361, %dma_wait3A_362] : memref<2x8x128x32xf32, #tpu.memory_space<vmem>> -> memref<1x1x128x32xf32, #tpu.memory_space<vmem>>
    %dma_wait3A_364 = tpu.memref_squeeze %dma_wait3A_363 : memref<1x1x128x32xf32, #tpu.memory_space<vmem>> -> memref<128x32xf32, #tpu.memory_space<vmem>>
    tpu.wait_dma2 semaphore(%dma_wait3A_357 : memref<!tpu.dma_semaphore, #tpu.memory_space<semaphore_mem>>) src(%dma_wait3A_364 : memref<128x32xf32, #tpu.memory_space<vmem>>) dst(%dma_wait3A_360 : memref<128x32xf32, #tpu.memory_space<hbm>>)
    %rem3A_365 = arith.constant 73 : i32
    %rem3A_366 = arith.constant 20 : i32
    %rem3A_367 = arith.remsi %rem3A_365, %rem3A_366 : i32
    %add3A_368 = arith.constant 384 : i32
    %add3A_369 = arith.addi %mul3A_2, %add3A_368 : i32
    %dma_wait3A_370 = arith.constant 1 : i32
    %dma_wait3A_371 = arith.constant 1 : i32
    %dma_wait3A_372 = arith.constant 1 : i32
    %dma_wait3A_373 = arith.constant 0 : i32
    %dma_wait3A_374 = arith.constant 0 : i32
    %dma_wait3A_375 = tpu.memref_slice %arg6[%dma_wait3A_370, %dma_wait3A_371, %dma_wait3A_373, %dma_wait3A_374] : memref<2x8x128x32xf32, #tpu.memory_space<vmem>> -> memref<1x1x128x32xf32, #tpu.memory_space<vmem>>
    %dma_wait3A_376 = tpu.memref_squeeze %dma_wait3A_375 : memref<1x1x128x32xf32, #tpu.memory_space<vmem>> -> memref<128x32xf32, #tpu.memory_space<vmem>>
    %dma_wait3A_377 = arith.constant 0 : i32
    %dma_wait3A_378 = tpu.memref_slice %arg4[%rem3A_367, %add3A_369, %dma_wait3A_377] : memref<20x16384x32xf32, #tpu.memory_space<hbm>> -> memref<1x128x32xf32, #tpu.memory_space<hbm>>
    %dma_wait3A_379 = tpu.memref_squeeze %dma_wait3A_378 : memref<1x128x32xf32, #tpu.memory_space<hbm>> -> memref<128x32xf32, #tpu.memory_space<hbm>>
    %dma_wait3A_380 = tpu.memref_slice %arg8[%dma_wait3A_372] : memref<2x!tpu.dma_semaphore, #tpu.memory_space<semaphore_mem>> -> memref<1x!tpu.dma_semaphore, #tpu.memory_space<semaphore_mem>>
    %dma_wait3A_381 = tpu.memref_squeeze %dma_wait3A_380 : memref<1x!tpu.dma_semaphore, #tpu.memory_space<semaphore_mem>> -> memref<!tpu.dma_semaphore, #tpu.memory_space<semaphore_mem>>
    %dma_wait3A_382 = arith.constant 0 : i32
    %dma_wait3A_383 = tpu.memref_slice %arg4[%rem3A_367, %add3A_369, %dma_wait3A_382] : memref<20x16384x32xf32, #tpu.memory_space<hbm>> -> memref<1x128x32xf32, #tpu.memory_space<hbm>>
    %dma_wait3A_384 = tpu.memref_squeeze %dma_wait3A_383 : memref<1x128x32xf32, #tpu.memory_space<hbm>> -> memref<128x32xf32, #tpu.memory_space<hbm>>
    %dma_wait3A_385 = arith.constant 0 : i32
    %dma_wait3A_386 = arith.constant 0 : i32
    %dma_wait3A_387 = tpu.memref_slice %arg6[%dma_wait3A_370, %dma_wait3A_371, %dma_wait3A_385, %dma_wait3A_386] : memref<2x8x128x32xf32, #tpu.memory_space<vmem>> -> memref<1x1x128x32xf32, #tpu.memory_space<vmem>>
    %dma_wait3A_388 = tpu.memref_squeeze %dma_wait3A_387 : memref<1x1x128x32xf32, #tpu.memory_space<vmem>> -> memref<128x32xf32, #tpu.memory_space<vmem>>
    tpu.wait_dma2 semaphore(%dma_wait3A_381 : memref<!tpu.dma_semaphore, #tpu.memory_space<semaphore_mem>>) src(%dma_wait3A_388 : memref<128x32xf32, #tpu.memory_space<vmem>>) dst(%dma_wait3A_384 : memref<128x32xf32, #tpu.memory_space<hbm>>)
    %rem3A_389 = arith.constant 74 : i32
    %rem3A_390 = arith.constant 20 : i32
    %rem3A_391 = arith.remsi %rem3A_389, %rem3A_390 : i32
    %add3A_392 = arith.constant 384 : i32
    %add3A_393 = arith.addi %mul3A_2, %add3A_392 : i32
    %dma_wait3A_394 = arith.constant 1 : i32
    %dma_wait3A_395 = arith.constant 2 : i32
    %dma_wait3A_396 = arith.constant 1 : i32
    %dma_wait3A_397 = arith.constant 0 : i32
    %dma_wait3A_398 = arith.constant 0 : i32
    %dma_wait3A_399 = tpu.memref_slice %arg6[%dma_wait3A_394, %dma_wait3A_395, %dma_wait3A_397, %dma_wait3A_398] : memref<2x8x128x32xf32, #tpu.memory_space<vmem>> -> memref<1x1x128x32xf32, #tpu.memory_space<vmem>>
    %dma_wait3A_400 = tpu.memref_squeeze %dma_wait3A_399 : memref<1x1x128x32xf32, #tpu.memory_space<vmem>> -> memref<128x32xf32, #tpu.memory_space<vmem>>
    %dma_wait3A_401 = arith.constant 0 : i32
    %dma_wait3A_402 = tpu.memref_slice %arg4[%rem3A_391, %add3A_393, %dma_wait3A_401] : memref<20x16384x32xf32, #tpu.memory_space<hbm>> -> memref<1x128x32xf32, #tpu.memory_space<hbm>>
    %dma_wait3A_403 = tpu.memref_squeeze %dma_wait3A_402 : memref<1x128x32xf32, #tpu.memory_space<hbm>> -> memref<128x32xf32, #tpu.memory_space<hbm>>
    %dma_wait3A_404 = tpu.memref_slice %arg8[%dma_wait3A_396] : memref<2x!tpu.dma_semaphore, #tpu.memory_space<semaphore_mem>> -> memref<1x!tpu.dma_semaphore, #tpu.memory_space<semaphore_mem>>
    %dma_wait3A_405 = tpu.memref_squeeze %dma_wait3A_404 : memref<1x!tpu.dma_semaphore, #tpu.memory_space<semaphore_mem>> -> memref<!tpu.dma_semaphore, #tpu.memory_space<semaphore_mem>>
    %dma_wait3A_406 = arith.constant 0 : i32
    %dma_wait3A_407 = tpu.memref_slice %arg4[%rem3A_391, %add3A_393, %dma_wait3A_406] : memref<20x16384x32xf32, #tpu.memory_space<hbm>> -> memref<1x128x32xf32, #tpu.memory_space<hbm>>
    %dma_wait3A_408 = tpu.memref_squeeze %dma_wait3A_407 : memref<1x128x32xf32, #tpu.memory_space<hbm>> -> memref<128x32xf32, #tpu.memory_space<hbm>>
    %dma_wait3A_409 = arith.constant 0 : i32
    %dma_wait3A_410 = arith.constant 0 : i32
    %dma_wait3A_411 = tpu.memref_slice %arg6[%dma_wait3A_394, %dma_wait3A_395, %dma_wait3A_409, %dma_wait3A_410] : memref<2x8x128x32xf32, #tpu.memory_space<vmem>> -> memref<1x1x128x32xf32, #tpu.memory_space<vmem>>
    %dma_wait3A_412 = tpu.memref_squeeze %dma_wait3A_411 : memref<1x1x128x32xf32, #tpu.memory_space<vmem>> -> memref<128x32xf32, #tpu.memory_space<vmem>>
    tpu.wait_dma2 semaphore(%dma_wait3A_405 : memref<!tpu.dma_semaphore, #tpu.memory_space<semaphore_mem>>) src(%dma_wait3A_412 : memref<128x32xf32, #tpu.memory_space<vmem>>) dst(%dma_wait3A_408 : memref<128x32xf32, #tpu.memory_space<hbm>>)
    %rem3A_413 = arith.constant 75 : i32
    %rem3A_414 = arith.constant 20 : i32
    %rem3A_415 = arith.remsi %rem3A_413, %rem3A_414 : i32
    %add3A_416 = arith.constant 384 : i32
    %add3A_417 = arith.addi %mul3A_2, %add3A_416 : i32
    %dma_wait3A_418 = arith.constant 1 : i32
    %dma_wait3A_419 = arith.constant 3 : i32
    %dma_wait3A_420 = arith.constant 1 : i32
    %dma_wait3A_421 = arith.constant 0 : i32
    %dma_wait3A_422 = arith.constant 0 : i32
    %dma_wait3A_423 = tpu.memref_slice %arg6[%dma_wait3A_418, %dma_wait3A_419, %dma_wait3A_421, %dma_wait3A_422] : memref<2x8x128x32xf32, #tpu.memory_space<vmem>> -> memref<1x1x128x32xf32, #tpu.memory_space<vmem>>
    %dma_wait3A_424 = tpu.memref_squeeze %dma_wait3A_423 : memref<1x1x128x32xf32, #tpu.memory_space<vmem>> -> memref<128x32xf32, #tpu.memory_space<vmem>>
    %dma_wait3A_425 = arith.constant 0 : i32
    %dma_wait3A_426 = tpu.memref_slice %arg4[%rem3A_415, %add3A_417, %dma_wait3A_425] : memref<20x16384x32xf32, #tpu.memory_space<hbm>> -> memref<1x128x32xf32, #tpu.memory_space<hbm>>
    %dma_wait3A_427 = tpu.memref_squeeze %dma_wait3A_426 : memref<1x128x32xf32, #tpu.memory_space<hbm>> -> memref<128x32xf32, #tpu.memory_space<hbm>>
    %dma_wait3A_428 = tpu.memref_slice %arg8[%dma_wait3A_420] : memref<2x!tpu.dma_semaphore, #tpu.memory_space<semaphore_mem>> -> memref<1x!tpu.dma_semaphore, #tpu.memory_space<semaphore_mem>>
    %dma_wait3A_429 = tpu.memref_squeeze %dma_wait3A_428 : memref<1x!tpu.dma_semaphore, #tpu.memory_space<semaphore_mem>> -> memref<!tpu.dma_semaphore, #tpu.memory_space<semaphore_mem>>
    %dma_wait3A_430 = arith.constant 0 : i32
    %dma_wait3A_431 = tpu.memref_slice %arg4[%rem3A_415, %add3A_417, %dma_wait3A_430] : memref<20x16384x32xf32, #tpu.memory_space<hbm>> -> memref<1x128x32xf32, #tpu.memory_space<hbm>>
    %dma_wait3A_432 = tpu.memref_squeeze %dma_wait3A_431 : memref<1x128x32xf32, #tpu.memory_space<hbm>> -> memref<128x32xf32, #tpu.memory_space<hbm>>
    %dma_wait3A_433 = arith.constant 0 : i32
    %dma_wait3A_434 = arith.constant 0 : i32
    %dma_wait3A_435 = tpu.memref_slice %arg6[%dma_wait3A_418, %dma_wait3A_419, %dma_wait3A_433, %dma_wait3A_434] : memref<2x8x128x32xf32, #tpu.memory_space<vmem>> -> memref<1x1x128x32xf32, #tpu.memory_space<vmem>>
    %dma_wait3A_436 = tpu.memref_squeeze %dma_wait3A_435 : memref<1x1x128x32xf32, #tpu.memory_space<vmem>> -> memref<128x32xf32, #tpu.memory_space<vmem>>
    tpu.wait_dma2 semaphore(%dma_wait3A_429 : memref<!tpu.dma_semaphore, #tpu.memory_space<semaphore_mem>>) src(%dma_wait3A_436 : memref<128x32xf32, #tpu.memory_space<vmem>>) dst(%dma_wait3A_432 : memref<128x32xf32, #tpu.memory_space<hbm>>)
    %rem3A_437 = arith.constant 76 : i32
    %rem3A_438 = arith.constant 20 : i32
    %rem3A_439 = arith.remsi %rem3A_437, %rem3A_438 : i32
    %add3A_440 = arith.constant 384 : i32
    %add3A_441 = arith.addi %mul3A_2, %add3A_440 : i32
    %dma_wait3A_442 = arith.constant 1 : i32
    %dma_wait3A_443 = arith.constant 4 : i32
    %dma_wait3A_444 = arith.constant 1 : i32
    %dma_wait3A_445 = arith.constant 0 : i32
    %dma_wait3A_446 = arith.constant 0 : i32
    %dma_wait3A_447 = tpu.memref_slice %arg6[%dma_wait3A_442, %dma_wait3A_443, %dma_wait3A_445, %dma_wait3A_446] : memref<2x8x128x32xf32, #tpu.memory_space<vmem>> -> memref<1x1x128x32xf32, #tpu.memory_space<vmem>>
    %dma_wait3A_448 = tpu.memref_squeeze %dma_wait3A_447 : memref<1x1x128x32xf32, #tpu.memory_space<vmem>> -> memref<128x32xf32, #tpu.memory_space<vmem>>
    %dma_wait3A_449 = arith.constant 0 : i32
    %dma_wait3A_450 = tpu.memref_slice %arg4[%rem3A_439, %add3A_441, %dma_wait3A_449] : memref<20x16384x32xf32, #tpu.memory_space<hbm>> -> memref<1x128x32xf32, #tpu.memory_space<hbm>>
    %dma_wait3A_451 = tpu.memref_squeeze %dma_wait3A_450 : memref<1x128x32xf32, #tpu.memory_space<hbm>> -> memref<128x32xf32, #tpu.memory_space<hbm>>
    %dma_wait3A_452 = tpu.memref_slice %arg8[%dma_wait3A_444] : memref<2x!tpu.dma_semaphore, #tpu.memory_space<semaphore_mem>> -> memref<1x!tpu.dma_semaphore, #tpu.memory_space<semaphore_mem>>
    %dma_wait3A_453 = tpu.memref_squeeze %dma_wait3A_452 : memref<1x!tpu.dma_semaphore, #tpu.memory_space<semaphore_mem>> -> memref<!tpu.dma_semaphore, #tpu.memory_space<semaphore_mem>>
    %dma_wait3A_454 = arith.constant 0 : i32
    %dma_wait3A_455 = tpu.memref_slice %arg4[%rem3A_439, %add3A_441, %dma_wait3A_454] : memref<20x16384x32xf32, #tpu.memory_space<hbm>> -> memref<1x128x32xf32, #tpu.memory_space<hbm>>
    %dma_wait3A_456 = tpu.memref_squeeze %dma_wait3A_455 : memref<1x128x32xf32, #tpu.memory_space<hbm>> -> memref<128x32xf32, #tpu.memory_space<hbm>>
    %dma_wait3A_457 = arith.constant 0 : i32
    %dma_wait3A_458 = arith.constant 0 : i32
    %dma_wait3A_459 = tpu.memref_slice %arg6[%dma_wait3A_442, %dma_wait3A_443, %dma_wait3A_457, %dma_wait3A_458] : memref<2x8x128x32xf32, #tpu.memory_space<vmem>> -> memref<1x1x128x32xf32, #tpu.memory_space<vmem>>
    %dma_wait3A_460 = tpu.memref_squeeze %dma_wait3A_459 : memref<1x1x128x32xf32, #tpu.memory_space<vmem>> -> memref<128x32xf32, #tpu.memory_space<vmem>>
    tpu.wait_dma2 semaphore(%dma_wait3A_453 : memref<!tpu.dma_semaphore, #tpu.memory_space<semaphore_mem>>) src(%dma_wait3A_460 : memref<128x32xf32, #tpu.memory_space<vmem>>) dst(%dma_wait3A_456 : memref<128x32xf32, #tpu.memory_space<hbm>>)
    %rem3A_461 = arith.constant 77 : i32
    %rem3A_462 = arith.constant 20 : i32
    %rem3A_463 = arith.remsi %rem3A_461, %rem3A_462 : i32
    %add3A_464 = arith.constant 384 : i32
    %add3A_465 = arith.addi %mul3A_2, %add3A_464 : i32
    %dma_wait3A_466 = arith.constant 1 : i32
    %dma_wait3A_467 = arith.constant 5 : i32
    %dma_wait3A_468 = arith.constant 1 : i32
    %dma_wait3A_469 = arith.constant 0 : i32
    %dma_wait3A_470 = arith.constant 0 : i32
    %dma_wait3A_471 = tpu.memref_slice %arg6[%dma_wait3A_466, %dma_wait3A_467, %dma_wait3A_469, %dma_wait3A_470] : memref<2x8x128x32xf32, #tpu.memory_space<vmem>> -> memref<1x1x128x32xf32, #tpu.memory_space<vmem>>
    %dma_wait3A_472 = tpu.memref_squeeze %dma_wait3A_471 : memref<1x1x128x32xf32, #tpu.memory_space<vmem>> -> memref<128x32xf32, #tpu.memory_space<vmem>>
    %dma_wait3A_473 = arith.constant 0 : i32
    %dma_wait3A_474 = tpu.memref_slice %arg4[%rem3A_463, %add3A_465, %dma_wait3A_473] : memref<20x16384x32xf32, #tpu.memory_space<hbm>> -> memref<1x128x32xf32, #tpu.memory_space<hbm>>
    %dma_wait3A_475 = tpu.memref_squeeze %dma_wait3A_474 : memref<1x128x32xf32, #tpu.memory_space<hbm>> -> memref<128x32xf32, #tpu.memory_space<hbm>>
    %dma_wait3A_476 = tpu.memref_slice %arg8[%dma_wait3A_468] : memref<2x!tpu.dma_semaphore, #tpu.memory_space<semaphore_mem>> -> memref<1x!tpu.dma_semaphore, #tpu.memory_space<semaphore_mem>>
    %dma_wait3A_477 = tpu.memref_squeeze %dma_wait3A_476 : memref<1x!tpu.dma_semaphore, #tpu.memory_space<semaphore_mem>> -> memref<!tpu.dma_semaphore, #tpu.memory_space<semaphore_mem>>
    %dma_wait3A_478 = arith.constant 0 : i32
    %dma_wait3A_479 = tpu.memref_slice %arg4[%rem3A_463, %add3A_465, %dma_wait3A_478] : memref<20x16384x32xf32, #tpu.memory_space<hbm>> -> memref<1x128x32xf32, #tpu.memory_space<hbm>>
    %dma_wait3A_480 = tpu.memref_squeeze %dma_wait3A_479 : memref<1x128x32xf32, #tpu.memory_space<hbm>> -> memref<128x32xf32, #tpu.memory_space<hbm>>
    %dma_wait3A_481 = arith.constant 0 : i32
    %dma_wait3A_482 = arith.constant 0 : i32
    %dma_wait3A_483 = tpu.memref_slice %arg6[%dma_wait3A_466, %dma_wait3A_467, %dma_wait3A_481, %dma_wait3A_482] : memref<2x8x128x32xf32, #tpu.memory_space<vmem>> -> memref<1x1x128x32xf32, #tpu.memory_space<vmem>>
    %dma_wait3A_484 = tpu.memref_squeeze %dma_wait3A_483 : memref<1x1x128x32xf32, #tpu.memory_space<vmem>> -> memref<128x32xf32, #tpu.memory_space<vmem>>
    tpu.wait_dma2 semaphore(%dma_wait3A_477 : memref<!tpu.dma_semaphore, #tpu.memory_space<semaphore_mem>>) src(%dma_wait3A_484 : memref<128x32xf32, #tpu.memory_space<vmem>>) dst(%dma_wait3A_480 : memref<128x32xf32, #tpu.memory_space<hbm>>)
    %rem3A_485 = arith.constant 78 : i32
    %rem3A_486 = arith.constant 20 : i32
    %rem3A_487 = arith.remsi %rem3A_485, %rem3A_486 : i32
    %add3A_488 = arith.constant 384 : i32
    %add3A_489 = arith.addi %mul3A_2, %add3A_488 : i32
    %dma_wait3A_490 = arith.constant 1 : i32
    %dma_wait3A_491 = arith.constant 6 : i32
    %dma_wait3A_492 = arith.constant 1 : i32
    %dma_wait3A_493 = arith.constant 0 : i32
    %dma_wait3A_494 = arith.constant 0 : i32
    %dma_wait3A_495 = tpu.memref_slice %arg6[%dma_wait3A_490, %dma_wait3A_491, %dma_wait3A_493, %dma_wait3A_494] : memref<2x8x128x32xf32, #tpu.memory_space<vmem>> -> memref<1x1x128x32xf32, #tpu.memory_space<vmem>>
    %dma_wait3A_496 = tpu.memref_squeeze %dma_wait3A_495 : memref<1x1x128x32xf32, #tpu.memory_space<vmem>> -> memref<128x32xf32, #tpu.memory_space<vmem>>
    %dma_wait3A_497 = arith.constant 0 : i32
    %dma_wait3A_498 = tpu.memref_slice %arg4[%rem3A_487, %add3A_489, %dma_wait3A_497] : memref<20x16384x32xf32, #tpu.memory_space<hbm>> -> memref<1x128x32xf32, #tpu.memory_space<hbm>>
    %dma_wait3A_499 = tpu.memref_squeeze %dma_wait3A_498 : memref<1x128x32xf32, #tpu.memory_space<hbm>> -> memref<128x32xf32, #tpu.memory_space<hbm>>
    %dma_wait3A_500 = tpu.memref_slice %arg8[%dma_wait3A_492] : memref<2x!tpu.dma_semaphore, #tpu.memory_space<semaphore_mem>> -> memref<1x!tpu.dma_semaphore, #tpu.memory_space<semaphore_mem>>
    %dma_wait3A_501 = tpu.memref_squeeze %dma_wait3A_500 : memref<1x!tpu.dma_semaphore, #tpu.memory_space<semaphore_mem>> -> memref<!tpu.dma_semaphore, #tpu.memory_space<semaphore_mem>>
    %dma_wait3A_502 = arith.constant 0 : i32
    %dma_wait3A_503 = tpu.memref_slice %arg4[%rem3A_487, %add3A_489, %dma_wait3A_502] : memref<20x16384x32xf32, #tpu.memory_space<hbm>> -> memref<1x128x32xf32, #tpu.memory_space<hbm>>
    %dma_wait3A_504 = tpu.memref_squeeze %dma_wait3A_503 : memref<1x128x32xf32, #tpu.memory_space<hbm>> -> memref<128x32xf32, #tpu.memory_space<hbm>>
    %dma_wait3A_505 = arith.constant 0 : i32
    %dma_wait3A_506 = arith.constant 0 : i32
    %dma_wait3A_507 = tpu.memref_slice %arg6[%dma_wait3A_490, %dma_wait3A_491, %dma_wait3A_505, %dma_wait3A_506] : memref<2x8x128x32xf32, #tpu.memory_space<vmem>> -> memref<1x1x128x32xf32, #tpu.memory_space<vmem>>
    %dma_wait3A_508 = tpu.memref_squeeze %dma_wait3A_507 : memref<1x1x128x32xf32, #tpu.memory_space<vmem>> -> memref<128x32xf32, #tpu.memory_space<vmem>>
    tpu.wait_dma2 semaphore(%dma_wait3A_501 : memref<!tpu.dma_semaphore, #tpu.memory_space<semaphore_mem>>) src(%dma_wait3A_508 : memref<128x32xf32, #tpu.memory_space<vmem>>) dst(%dma_wait3A_504 : memref<128x32xf32, #tpu.memory_space<hbm>>)
    %rem3A_509 = arith.constant 79 : i32
    %rem3A_510 = arith.constant 20 : i32
    %rem3A_511 = arith.remsi %rem3A_509, %rem3A_510 : i32
    %add3A_512 = arith.constant 384 : i32
    %add3A_513 = arith.addi %mul3A_2, %add3A_512 : i32
    %dma_wait3A_514 = arith.constant 1 : i32
    %dma_wait3A_515 = arith.constant 7 : i32
    %dma_wait3A_516 = arith.constant 1 : i32
    %dma_wait3A_517 = arith.constant 0 : i32
    %dma_wait3A_518 = arith.constant 0 : i32
    %dma_wait3A_519 = tpu.memref_slice %arg6[%dma_wait3A_514, %dma_wait3A_515, %dma_wait3A_517, %dma_wait3A_518] : memref<2x8x128x32xf32, #tpu.memory_space<vmem>> -> memref<1x1x128x32xf32, #tpu.memory_space<vmem>>
    %dma_wait3A_520 = tpu.memref_squeeze %dma_wait3A_519 : memref<1x1x128x32xf32, #tpu.memory_space<vmem>> -> memref<128x32xf32, #tpu.memory_space<vmem>>
    %dma_wait3A_521 = arith.constant 0 : i32
    %dma_wait3A_522 = tpu.memref_slice %arg4[%rem3A_511, %add3A_513, %dma_wait3A_521] : memref<20x16384x32xf32, #tpu.memory_space<hbm>> -> memref<1x128x32xf32, #tpu.memory_space<hbm>>
    %dma_wait3A_523 = tpu.memref_squeeze %dma_wait3A_522 : memref<1x128x32xf32, #tpu.memory_space<hbm>> -> memref<128x32xf32, #tpu.memory_space<hbm>>
    %dma_wait3A_524 = tpu.memref_slice %arg8[%dma_wait3A_516] : memref<2x!tpu.dma_semaphore, #tpu.memory_space<semaphore_mem>> -> memref<1x!tpu.dma_semaphore, #tpu.memory_space<semaphore_mem>>
    %dma_wait3A_525 = tpu.memref_squeeze %dma_wait3A_524 : memref<1x!tpu.dma_semaphore, #tpu.memory_space<semaphore_mem>> -> memref<!tpu.dma_semaphore, #tpu.memory_space<semaphore_mem>>
    %dma_wait3A_526 = arith.constant 0 : i32
    %dma_wait3A_527 = tpu.memref_slice %arg4[%rem3A_511, %add3A_513, %dma_wait3A_526] : memref<20x16384x32xf32, #tpu.memory_space<hbm>> -> memref<1x128x32xf32, #tpu.memory_space<hbm>>
    %dma_wait3A_528 = tpu.memref_squeeze %dma_wait3A_527 : memref<1x128x32xf32, #tpu.memory_space<hbm>> -> memref<128x32xf32, #tpu.memory_space<hbm>>
    %dma_wait3A_529 = arith.constant 0 : i32
    %dma_wait3A_530 = arith.constant 0 : i32
    %dma_wait3A_531 = tpu.memref_slice %arg6[%dma_wait3A_514, %dma_wait3A_515, %dma_wait3A_529, %dma_wait3A_530] : memref<2x8x128x32xf32, #tpu.memory_space<vmem>> -> memref<1x1x128x32xf32, #tpu.memory_space<vmem>>
    %dma_wait3A_532 = tpu.memref_squeeze %dma_wait3A_531 : memref<1x1x128x32xf32, #tpu.memory_space<vmem>> -> memref<128x32xf32, #tpu.memory_space<vmem>>
    tpu.wait_dma2 semaphore(%dma_wait3A_525 : memref<!tpu.dma_semaphore, #tpu.memory_space<semaphore_mem>>) src(%dma_wait3A_532 : memref<128x32xf32, #tpu.memory_space<vmem>>) dst(%dma_wait3A_528 : memref<128x32xf32, #tpu.memory_space<hbm>>)
    return
  }
}

</mosaic_0001>

<sc_bundles>
// kernel: _emb_lookup.3.cloned.1.call-start
scs
__scs_entry_jumppad:
0x0: {  	(pc) =	sbr.rel $0x88, $3  }
0x1: {  	(tag) =	ssettag $0x0;
	lr =	simm.s32 $0x1  }
0x2: {  	[smem:$0x3F9F] =	sst lr;
	_ =	strace $0xD0000000  }
0x3: {  	_ = 	snop  }
0x4: {  	_ = 	snop  }
0x5: {  	_ = 	snop  }
0x6: {  	_ = 	snop  }
0x7: {  	_ = 	snop  }
__scs_overlays_trampoline_lowered:
0x8: {  	[smem:$0x3FAE] =	sst s0  }
0x9: {  	[smem:$0x3FAF] =	sst s1  }
0xa: {  	[smem:$0x3FB0] =	sst s2  }
0xb: {  	[smem:$0x3FB1] =	sst s3  }
0xc: {  	[smem:$0x3FB2] =	sst s4  }
0xd: {  	[smem:$0x3FB3] =	sst s5  }
0xe: {  	[smem:$0x3FB4] =	sst s6  }
0xf: {  	[smem:$0x3FB5] =	sst s7  }
0x10: {  	[smem:$0x3FB6] =	sst s8  }
0x11: {  	[smem:$0x3FB7] =	sst s9;
	s0 =	simm.s32 @!p0 $0x0  }
0x12: {  	s1 =	sld [smem:$0x3F9D];
	s0 =	simm.s32 @p0 $0x1  }
0x13: {  	[smem:$0x3FB8] =	sst s0;
	s0 =	simm.s32 @!p1 $0x0  }
0x14: {  	s2 =	sld [smem:$0x3F9C];
	s0 =	simm.s32 @p1 $0x1  }
0x15: {  	[smem:$0x3FB9] =	sst s0;
	s0 =	simm.s32 @!p2 $0x0  }
0x16: {  	s3 =	sld [smem:$0x3FDB];
	s0 =	simm.s32 @p2 $0x1  }
0x17: {  	s4 =	simm.s32 $0x1BF5;
	[smem:$0x3FBB] =	sst s0  }
0x18: {  	s0 =	sld [smem:$0x3F9E];
	_ =	swait.ge [sflag:s4], $0x0  }
0x19: {  	s7 =	sld [smem:$0x3F9F]  }
0x1a: {  	s8 =	sadd.s32 $0xFFFFE003, lr  }
0x1b: {  	s9 =	sadd.s32 $0xFFFFFEF7, lr;
	s5 =	simm.s32 $0xFFFFFFFF;
	p2 =	slt.u32 s8, $0xFFFFF086  }
0x1c: {  	p1 =	slt.u32 s9, $0xF7A;
	s5 =	simm.s32 @!p2 $0x0  }
0x1d: {  	s5 =	simm.s32 @p1 $0x1;
	p0 =	seq.s32 s7, s2  }
0x1e: {  	s7 =	smul.u32 @!p0 $0xF7A, s2;
	p2 =	seq.s32 @!p0 s5, $0x0  }
0x1f: {  	s9 =	smul.u32 $0xF7A, s1;
	s8 =	simm.s32 @!p0 $0x1BF5;
	p2 =	por !p2, p0  }
0x20: {  	[sflag:s8] =	ssyncset.s32 @!p0 $0xFFFFF086;
	s6 =	sadd.s32 @!p0 s3, s7;
	s7 =	simm.s32 @!p0 $0x108  }
0x21: {  	s3 =	sadd.s32 s3, s9;
	s6 =	sadd.s32 @!p0 $0x88, s6;
	s7 =	simm.s32 @p2 $0x1082  }
0x22: {  	[simem:s7], [sflag:s8] =	dma.local @!p0 [hbm:s6], $0xF7A  }
0x23: {  	s9 =	sor.u32 $0xD0000000, s2;
	s6 =	simm.s32 $0x108;
	_ =	swait.ge @!p0 [sflag:s8], $0x0  }
0x24: {  	s3 =	sadd.s32 $0x88, s3;
	s6 =	simm.s32 @!p1 $0x1082;
	[sflag:s4] =	ssyncset.s32 $0xFFFFF086  }
0x25: {  	[simem:s6], [sflag:s4] =	dma.local [hbm:s3], $0xF7A  }
0x26: {  	[smem:$0x3F9F] =	sst s1;
	(tag) =	ssettag s2;
	_ =	strace s9  }
0x27: {  	s1 =	sld [smem:$0x3FAF]  }
0x28: {  	s2 =	sld [smem:$0x3FB0]  }
0x29: {  	s4 =	sld [smem:$0x3FB2]  }
0x2a: {  	p0 =	seq.s32 s5, $0x0;
	s5 =	sld [smem:$0x3FB3]  }
0x2b: {  	s6 =	sld [smem:$0x3FB4]  }
0x2c: {  	s7 =	sld [smem:$0x3FB5]  }
0x2d: {  	s3 =	simm.s32 $0x108;
	s8 =	sld [smem:$0x3FB6]  }
0x2e: {  	s3 =	simm.s32 @!p0 $0x1082;
	s9 =	sld [smem:$0x3FB7]  }
0x2f: {  	lr =	sadd.s32 s0, s3;
	s0 =	sld [smem:$0x3FAE]  }
0x30: {  	s3 =	sld [smem:$0x3FB1]  }
0x31: {  	[smem:$0x3FBA] =	sst s10  }
0x32: {  	s10 =	sld [smem:$0x3FB8];
	_ =	sdelay $0x3  }
0x33: {  	p0 =	seq.s32 s10, $0x1;
	s10 =	sld [smem:$0x3FBA];
	_ =	sdelay $0x3  }
0x34: {  	[smem:$0x3FBA] =	sst s10  }
0x35: {  	s10 =	sld [smem:$0x3FB9];
	_ =	sdelay $0x3  }
0x36: {  	p1 =	seq.s32 s10, $0x1;
	s10 =	sld [smem:$0x3FBA];
	_ =	sdelay $0x3  }
0x37: {  	[smem:$0x3FBA] =	sst s10  }
0x38: {  	s10 =	sld [smem:$0x3FBB]  }
0x39: {  	_ = 	snop;
	(pc) =	sbr.ind lr, $3  }
0x3a: {  	_ = 	snop  }
0x3b: {  	_ = 	snop  }
0x3c: {  	p2 =	seq.s32 s10, $0x1;
	s10 =	sld [smem:$0x3FBA]  }
0x3d: {  	_ =	shalt  }
0x3e: {  	_ =	shalt  }
0x3f: {  	_ =	shalt  }
0x40: {  	_ =	shalt  }
0x41: {  	_ =	shalt  }
0x42: {  	_ =	shalt  }
0x43: {  	_ =	shalt  }
0x44: {  	_ =	shalt  }
0x45: {  	_ =	shalt  }
0x46: {  	_ =	shalt  }
0x47: {  	_ =	shalt  }
0x48: {  	_ =	shalt  }
0x49: {  	_ =	shalt  }
0x4a: {  	_ =	shalt  }
0x4b: {  	_ =	shalt  }
0x4c: {  	_ =	shalt  }
0x4d: {  	_ =	shalt  }
0x4e: {  	_ =	shalt  }
0x4f: {  	_ =	shalt  }
0x50: {  	_ =	shalt  }
0x51: {  	_ =	shalt  }
0x52: {  	_ =	shalt  }
0x53: {  	_ =	shalt  }
0x54: {  	_ =	shalt  }
0x55: {  	_ =	shalt  }
0x56: {  	_ =	shalt  }
0x57: {  	_ =	shalt  }
0x58: {  	_ =	shalt  }
0x59: {  	_ =	shalt  }
0x5a: {  	_ =	shalt  }
0x5b: {  	_ =	shalt  }
0x5c: {  	_ =	shalt  }
0x5d: {  	_ =	shalt  }
0x5e: {  	_ =	shalt  }
0x5f: {  	_ =	shalt  }
0x60: {  	_ =	shalt  }
0x61: {  	_ =	shalt  }
0x62: {  	_ =	shalt  }
0x63: {  	_ =	shalt  }
0x64: {  	_ =	shalt  }
0x65: {  	_ =	shalt  }
0x66: {  	_ =	shalt  }
0x67: {  	_ =	shalt  }
0x68: {  	_ =	shalt  }
0x69: {  	_ =	shalt  }
0x6a: {  	_ =	shalt  }
0x6b: {  	_ =	shalt  }
0x6c: {  	_ =	shalt  }
0x6d: {  	_ =	shalt  }
0x6e: {  	_ =	shalt  }
0x6f: {  	_ =	shalt  }
0x70: {  	_ =	shalt  }
0x71: {  	_ =	shalt  }
0x72: {  	_ =	shalt  }
0x73: {  	_ =	shalt  }
0x74: {  	_ =	shalt  }
0x75: {  	_ =	shalt  }
0x76: {  	_ =	shalt  }
0x77: {  	_ =	shalt  }
0x78: {  	_ =	shalt  }
0x79: {  	_ =	shalt  }
0x7a: {  	_ =	shalt  }
0x7b: {  	_ =	shalt  }
0x7c: {  	_ =	shalt  }
0x7d: {  	_ =	shalt  }
0x7e: {  	_ =	shalt  }
0x7f: {  	_ =	shalt  }
0x80: {  	_ =	shalt  }
0x81: {  	_ =	shalt  }
0x82: {  	_ =	shalt  }
0x83: {  	_ =	shalt  }
0x84: {  	_ =	shalt  }
0x85: {  	_ =	shalt  }
0x86: {  	_ =	shalt  }
0x87: {  	_ =	shalt  }
.Lfunc_end0:
.L_simem_size_0:
called_computation.1_lowered:
.L_overlay_start_0:
0x88: {  	s2 =	sld [smem:$0x3FD9]  }
0x89: {  	s3 =	sld [smem:$0x3FFE];
	_ =	sdelay $0x1  }
0x8a: {  	s1 =	srdreg.scid  }
0x8b: {  	s0 =	sand.u32 $0x1, s1  }
0x8c: {  	s17 =	sshll.u32 s0, $0xA;
	s2 =	sadd.s32 s3, s2  }
0x8d: {  	s2 =	sadd.s32 s2, s17  }
0x8e: {  	[smem:$0x3FC6] =	sst s2  }
0x8f: {  	_ = 	snop  }
0x90: {  	s2 =	sld [smem:$0x3FD0];
	(tm) =	ssettm $0x1  }
0x91: {  	s18 =	sld [smem:$0x3FFB];
	_ =	sdelay $0x3  }
0x92: {  	_ =	strace s18  }
0x93: {  	s3 =	sld [smem:$0x3FFC];
	_ =	sdelay $0x3  }
0x94: {  	_ =	strace s3  }
0x95: {  	s3 =	sld [smem:$0x3FFD];
	_ =	sdelay $0x3  }
0x96: {  	_ =	strace s3  }
0x97: {  	_ =	strace $0x8FFFFFFF  }
0x98: {  	s19 =	sld [smem:$0x3FDB];
	_ =	sdelay $0x1  }
0x99: {  	s4 =	simm.s32 $_scs_section_size  }
0x9a: {  	s5 =	simm.s32 $_size__tile_overlayer_lowered;
	s6 =	simm.s32 $_tile_overlayer_lowered  }
0x9b: {  	s22 =	simm.s32 $0x1BFF;
	s21 =	sshll.u32 s6, $0x1;
	s3 =	sadd.s32 s4, s19  }
0x9c: {  	s7 =	simm.s32 $0x0;
	s20 =	sshll.u32 s5, $0x1;
	s5 =	sadd.s32 s21, s3  }
0x9d: {  	[timem:s7], [sflag:s22] =	dma.local [hbm:s5], s20  }
0x9e: {  	_ =	swait.ge [sflag:s22], s20  }
0x9f: {  	s4 =	ssub.s32 $0x0, s20;
	[sflag:s22] =	ssyncset.done $0x0  }
0xa0: {  	[sflag:s22] =	ssyncadd.s32 s4;
	_ =	sdelay $0x1  }
0xa1: {  	s23 =	simm.s32 $0x1B8B  }
0xa2: {  	_ =	swait.ge [sflag:s23], $0x1  }
0xa3: {  	[sflag:s23] =	ssyncset.done $0x0  }
0xa4: {  	s25 =	simm.s32 $0x1B8E;
	s24 =	sld [smem:$0x3FFE];
	[sflag:s23] =	ssyncadd.s32 $0xFFFFFFFF  }
0xa5: {  	s26 =	simm.s32 $execute0_lowered;
	[smem:$0x3FD2] =	sst s25  }
0xa6: {  	s5 =	sshll.u32 s26, $0x1;
	_ =	strace $0x80000046;
	[dreg:$0x1] =	wrdreg $0xFFFFFFFF  }
0xa7: {  	s28 =	simm.s32 $_size_execute0_lowered;
	s3 =	sadd.s32 s3, s5;
	[dreg:$0x0] =	wrdreg $0x0  }
0xa8: {  	s5 =	sshll.u32 s28, $0x1;
	[dreg:$0x2] =	wrdreg s3  }
0xa9: {  	[dreg:$0x3] =	wrdreg s5  }
0xaa: {  	[dreg:$0x4] =	wrdreg $0xC0  }
0xab: {  	_ =	task [dreg:s7], $0x5FFFF  }
0xac: {  	[dreg:$0x1] =	wrdreg $0xFFFFFFFF  }
0xad: {  	[dreg:$0x0] =	wrdreg $0x60  }
0xae: {  	[dreg:$0x2] =	wrdreg s24  }
0xaf: {  	[dreg:$0x3] =	wrdreg s2  }
0xb0: {  	[dreg:$0x4] =	wrdreg $0x9  }
0xb1: {  	_ =	task.clear_ibuf [dreg:s7], $0x5FFFF;
	_ =	strace $0x90000046  }
0xb2: {  	s29 =	simm.s32 $0x9;
	_ =	strace $0x80000048  }
0xb3: {  	_ =	swait.ge [sflag:s29], $0x1  }
0xb4: {  	[sflag:s29] =	ssyncadd.s32 $0xFFFFFFFF  }
0xb5: {  	_ =	strace $0x90000048  }
0xb6: {  	_ =	sfence  }
0xb7: {  	s30 =	sld [smem:$0x0];
	_ =	sdelay $0x2  }
0xb8: {  	s31 =	sshll.u32 s1, $0xD;
	s1 =	sshrl.u32 s1, $0x2  }
0xb9: {  	s3 =	sand.u32 $0x4000, s31;
	s1 =	sadd.s32 s1, s30  }
0xba: {  	s0 =	sor.u32 s3, s0;
	s1 =	sshll.u32 s1, $0x11  }
0xbb: {  	s0 =	sor.u32 s1, s0  }
0xbc: {  	s0 =	sadd.s32 $0x8F2B, s0  }
0xbd: {  	[sflag:s0] =	ssyncadd.remote.s32 $0x1  }
0xbe: {  	_ =	sfence.sel $0xFFFF  }
0xbf: {  	[dreg:$0x0] =	wrdreg $0xFFFFFFFF;
	(pc) =	sbr.abs _section_cstart, $3  }
0xc0: {  	[dreg:$0x1] =	wrdreg $0xFFFFFFFF  }
0xc1: {  	_ =	task.clear_ibuf [dreg:s7], $0x2FFFF;
	_ =	strace $0x9FFFFFFF  }
0xc2: {  	(tm) =	ssettm $0x7FFFFFFF  }
0xc3: {  	_ =	shalt  }
tec
execute0_lowered:
.L_overlay_start_1:
0x0: {  	(tag) =	ssettag $0x1  }
0x1: {  	s0 =	srdreg.scid;
	s1 =	rddreg [dreg:$0x0]  }
0x2: {  	s2 =	stileid.u32;
	s5 =	rddreg [dreg:$0x1];
	s9 =	simm.s32 $0x5  }
0x3: {  	s10 =	simm.s32 $0x80;
	s15 =	simm.s32 $0x600;
	s16 =	simm.s32 $0x5800  }
0x4: {  	s17 =	simm.s32 $0x800;
	s18 =	simm.s32 $0x6800;
	s19 =	simm.s32 $0xA00  }
0x5: {  	s20 =	simm.s32 $0x7800;
	s21 =	simm.s32 $0xC00;
	s22 =	simm.s32 $0x8800  }
0x6: {  	s23 =	simm.s32 $0xE00;
	s24 =	simm.s32 $0x9800;
	s25 =	simm.s32 $0x3  }
0x7: {  	s26 =	simm.s32 $0x4;
	s28 =	simm.s32 $0x0;
	s0 =	sand.u32 $0x1, s0  }
0x8: {  	s3 =	sshll.u32 s2, $0xA;
	s2 =	simm.s32 $0x0;
	s4 =	sshll.u32 s0, $0x9  }
.Ltmp0:
0x9: {  	[smem:$0x7FF] =	sst s2;
	s0 =	ssub.s32 $0x2, s0;
	(pc) =	sbr.rel .LBB2_1-.Ltmp0, $4  }
0xa: {  	s4 =	sor.u32 s4, s3;
	_ =	strace $0x80000047;
	s7 =	sshrl.u32 s0, $0x1  }
0xb: {  	s3 =	sshrl.u32 s4, $0x3;
	s0 =	ssub.s32 s0, s7;
	s31 =	sshll.u32 s4, $0x2  }
0xc: {  	s7 =	simm.s32 $0x200;
	s6 =	sadd.s32 s3, s1;
	s3 =	sadd.s32 $0xF42E00, s1  }
0xd: {  	s5 =	sadd.s32 s5, s31;
	s4 =	sadd.s32 $0xA00, s6;
	s6 =	smax.u32 s0, $0x1  }
.LBB2_6:
0xe: {  	_ =	swait.ge [sflag:s25], $0x1000  }
0xf: {  	[sflag:s25] =	ssyncset.done $0x0  }
0x10: {  	[sflag:s25] =	ssyncadd.s32 $0xFFFFF000  }
0x11: {  	_ =	swait.ge [sflag:s25], $0x1000  }
0x12: {  	[sflag:s25] =	ssyncset.done $0x0  }
0x13: {  	[sflag:s25] =	ssyncadd.s32 $0xFFFFF000  }
0x14: {  	_ =	swait.ge [sflag:s25], $0x1000  }
0x15: {  	[sflag:s25] =	ssyncset.done $0x0  }
0x16: {  	[sflag:s25] =	ssyncadd.s32 $0xFFFFF000  }
0x17: {  	_ =	swait.ge [sflag:s25], $0x1000  }
0x18: {  	[sflag:s25] =	ssyncset.done $0x0  }
0x19: {  	[sflag:s25] =	ssyncadd.s32 $0xFFFFF000  }
0x1a: {  	_ =	swait.ge [sflag:s25], $0x1000  }
0x1b: {  	[sflag:s25] =	ssyncset.done $0x0  }
0x1c: {  	[sflag:s25] =	ssyncadd.s32 $0xFFFFF000  }
0x1d: {  	_ =	swait.ge [sflag:s25], $0x1000  }
0x1e: {  	[sflag:s25] =	ssyncset.done $0x0  }
0x1f: {  	[sflag:s25] =	ssyncadd.s32 $0xFFFFF000  }
0x20: {  	_ =	swait.ge [sflag:s25], $0x1000  }
0x21: {  	[sflag:s25] =	ssyncset.done $0x0  }
0x22: {  	[sflag:s25] =	ssyncadd.s32 $0xFFFFF000  }
0x23: {  	_ =	swait.ge [sflag:s25], $0x1000  }
0x24: {  	[sflag:s25] =	ssyncset.done $0x0  }
0x25: {  	[sflag:s25] =	ssyncadd.s32 $0xFFFFF000  }
0x26: {  	_ =	swait.ge [sflag:s26], $0x1000  }
0x27: {  	[sflag:s26] =	ssyncset.done $0x0  }
0x28: {  	[sflag:s26] =	ssyncadd.s32 $0xFFFFF000  }
0x29: {  	_ =	swait.ge [sflag:s26], $0x1000  }
0x2a: {  	[sflag:s26] =	ssyncset.done $0x0  }
0x2b: {  	[sflag:s26] =	ssyncadd.s32 $0xFFFFF000  }
0x2c: {  	_ =	swait.ge [sflag:s26], $0x1000  }
0x2d: {  	[sflag:s26] =	ssyncset.done $0x0  }
0x2e: {  	[sflag:s26] =	ssyncadd.s32 $0xFFFFF000  }
0x2f: {  	_ =	swait.ge [sflag:s26], $0x1000  }
0x30: {  	[sflag:s26] =	ssyncset.done $0x0  }
0x31: {  	[sflag:s26] =	ssyncadd.s32 $0xFFFFF000  }
0x32: {  	_ =	swait.ge [sflag:s26], $0x1000  }
0x33: {  	[sflag:s26] =	ssyncset.done $0x0  }
0x34: {  	[sflag:s26] =	ssyncadd.s32 $0xFFFFF000  }
0x35: {  	_ =	swait.ge [sflag:s26], $0x1000  }
0x36: {  	[sflag:s26] =	ssyncset.done $0x0  }
0x37: {  	s28 =	sadd.s32 $0x1, s28;
	[sflag:s26] =	ssyncadd.s32 $0xFFFFF000  }
0x38: {  	p0 =	sne.s32 s28, s6;
	_ =	swait.ge [sflag:s26], $0x1000  }
.Ltmp1:
0x39: {  	[sflag:s26] =	ssyncset.done $0x0;
	(pc) =	sbr.rel @!p0 .LBB2_7-.Ltmp1, $4  }
0x3a: {  	[sflag:s26] =	ssyncadd.s32 $0xFFFFF000  }
0x3b: {  	_ =	swait.ge [sflag:s26], $0x1000  }
0x3c: {  	[sflag:s26] =	ssyncset.done $0x0  }
0x3d: {  	[sflag:s26] =	ssyncadd.s32 $0xFFFFF000  }
.LBB2_1:
0x3e: {  	s0 =	simm.s32 $0x4000  }
0x3f: {  	[tilespmem:s2], [sflag:$0x5] =	stream.strided.gather [hbm4b:s4+s7], $0x2800, s0, s7, $0x38;
	[tilespmem:$0x12800] =	vst v63  }
0x40: {  	_ =	swait.ge [sflag:s9], $0x2800  }
0x41: {  	[sflag:s9] =	ssyncset.done $0x0  }
0x42: {  	s14 =	simm.s32 $0x2800;
	[sflag:s9] =	ssyncadd.s32 $0xFFFFD800  }
0x43: {  	[tilespmem:s14], [sflag:$0x1] =	stream.indirect.gather [hbm4b:s3+s10], $0x20, s2, s10, $0xb8;
	[tilespmem:$0x12800] =	vst v63  }
0x44: {  	s30 =	simm.s32 $0x3800  }
0x45: {  	[tilespmem:s30], [sflag:$0x1] =	stream.indirect.gather [hbm4b:s3+s10], $0x20, s7, s10, $0xb8;
	[tilespmem:$0x12800] =	vst v63  }
0x46: {  	s31 =	simm.s32 $0x400;
	s1 =	simm.s32 $0x4800  }
0x47: {  	[tilespmem:s1], [sflag:$0x1] =	stream.indirect.gather [hbm4b:s3+s10], $0x20, s31, s10, $0xb8;
	[tilespmem:$0x12800] =	vst v63  }
0x48: {  	_ = 	snop  }
0x49: {  	[tilespmem:s16], [sflag:$0x1] =	stream.indirect.gather [hbm4b:s3+s10], $0x20, s15, s10, $0xb8;
	[tilespmem:$0x12800] =	vst v63  }
0x4a: {  	_ = 	snop  }
0x4b: {  	[tilespmem:s18], [sflag:$0x1] =	stream.indirect.gather [hbm4b:s3+s10], $0x20, s17, s10, $0xb8;
	[tilespmem:$0x12800] =	vst v63  }
0x4c: {  	_ = 	snop  }
0x4d: {  	[tilespmem:s20], [sflag:$0x1] =	stream.indirect.gather [hbm4b:s3+s10], $0x20, s19, s10, $0xb8;
	[tilespmem:$0x12800] =	vst v63  }
.Ltmp2:
0x4e: {  	_ = 	snop;
	(pc) =	sbr.rel .LBB2_2-.Ltmp2, $4  }
0x4f: {  	_ = 	snop  }
0x50: {  	[tilespmem:s22], [sflag:$0x1] =	stream.indirect.gather [hbm4b:s3+s10], $0x20, s21, s10, $0xb8;
	[tilespmem:$0x12800] =	vst v63  }
0x51: {  	s29 =	simm.s32 $0x0  }
0x52: {  	[tilespmem:s24], [sflag:$0x1] =	stream.indirect.gather [hbm4b:s3+s10], $0x20, s23, s10, $0xb8;
	[tilespmem:$0x12800] =	vst v63  }
.LBB2_5:
0x53: {  	s29 =	sadd.s32 $0x1, s29  }
0x54: {  	s0 =	sshll.u32 s29, $0x3  }
0x55: {  	s8 =	sand.u32 $0xF8, s0  }
0x56: {  	s12 =	sor.u32 $0x1, s0;
	s8 =	smul.u32 $0xCD, s8  }
0x57: {  	s13 =	sand.u32 $0xF9, s12  }
0x58: {  	s13 =	smul.u32 $0xCD, s13;
	s8 =	sshrl.u32 s8, $0xC  }
0x59: {  	s11 =	smul.u32 $0x14, s8;
	_ =	sdelay $0x1  }
0x5a: {  	s13 =	sshrl.u32 s13, $0xC;
	s11 =	ssub.s32 s0, s11  }
0x5b: {  	s30 =	sshll.u32 s1, $0xF;
	s13 =	smul.u32 $0x14, s13;
	s11 =	sand.u32 $0xFC, s11  }
0x5c: {  	s1 =	sadd.s32 $0x1, s1;
	s8 =	sshll.u32 s8, $0x7;
	s11 =	sshll.u32 s11, $0x9  }
0x5d: {  	s14 =	sor.u32 $0x2800, s30;
	s13 =	ssub.s32 s12, s13;
	s11 =	sor.u32 s8, s11  }
0x5e: {  	[tilespmem:s14], [sflag:s1] =	stream.indirect.gather [hbm4b:s3+s10], $0x20, s11, s10, $0xb8;
	[tilespmem:$0x12800] =	vst v63  }
0x5f: {  	s12 =	sor.u32 $0x2, s0;
	s11 =	sand.u32 $0xFD, s13  }
0x60: {  	s14 =	sand.u32 $0xFA, s12;
	s11 =	sshll.u32 s11, $0x9  }
0x61: {  	s31 =	sor.u32 $0x3800, s30;
	s13 =	smul.u32 $0xCD, s14;
	s11 =	sadd.s32 s8, s11  }
0x62: {  	[tilespmem:s31], [sflag:s1] =	stream.indirect.gather [hbm4b:s3+s10], $0x20, s11, s10, $0xb8;
	[tilespmem:$0x12800] =	vst v63  }
0x63: {  	s14 =	sshrl.u32 s13, $0xC  }
0x64: {  	s13 =	sor.u32 $0x3, s0;
	s11 =	smul.u32 $0x14, s14  }
0x65: {  	s31 =	sand.u32 $0xFB, s13  }
0x66: {  	s14 =	smul.u32 $0xCD, s31;
	s11 =	ssub.s32 s12, s11  }
0x67: {  	s11 =	sand.u32 $0xFE, s11  }
0x68: {  	s12 =	sshrl.u32 s14, $0xC;
	s11 =	sshll.u32 s11, $0x9  }
0x69: {  	s31 =	sor.u32 $0x4800, s30;
	s12 =	smul.u32 $0x14, s12;
	s11 =	sadd.s32 s8, s11  }
0x6a: {  	[tilespmem:s31], [sflag:s1] =	stream.indirect.gather [hbm4b:s3+s10], $0x20, s11, s10, $0xb8;
	[tilespmem:$0x12800] =	vst v63  }
0x6b: {  	s13 =	ssub.s32 s13, s12  }
0x6c: {  	s12 =	sor.u32 $0x4, s0;
	s11 =	sand.u32 $0xFF, s13  }
0x6d: {  	s14 =	sand.u32 $0xFC, s12;
	s11 =	sshll.u32 s11, $0x9  }
0x6e: {  	s31 =	sor.u32 $0x5800, s30;
	s13 =	smul.u32 $0xCD, s14;
	s8 =	sadd.s32 s8, s11  }
0x6f: {  	[tilespmem:s31], [sflag:s1] =	stream.indirect.gather [hbm4b:s3+s10], $0x20, s8, s10, $0xb8;
	[tilespmem:$0x12800] =	vst v63  }
0x70: {  	s8 =	sshrl.u32 s13, $0xC  }
0x71: {  	s13 =	sor.u32 $0x5, s0;
	s11 =	smul.u32 $0x14, s8  }
0x72: {  	s31 =	sand.u32 $0xFD, s13  }
0x73: {  	s14 =	smul.u32 $0xCD, s31;
	s11 =	ssub.s32 s12, s11  }
0x74: {  	s0 =	sor.u32 $0x6, s0;
	s11 =	sand.u32 $0xFC, s11  }
0x75: {  	s8 =	sshll.u32 s8, $0x7;
	s12 =	sshrl.u32 s14, $0xC;
	s11 =	sshll.u32 s11, $0x9  }
0x76: {  	s14 =	sor.u32 $0x6800, s30;
	s31 =	smul.u32 $0x14, s12;
	s8 =	sor.u32 s8, s11  }
0x77: {  	[tilespmem:s14], [sflag:s1] =	stream.indirect.gather [hbm4b:s3+s10], $0x20, s8, s10, $0xb8;
	[tilespmem:$0x12800] =	vst v63  }
0x78: {  	s11 =	ssub.s32 s13, s31;
	s14 =	sand.u32 $0xFE, s0  }
0x79: {  	s13 =	sshll.u32 s12, $0x7;
	s8 =	sand.u32 $0xFD, s11;
	s12 =	smul.u32 $0xCD, s14  }
0x7a: {  	s8 =	sshll.u32 s8, $0x9  }
0x7b: {  	s31 =	sor.u32 $0x7800, s30;
	s8 =	sadd.s32 s13, s8;
	s14 =	sshrl.u32 s12, $0xC  }
0x7c: {  	[tilespmem:s31], [sflag:s1] =	stream.indirect.gather [hbm4b:s3+s10], $0x20, s8, s10, $0xb8;
	[tilespmem:$0x12800] =	vst v63  }
0x7d: {  	s12 =	sshllo.u32 s29, $0x3;
	s11 =	smul.u32 $0x14, s14  }
0x7e: {  	s31 =	sand.u32 $0xFF, s12  }
0x7f: {  	s13 =	smul.u32 $0xCD, s31;
	s0 =	ssub.s32 s0, s11  }
0x80: {  	p0 =	sne.s32 s29, $0xA;
	s0 =	sand.u32 $0xFE, s0  }
0x81: {  	s8 =	sshll.u32 s14, $0x7;
	s11 =	sshrl.u32 s13, $0xC;
	s0 =	sshll.u32 s0, $0x9  }
0x82: {  	s14 =	sadd.s32 $0x8800, s30;
	s31 =	smul.u32 $0x14, s11;
	s0 =	sadd.s32 s8, s0  }
0x83: {  	[tilespmem:s14], [sflag:s1] =	stream.indirect.gather [hbm4b:s3+s10], $0x20, s0, s10, $0xb8;
	[tilespmem:$0x12800] =	vst v63  }
.Ltmp3:
0x84: {  	s13 =	ssub.s32 s12, s31;
	(pc) =	sbr.rel @!p0 .LBB2_6-.Ltmp3, $4  }
0x85: {  	s0 =	sand.u32 $0xFF, s13  }
0x86: {  	s14 =	sshll.u32 s11, $0x7;
	s0 =	sshll.u32 s0, $0x9  }
0x87: {  	s31 =	sadd.s32 $0x9800, s30;
	s0 =	sadd.s32 s14, s0  }
0x88: {  	[tilespmem:s31], [sflag:s1] =	stream.indirect.gather [hbm4b:s3+s10], $0x20, s0, s10, $0xb8;
	[tilespmem:$0x12800] =	vst v63  }
.LBB2_2:
0x89: {  	s30 =	sand.u32 $0x1, s29  }
0x8a: {  	s1 =	sadd.s32 $0x1, s30  }
0x8b: {  	_ =	swait.ge [sflag:s1], $0x1000  }
0x8c: {  	[sflag:s1] =	ssyncset.done $0x0  }
0x8d: {  	[sflag:s1] =	ssyncadd.s32 $0xFFFFF000  }
0x8e: {  	_ =	swait.ge [sflag:s1], $0x1000  }
0x8f: {  	[sflag:s1] =	ssyncset.done $0x0  }
0x90: {  	[sflag:s1] =	ssyncadd.s32 $0xFFFFF000  }
0x91: {  	_ =	swait.ge [sflag:s1], $0x1000  }
0x92: {  	[sflag:s1] =	ssyncset.done $0x0  }
0x93: {  	[sflag:s1] =	ssyncadd.s32 $0xFFFFF000  }
0x94: {  	_ =	swait.ge [sflag:s1], $0x1000  }
0x95: {  	[sflag:s1] =	ssyncset.done $0x0  }
0x96: {  	[sflag:s1] =	ssyncadd.s32 $0xFFFFF000  }
0x97: {  	_ =	swait.ge [sflag:s1], $0x1000  }
0x98: {  	s0 =	sshll.u32 s29, $0x3;
	[sflag:s1] =	ssyncset.done $0x0  }
0x99: {  	s31 =	sand.u32 $0xF8, s0;
	[sflag:s1] =	ssyncadd.s32 $0xFFFFF000  }
0x9a: {  	s12 =	sor.u32 $0x1, s0;
	s8 =	smul.u32 $0xCD, s31;
	_ =	swait.ge [sflag:s1], $0x1000  }
0x9b: {  	s31 =	sshll.u32 s30, $0xF;
	s14 =	sand.u32 $0xF9, s12;
	[sflag:s1] =	ssyncset.done $0x0  }
0x9c: {  	s14 =	smul.u32 $0xCD, s14;
	s8 =	sshrl.u32 s8, $0xC;
	[sflag:s1] =	ssyncadd.s32 $0xFFFFF000  }
0x9d: {  	s13 =	sor.u32 $0x2800, s31;
	s11 =	smul.u32 $0x14, s8;
	_ =	swait.ge [sflag:s1], $0x1000  }
0x9e: {  	s8 =	sshll.u32 s8, $0x9;
	s14 =	sshrl.u32 s14, $0xC;
	[sflag:s1] =	ssyncset.done $0x0  }
0x9f: {  	s14 =	smul.u32 $0x14, s14;
	s11 =	ssub.s32 s0, s11;
	[sflag:s1] =	ssyncadd.s32 $0xFFFFF000  }
0xa0: {  	s8 =	sadd.s32 s5, s8;
	s11 =	sand.u32 $0xFC, s11;
	_ =	swait.ge [sflag:s1], $0x1000  }
0xa1: {  	s12 =	ssub.s32 s12, s14;
	s11 =	sshll.u32 s11, $0x10;
	[sflag:s1] =	ssyncset.done $0x0  }
0xa2: {  	s11 =	sadd.s32 s11, s8;
	[sflag:s1] =	ssyncadd.s32 $0xFFFFF000;
	s1 =	sadd.s32 $0x3, s30  }
0xa3: {  	[hbm4b:s11+s2] =	stream.linear.scatter [tilespmem:s13], [sflag:s1], $0x1000, $0x38;
	[tilespmem:$0x12800] =	vst v63  }
0xa4: {  	s11 =	sand.u32 $0xFD, s12;
	s12 =	sor.u32 $0x2, s0  }
0xa5: {  	s11 =	sshll.u32 s11, $0x10;
	s13 =	sand.u32 $0xFA, s12  }
0xa6: {  	s14 =	sor.u32 $0x3800, s31;
	s11 =	sadd.s32 s11, s8;
	s13 =	smul.u32 $0xCD, s13  }
0xa7: {  	[hbm4b:s11+s2] =	stream.linear.scatter [tilespmem:s14], [sflag:s1], $0x1000, $0x38;
	[tilespmem:$0x12800] =	vst v63  }
0xa8: {  	s13 =	sshrl.u32 s13, $0xC  }
0xa9: {  	s11 =	smul.u32 $0x14, s13;
	s13 =	sor.u32 $0x3, s0  }
0xaa: {  	s14 =	sand.u32 $0xFB, s13  }
0xab: {  	s11 =	ssub.s32 s12, s11;
	s14 =	smul.u32 $0xCD, s14  }
0xac: {  	s11 =	sand.u32 $0xFE, s11  }
0xad: {  	s11 =	sshll.u32 s11, $0x10;
	s12 =	sshrl.u32 s14, $0xC  }
0xae: {  	s14 =	sor.u32 $0x4800, s31;
	s11 =	sadd.s32 s11, s8;
	s12 =	smul.u32 $0x14, s12  }
0xaf: {  	[hbm4b:s11+s2] =	stream.linear.scatter [tilespmem:s14], [sflag:s1], $0x1000, $0x38;
	[tilespmem:$0x12800] =	vst v63  }
0xb0: {  	s12 =	ssub.s32 s13, s12  }
0xb1: {  	s11 =	sand.u32 $0xFF, s12;
	s12 =	sor.u32 $0x4, s0  }
0xb2: {  	s11 =	sshll.u32 s11, $0x10;
	s13 =	sand.u32 $0xFC, s12  }
0xb3: {  	s14 =	sor.u32 $0x5800, s31;
	s8 =	sadd.s32 s11, s8;
	s13 =	smul.u32 $0xCD, s13  }
0xb4: {  	[hbm4b:s8+s2] =	stream.linear.scatter [tilespmem:s14], [sflag:s1], $0x1000, $0x38;
	[tilespmem:$0x12800] =	vst v63  }
0xb5: {  	s8 =	sshrl.u32 s13, $0xC  }
0xb6: {  	s13 =	sor.u32 $0x5, s0;
	s11 =	smul.u32 $0x14, s8  }
0xb7: {  	s14 =	sand.u32 $0xFD, s13  }
0xb8: {  	s14 =	smul.u32 $0xCD, s14;
	s11 =	ssub.s32 s12, s11  }
0xb9: {  	s8 =	sshll.u32 s8, $0x9;
	s11 =	sand.u32 $0xFC, s11  }
0xba: {  	s8 =	sadd.s32 s8, s5;
	s12 =	sshrl.u32 s14, $0xC;
	s11 =	sshll.u32 s11, $0x10  }
0xbb: {  	s14 =	sor.u32 $0x6800, s31;
	s8 =	sadd.s32 s11, s8;
	s11 =	smul.u32 $0x14, s12  }
0xbc: {  	[hbm4b:s8+s2] =	stream.linear.scatter [tilespmem:s14], [sflag:s1], $0x1000, $0x38;
	[tilespmem:$0x12800] =	vst v63  }
0xbd: {  	s11 =	ssub.s32 s13, s11  }
0xbe: {  	s0 =	sor.u32 $0x6, s0;
	s12 =	sshll.u32 s12, $0x9;
	s8 =	sand.u32 $0xFD, s11  }
0xbf: {  	s13 =	sand.u32 $0xFE, s0;
	s11 =	sadd.s32 s12, s5;
	s8 =	sshll.u32 s8, $0x10  }
0xc0: {  	s14 =	sor.u32 $0x7800, s31;
	s12 =	smul.u32 $0xCD, s13;
	s8 =	sadd.s32 s8, s11  }
0xc1: {  	[hbm4b:s8+s2] =	stream.linear.scatter [tilespmem:s14], [sflag:s1], $0x1000, $0x38;
	[tilespmem:$0x12800] =	vst v63  }
0xc2: {  	s8 =	sshrl.u32 s12, $0xC  }
0xc3: {  	s12 =	sshllo.u32 s29, $0x3;
	s11 =	smul.u32 $0x14, s8  }
0xc4: {  	s14 =	sand.u32 $0xFF, s12  }
0xc5: {  	s13 =	smul.u32 $0xCD, s14;
	s0 =	ssub.s32 s0, s11  }
0xc6: {  	s8 =	sshll.u32 s8, $0x9;
	s0 =	sand.u32 $0xFE, s0  }
0xc7: {  	s8 =	sadd.s32 s8, s5;
	s11 =	sshrl.u32 s13, $0xC;
	s0 =	sshll.u32 s0, $0x10  }
0xc8: {  	s13 =	sadd.s32 $0x8800, s31;
	s14 =	smul.u32 $0x14, s11;
	s0 =	sadd.s32 s0, s8  }
0xc9: {  	[hbm4b:s0+s2] =	stream.linear.scatter [tilespmem:s13], [sflag:s1], $0x1000, $0x38;
	[tilespmem:$0x12800] =	vst v63  }
0xca: {  	p0 =	seq.s32 s29, $0x0;
	s13 =	ssub.s32 s12, s14  }
.Ltmp4:
0xcb: {  	s14 =	sshll.u32 s11, $0x9;
	s0 =	sand.u32 $0xFF, s13;
	(pc) =	sbr.rel @p0 .LBB2_5-.Ltmp4, $4  }
0xcc: {  	s8 =	sadd.s32 s14, s5;
	s0 =	sshll.u32 s0, $0x10  }
0xcd: {  	s31 =	sadd.s32 $0x9800, s31;
	s0 =	sadd.s32 s0, s8  }
0xce: {  	[hbm4b:s0+s2] =	stream.linear.scatter [tilespmem:s31], [sflag:s1], $0x1000, $0x38;
	[tilespmem:$0x12800] =	vst v63  }
0xcf: {  	s1 =	simm.s32 $0x1  }
0xd0: {  	p0 =	seq.s32 s29, $0x9  }
.Ltmp5:
0xd1: {  	_ = 	snop;
	(pc) =	sbr.rel @p0 .LBB2_6-.Ltmp5, $1  }
0xd2: {  	_ =	sdelay $0x3  }
0xd3: {  	s1 =	sxor.u32 $0x1, s30  }
0xd4: {  	s0 =	sadd.s32 $0x3, s1  }
0xd5: {  	_ =	swait.ge [sflag:s0], $0x1000  }
0xd6: {  	[sflag:s0] =	ssyncset.done $0x0  }
0xd7: {  	[sflag:s0] =	ssyncadd.s32 $0xFFFFF000  }
0xd8: {  	_ =	swait.ge [sflag:s0], $0x1000  }
0xd9: {  	[sflag:s0] =	ssyncset.done $0x0  }
0xda: {  	[sflag:s0] =	ssyncadd.s32 $0xFFFFF000  }
0xdb: {  	_ =	swait.ge [sflag:s0], $0x1000  }
0xdc: {  	[sflag:s0] =	ssyncset.done $0x0  }
0xdd: {  	[sflag:s0] =	ssyncadd.s32 $0xFFFFF000  }
0xde: {  	_ =	swait.ge [sflag:s0], $0x1000  }
0xdf: {  	[sflag:s0] =	ssyncset.done $0x0  }
0xe0: {  	[sflag:s0] =	ssyncadd.s32 $0xFFFFF000  }
0xe1: {  	_ =	swait.ge [sflag:s0], $0x1000  }
0xe2: {  	[sflag:s0] =	ssyncset.done $0x0  }
0xe3: {  	[sflag:s0] =	ssyncadd.s32 $0xFFFFF000  }
0xe4: {  	_ =	swait.ge [sflag:s0], $0x1000  }
0xe5: {  	[sflag:s0] =	ssyncset.done $0x0  }
0xe6: {  	[sflag:s0] =	ssyncadd.s32 $0xFFFFF000  }
0xe7: {  	_ =	swait.ge [sflag:s0], $0x1000  }
.Ltmp6:
0xe8: {  	[sflag:s0] =	ssyncset.done $0x0;
	(pc) =	sbr.rel .LBB2_5-.Ltmp6, $4  }
0xe9: {  	[sflag:s0] =	ssyncadd.s32 $0xFFFFF000  }
0xea: {  	_ =	swait.ge [sflag:s0], $0x1000  }
0xeb: {  	[sflag:s0] =	ssyncset.done $0x0  }
0xec: {  	[sflag:s0] =	ssyncadd.s32 $0xFFFFF000  }
.LBB2_7:
0xed: {  	_ =	sfence.sel $0x180000  }
0xee: {  	[bflag:$0x0] =	sbarrier.arrive $0xFFFF  }
0xef: {  	_ =	strace $0x90000047  }
0xf0: {  	s0 =	stileid.u32;
	[bflag:$0x2] =	sbarrier.arrive $0xFFFF  }
0xf1: {  	p0 =	sne.s32 s0, $0x0;
	s0 =	rddreg [dreg:$0x2]  }
0xf2: {  	s0 =	sadd.s32 @!p0 $0x100000, s0  }
0xf3: {  	[sflag:s0] =	ssyncadd.tile.s32 @!p0 $0x1;
	_ =	shalt  }
.Lfunc_end2:
_tile_overlayer_lowered:
.L_overlay_start_2:
0xf4: {  	(tag) =	ssettag $0x2  }
0xf5: {  	s0 =	rddreg [dreg:$0x0];
	s2 =	stileid.u32  }
0xf6: {  	s1 =	rddreg [dreg:$0x1];
	p0 =	sne.s32 s2, $0x0  }
0xf7: {  	s3 =	rddreg [dreg:$0x2];
	[bflag:$0x3] =	sbarrier.arrive $0xFFFF;
	s2 =	simm.s32 @!p0 $0x1C05  }
0xf8: {  	[timem:s3], [sflag:s2] =	dma.local @!p0 [hbm:s0], s1  }
0xf9: {  	s0 =	simm.s32 @!p0 $0x5  }
0xfa: {  	_ =	swait.ge @!p0 [sflag:s0], s1  }
0xfb: {  	s1 =	ssub.s32 @!p0 $0x0, s1;
	[sflag:s0] =	ssyncset.done @!p0 $0x0  }
0xfc: {  	[sflag:s0] =	ssyncadd.s32 @!p0 s1  }
0xfd: {  	[bflag:$0x3] =	sbarrier.arrive $0xFFFF  }
0xfe: {  	_ =	shalt  }

// kernel: sparse-core-data-format-call.cloned.1.call-start
scs
called_computation_lowered:
.L_overlay_start_0:
0x0: {  	s2 =	sld [smem:$0x3FD9]  }
0x1: {  	s3 =	sld [smem:$0x3FFE];
	_ =	sdelay $0x1  }
0x2: {  	s1 =	srdreg.scid  }
0x3: {  	s0 =	sand.u32 $0x1, s1  }
0x4: {  	s18 =	sshll.u32 s0, $0xA;
	s2 =	sadd.s32 s3, s2  }
0x5: {  	s2 =	sadd.s32 s2, s18  }
0x6: {  	[smem:$0x3FC6] =	sst s2  }
0x7: {  	_ = 	snop  }
0x8: {  	s2 =	sld [smem:$0x3FD0];
	(tm) =	ssettm $0x1  }
0x9: {  	s19 =	sld [smem:$0x3FFB];
	_ =	sdelay $0x3  }
0xa: {  	_ =	strace s19  }
0xb: {  	s3 =	sld [smem:$0x3FFC];
	_ =	sdelay $0x3  }
0xc: {  	_ =	strace s3  }
0xd: {  	s3 =	sld [smem:$0x3FFD];
	_ =	sdelay $0x3  }
0xe: {  	_ =	strace s3  }
0xf: {  	_ =	strace $0x8FFFFFFF  }
0x10: {  	s20 =	sld [smem:$0x3FDB];
	_ =	sdelay $0x1  }
0x11: {  	s4 =	simm.s32 $_scs_section_size  }
0x12: {  	s5 =	simm.s32 $_size__tile_overlayer_lowered;
	s6 =	simm.s32 $_tile_overlayer_lowered  }
0x13: {  	s23 =	simm.s32 $0x1BFF;
	s22 =	sshll.u32 s6, $0x1;
	s3 =	sadd.s32 s4, s20  }
0x14: {  	s7 =	simm.s32 $0x0;
	s21 =	sshll.u32 s5, $0x1;
	s5 =	sadd.s32 s22, s3  }
0x15: {  	[timem:s7], [sflag:s23] =	dma.local [hbm:s5], s21  }
0x16: {  	_ =	swait.ge [sflag:s23], s21  }
0x17: {  	s4 =	ssub.s32 $0x0, s21;
	[sflag:s23] =	ssyncset.done $0x0  }
0x18: {  	[sflag:s23] =	ssyncadd.s32 s4;
	_ =	sdelay $0x1  }
0x19: {  	s24 =	simm.s32 $0x1B8B  }
0x1a: {  	_ =	swait.ge [sflag:s24], $0x1  }
0x1b: {  	[sflag:s24] =	ssyncset.done $0x0  }
0x1c: {  	s26 =	simm.s32 $0x1B8E;
	s25 =	sld [smem:$0x3FFE];
	[sflag:s24] =	ssyncadd.s32 $0xFFFFFFFF  }
0x1d: {  	s27 =	simm.s32 $execute0_lowered;
	[smem:$0x3FD2] =	sst s26  }
0x1e: {  	s5 =	sshll.u32 s27, $0x1;
	_ =	strace $0x80000049;
	[dreg:$0x1] =	wrdreg $0xFFFFFFFF  }
0x1f: {  	s28 =	simm.s32 $_size_execute0_lowered;
	s3 =	sadd.s32 s3, s5;
	[dreg:$0x0] =	wrdreg $0x0  }
0x20: {  	s5 =	sshll.u32 s28, $0x1;
	[dreg:$0x2] =	wrdreg s3  }
0x21: {  	[dreg:$0x3] =	wrdreg s5  }
0x22: {  	[dreg:$0x4] =	wrdreg $0xC0  }
0x23: {  	_ =	task [dreg:s7], $0x5FFFF  }
0x24: {  	[dreg:$0x1] =	wrdreg $0xFFFFFFFF  }
0x25: {  	[dreg:$0x0] =	wrdreg $0x60  }
0x26: {  	[dreg:$0x2] =	wrdreg s25  }
0x27: {  	[dreg:$0x3] =	wrdreg s2  }
0x28: {  	[dreg:$0x4] =	wrdreg $0x9  }
0x29: {  	_ =	task.clear_ibuf [dreg:s7], $0x5FFFF;
	_ =	strace $0x90000049  }
0x2a: {  	s29 =	simm.s32 $0x9;
	_ =	strace $0x8000004B  }
0x2b: {  	_ =	swait.ge [sflag:s29], $0x1  }
0x2c: {  	[sflag:s29] =	ssyncadd.s32 $0xFFFFFFFF  }
0x2d: {  	_ =	strace $0x9000004B  }
0x2e: {  	_ =	sfence  }
0x2f: {  	s30 =	sld [smem:$0x0];
	_ =	sdelay $0x2  }
0x30: {  	s31 =	sshll.u32 s1, $0xD;
	s1 =	sshrl.u32 s1, $0x2  }
0x31: {  	s3 =	sand.u32 $0x4000, s31;
	s1 =	sadd.s32 s1, s30  }
0x32: {  	s0 =	sor.u32 s3, s0;
	s1 =	sshll.u32 s1, $0x11  }
0x33: {  	s0 =	sor.u32 s1, s0  }
0x34: {  	s0 =	sadd.s32 $0x8F2B, s0  }
0x35: {  	[sflag:s0] =	ssyncadd.remote.s32 $0x1  }
0x36: {  	_ =	sfence.sel $0xFFFF  }
0x37: {  	[dreg:$0x0] =	wrdreg $0xFFFFFFFF;
	(pc) =	sbr.abs _section_cstart, $3  }
0x38: {  	[dreg:$0x1] =	wrdreg $0xFFFFFFFF  }
0x39: {  	_ =	task.clear_ibuf [dreg:s7], $0x2FFFF;
	_ =	strace $0x9FFFFFFF  }
0x3a: {  	(tm) =	ssettm $0x7FFFFFFF  }
0x3b: {  	_ =	shalt  }
tec
execute0_lowered:
.L_overlay_start_1:
0x0: {  	(tag) =	ssettag $0x1  }
0x1: {  	s0 =	srdreg.scid  }
0x2: {  	s1 =	sshll.u32 s0, $0x4  }
0x3: {  	s9 =	rddreg [dreg:$0x0];
	s0 =	stileid.u32;
	s1 =	sand.u32 $0x10, s1  }
0x4: {  	s3 =	rddreg [dreg:$0x1];
	s5 =	simm.s32 $0x1;
	s1 =	sor.u32 s0, s1  }
0x5: {  	s7 =	simm.s32 $0x2;
	s15 =	simm.s32 $0x0;
	s2 =	sshll.u32 s1, $0x7  }
0x6: {  	s11 =	simm.s32 $0x20000;
	s16 =	simm.s32 $0x0;
	s4 =	ssub.s32 $0x4000, s2  }
0x7: {  	s13 =	simm.s32 $0x0;
	s14 =	simm.s32 $0x0;
	s31 =	sand.u32 $0xF80, s4  }
0x8: {  	s8 =	sadd.s32 $0x80A00, s9;
	s1 =	rddreg [dreg:$0x2];
	p0 =	sne.s32 s31, $0x0  }
.Ltmp0:
0x9: {  	s6 =	sshrl.u32 s4, $0xC;
	s5 =	simm.s32 @!p0 $0x0;
	(pc) =	sbr.rel .LBB1_1-.Ltmp0, $4  }
0xa: {  	_ =	strace $0x8000004A;
	s4 =	simm.s32 $0x1;
	s5 =	sadd.s32 s5, s6  }
0xb: {  	s12 =	smov.u32 s2;
	[sflag:s4] =	ssyncpa.u1 $0x0;
	s5 =	smul.u32 $0x5, s5  }
0xc: {  	[sflag:s7] =	ssyncpa.u1 $0x0;
	s7 =	sadd.s32 $0x40A00, s9;
	p0 =	por $0x0, $0x0  }
0xd: {  	s6 =	sadd.s32 $0xA00, s9;
	s9 =	sadd.s32 $0xC0A00, s9;
	s10 =	sadd.s32 $0x1, s5  }
.LBB1_7:
0xe: {  	s17 =	sadd.s32 $0x1000, s12  }
0xf: {  	s15 =	sadd.s32 $0x4, s13;
	s19 =	smov.u32 s13;
	p2 =	sgt.s32 s17, $0x3FFF  }
0x10: {  	s19 =	smov.u32 @p2 s15  }
0x11: {  	s17 =	smov.u32 @p2 s2;
	p2 =	sgt.s32 s19, $0x13  }
0x12: {  	s19 =	simm.s32 @p2 $0x0;
	p2 =	sne.s32 s14, s10  }
.Ltmp1:
0x13: {  	p1 =	slt.u32 s14, $0x2;
	(pc) =	sbr.rel @!p2 .LBB1_8-.Ltmp1, $4  }
0x14: {  	s18 =	simm.s32 @!p1 $0x2  }
0x15: {  	s16 =	smov.u32 s13;
	p0 =	por !p0, !p0;
	_ =	swait.ge @!p1 [sflag:s18], $0x4000  }
0x16: {  	s15 =	smov.u32 s12;
	[sflag:s18] =	ssyncset.done @!p1 $0x0;
	s12 =	smov.u32 s17  }
0x17: {  	s14 =	sadd.s32 $0x1, s14;
	[sflag:s18] =	ssyncadd.s32 @!p1 $0xFFFFC000;
	s13 =	smov.u32 s19  }
.LBB1_1:
0x18: {  	p1 =	sge.u32 s14, s5  }
0x19: {  	s17 =	sxor.u32 @!p1 $0xFFFFFFFF, s14  }
0x1a: {  	s18 =	sshll.u32 @!p1 s13, $0x12;
	s19 =	sshll.u32 @!p1 s12, $0x4;
	s21 =	simm.s32 @!p1 $0x20  }
0x1b: {  	s17 =	sshll.u32 @!p1 s17, $0xE;
	s19 =	sand.u32 @!p1 $0x3FFF0, s19;
	s20 =	sadd.s32 @!p1 s6, s18  }
0x1c: {  	s22 =	simm.s32 @!p1 $0x80;
	s17 =	sand.u32 @!p1 $0x4000, s17;
	s20 =	sadd.s32 @!p1 s19, s20  }
0x1d: {  	[tilespmem:s17], [sflag:$0x1] =	stream.strided.gather @!p1 [hbm4b:s20+s21], $0x1000, s22, s21, $0x38;
	[tilespmem:$0x10100] =	vst v63  }
0x1e: {  	s20 =	sadd.s32 @!p1 s18, s7  }
0x1f: {  	s23 =	sor.u32 @!p1 $0x1000, s17;
	s20 =	sadd.s32 @!p1 s19, s20  }
0x20: {  	[tilespmem:s23], [sflag:$0x1] =	stream.strided.gather @!p1 [hbm4b:s20+s21], $0x1000, s22, s21, $0x38;
	[tilespmem:$0x10100] =	vst v63  }
0x21: {  	s20 =	sadd.s32 @!p1 s18, s8  }
0x22: {  	s23 =	sor.u32 @!p1 $0x2000, s17;
	s18 =	sadd.s32 @!p1 s18, s9;
	s20 =	sadd.s32 @!p1 s19, s20  }
0x23: {  	[tilespmem:s23], [sflag:$0x1] =	stream.strided.gather @!p1 [hbm4b:s20+s21], $0x1000, s22, s21, $0x38;
	[tilespmem:$0x10100] =	vst v63  }
0x24: {  	s31 =	sadd.s32 $0xFFFFFFFF, s14;
	s17 =	sor.u32 @!p1 $0x3000, s17;
	s18 =	sadd.s32 @!p1 s19, s18  }
0x25: {  	[tilespmem:s17], [sflag:$0x1] =	stream.strided.gather @!p1 [hbm4b:s18+s21], $0x1000, s22, s21, $0x38;
	[tilespmem:$0x10100] =	vst v63  }
0x26: {  	p1 =	sge.u32 s31, s5  }
.Ltmp2:
0x27: {  	_ = 	snop;
	(pc) =	sbr.rel @p1 .LBB1_7-.Ltmp2, $1  }
0x28: {  	_ =	sdelay $0x3  }
0x29: {  	s17 =	simm.s32 $0x1;
	s19 =	sand.u32 $0x1, s14  }
0x2a: {  	_ =	swait.ge [sflag:s4], $0x4000;
	s17 =	simm.s32 @!p0 $0x0;
	s20 =	smul.u32 $0x10200, s19  }
0x2b: {  	[sflag:s4] =	ssyncset.done $0x0;
	s18 =	smul.u32 $0x10200, s17  }
0x2c: {  	s17 =	sshll.u32 s17, $0xE;
	[sflag:s4] =	ssyncadd.s32 $0xFFFFC000  }
0x2d: {  	s19 =	sor.u32 $0x10, s17;
	s31 =	sshrl.u32 s20, $0x2;
	s18 =	sshrl.u32 s18, $0x2  }
0x2e: {  	s20 =	simm.s32 $0x0;
	s17 =	sor.u32 $0x8000, s31;
	s18 =	sor.u32 $0x8000, s18  }
.LBB1_3:
0x2f: {  	v1 =	vld [tilespmem:s19+$0x0]  }
0x30: {  	v0 =	vld [tilespmem:s19+$0xFFFFFFF0];
	_ =	sdelay $0x2  }
0x31: {  	s23 =	sadd.s32 $0x0, s18  }
0x32: {  	s21 =	simm.s32 $0x4;
	s22 =	sadd.s32 $0x20, s19;
	[tilespmem:s23+$0x810 ss:$0x81] =	vst.msk $0xffff, v1  }
.LBB1_4:
0x33: {  	v1 =	vld [tilespmem:s22+$0x0];
	p1 =	sne.s32 s21, $0x1FC;
	[tilespmem:s23+$0x0 ss:$0x81] =	vst.msk $0xffff, v0;
	s23 =	smov.u32 s21;
	s21 =	sadd.s32 $0x4, s21  }
.Ltmp3:
0x34: {  	v0 =	vld [tilespmem:s22+$0xFFFFFFF0];
	(pc) =	sbr.rel @p1 .LBB1_4-.Ltmp3, $4  }
0x35: {  	_ = 	snop  }
0x36: {  	s23 =	sshra.s32 s23, $0x2  }
0x37: {  	s23 =	sadd.s32 s23, s18  }
0x38: {  	s22 =	sadd.s32 $0x20, s22;
	[tilespmem:s23+$0x810 ss:$0x81] =	vst.msk $0xffff, v1  }
0x39: {  	s20 =	sadd.s32 $0x1, s20  }
0x3a: {  	p1 =	sne.s32 s20, $0x4  }
.Ltmp4:
0x3b: {  	_ = 	snop;
	(pc) =	sbr.rel @p1 .LBB1_3-.Ltmp4, $2  }
0x3c: {  	_ =	sdelay $0x2  }
0x3d: {  	[tilespmem:s23+$0x0 ss:$0x81] =	vst.msk $0xffff, v0;
	s18 =	sadd.s32 $0x1020, s18;
	s19 =	sadd.s32 $0x1000, s19  }
0x3e: {  	s18 =	sshll.u32 s15, $0x3;
	s19 =	sand.u32 $0x78, s15;
	s16 =	sshll.u32 s16, $0x10  }
.Ltmp5:
0x3f: {  	s30 =	sand.u32 $0xF800, s15;
	s18 =	sand.u32 $0x3C00, s18;
	(pc) =	sbr.rel .LBB1_7-.Ltmp5, $4  }
0x40: {  	s31 =	sand.u32 $0x7, s15;
	s16 =	sadd.s32 s3, s16;
	s18 =	sor.u32 s19, s18  }
0x41: {  	s15 =	sshll.u32 s31, $0x12;
	s16 =	sadd.s32 s30, s16;
	s18 =	sshrl.u32 s18, $0x3  }
0x42: {  	s15 =	sor.u32 $0x400, s15;
	s16 =	sadd.s32 s18, s16  }
0x43: {  	[hbm4b:s16+s15] =	stream.strided.scatter [tilespmem:s17], [sflag:$0x2], $0x4000, s11, s15, $0x20;
	[tilespmem:$0x10100] =	vst v63  }
.LBB1_8:
0x44: {  	_ =	sfence.sel $0x180000  }
0x45: {  	s2 =	simm.s32 $0x1;
	[bflag:$0x0] =	sbarrier.arrive $0xFFFF  }
0x46: {  	s31 =	simm.s32 $0x2;
	[sflag:s2] =	ssyncpa.u1 $0x1  }
0x47: {  	[sflag:s31] =	ssyncpa.u1 $0x1  }
0x48: {  	p0 =	sne.s32 s0, $0x0;
	_ =	strace $0x9000004A  }
0x49: {  	s0 =	sadd.s32 @!p0 $0x100000, s1;
	[bflag:$0x2] =	sbarrier.arrive $0xFFFF  }
0x4a: {  	[sflag:s0] =	ssyncadd.tile.s32 @!p0 $0x1;
	_ =	shalt  }
.Lfunc_end1:
_tile_overlayer_lowered:
.L_overlay_start_2:
0x4b: {  	(tag) =	ssettag $0x2  }
0x4c: {  	s0 =	rddreg [dreg:$0x0];
	s2 =	stileid.u32  }
0x4d: {  	s1 =	rddreg [dreg:$0x1];
	p0 =	sne.s32 s2, $0x0  }
0x4e: {  	s3 =	rddreg [dreg:$0x2];
	[bflag:$0x3] =	sbarrier.arrive $0xFFFF;
	s2 =	simm.s32 @!p0 $0x1C01  }
0x4f: {  	[timem:s3], [sflag:s2] =	dma.local @!p0 [hbm:s0], s1  }
0x50: {  	s0 =	simm.s32 @!p0 $0x1  }
0x51: {  	_ =	swait.ge @!p0 [sflag:s0], s1  }
0x52: {  	s1 =	ssub.s32 @!p0 $0x0, s1;
	[sflag:s0] =	ssyncset.done @!p0 $0x0  }
0x53: {  	[sflag:s0] =	ssyncadd.s32 @!p0 s1  }
0x54: {  	[bflag:$0x3] =	sbarrier.arrive $0xFFFF  }
0x55: {  	_ =	shalt  }

</sc_bundles>
